<compile_context>
chip_gen: v7x
topology: tpu7x:2x2x1
jax: 0.10.2.dev20260603
libtpu: 0.0.44.dev20260713+nightly
codegen_flags: <defaults>
</compile_context>

<pallas_src>
import functools

import jax
import jax.numpy as jnp
from jax import lax
from jax.experimental import pallas as pl
from jax.experimental.pallas import tpu as pltpu
from jax.experimental.pallas import tpu_sc as plsc

N = 10000
E = 160000
D = 256
H = 256
G4 = 4 * H

def _sc_mesh():
    return plsc.VectorSubcoreMesh(core_axis_name="c", subcore_axis_name="s")
_NSC = 2
_NTILE = 16
_HALF = N // _NSC


_DR = 48
_EPW = E // (_NSC * _NTILE)
_DCH = 1000


def _deg_body(ei_hbm, out_hbm, idx_v, cnt_v, cnt2d_v, iota_v, shared):
    cid = lax.axis_index("c")
    sid = lax.axis_index("s")
    w = sid * _NSC + cid
    zeros16 = jnp.zeros((16,), jnp.float32)

    def zvec(k, carry):
        cnt_v[pl.ds(16 * k, 16)] = zeros16
        cnt2d_v[k >> 4, pl.ds(16 * (k & 15), 16)] = zeros16
        return carry

    lax.fori_loop(0, _DR * 16, zvec, 0)

    @pl.when(sid == 0)
    def _zero_shared():
        pltpu.sync_copy(cnt2d_v, shared)

    for j in range(_DR // 16):
        iota_v[pl.ds(16 * j, 16)] = lax.iota(jnp.int32, 16) + 16 * j
    plsc.subcore_barrier()

    ones = jnp.full((16,), 1.0, jnp.float32)
    tail_mask = lax.iota(jnp.int32, 16) < (_DCH % 16 or 16)
    base = w * _EPW

    def chunk(c, carry):
        pltpu.sync_copy(ei_hbm.at[1, pl.ds(base + c * _DCH, _DCH)],
                        idx_v.at[pl.ds(0, _DCH)])

        def vec(j, carry2):
            d = idx_v[pl.ds(16 * j, 16)]
            plsc.addupdate_scatter(cnt_v, [d], ones)
            return carry2

        lax.fori_loop(0, _DCH // 16, vec, 0)
        d = idx_v[pl.ds((_DCH // 16) * 16, 16)]
        plsc.addupdate_scatter(cnt_v, [d], ones, mask=tail_mask)
        return carry

    lax.fori_loop(0, _EPW // _DCH, chunk, 0)

    def pack(k, carry):
        r = k >> 4
        j = k & 15
        cnt2d_v[r, pl.ds(16 * j, 16)] = cnt_v[pl.ds(16 * k, 16)]
        return carry

    lax.fori_loop(0, _DR * 16, pack, 0)
    pltpu.sync_copy(cnt2d_v, shared.at[iota_v], add=True)
    plsc.subcore_barrier()

    @pl.when(sid == 0)
    def _out():
        pltpu.sync_copy(shared, out_hbm.at[cid])


def _compute_deg(edge_index):
    f = pl.kernel(
        _deg_body,
        out_type=jax.ShapeDtypeStruct((_NSC, _DR, 256), jnp.float32),
        mesh=_sc_mesh(),
        compiler_params=pltpu.CompilerParams(use_tc_tiling_on_sc=False, needs_layout_passes=False),
        scratch_types=[
            pltpu.VMEM((_DCH + 8, ), jnp.int32),
            pltpu.VMEM((_DR * 256,), jnp.float32),
            pltpu.VMEM((_DR, 256), jnp.float32),
            pltpu.VMEM((_DR,), jnp.int32),
            pltpu.VMEM_SHARED((_DR, 256), jnp.float32),
        ],
    )
    return f(edge_index)


_ACC_ROWS = _HALF + 8
_MCH = 80
_EPT = E // _NTILE
_ORC = 320


def _msg_body(y_hbm, ei_hbm, out_hbm,
              srcv0, dstv0, dlocv0, rows0, srcv1, dstv1, dlocv1, rows1,
              shared, isem0, gsem0, isem1, gsem1):
    cid = lax.axis_index("c")
    sid = lax.axis_index("s")
    lo = cid * _HALF
    nz = _HALF - 15 * _ORC
    zeros16 = jnp.zeros((16,), jnp.float32)

    def zvec(k, carry):
        rows0[k >> 4, pl.ds(16 * (k & 15), 16)] = zeros16
        return carry

    lax.fori_loop(0, _MCH * 16, zvec, 0)

    @pl.when(sid < 15)
    def _z0():
        for q in range(_ORC // _MCH):
            pltpu.sync_copy(rows0, shared.at[pl.ds(sid * _ORC + q * _MCH, _MCH)])

    @pl.when(sid == 15)
    def _z1():
        for q in range(nz // _MCH):
            pltpu.sync_copy(rows0, shared.at[pl.ds(15 * _ORC + q * _MCH, _MCH)])
        rem = nz % _MCH
        if rem:
            pltpu.sync_copy(rows0.at[pl.ds(0, rem)],
                            shared.at[pl.ds(15 * _ORC + nz - rem, rem)])

    plsc.subcore_barrier()
    base = sid * _EPT
    bufs = ((srcv0, dstv0, dlocv0, rows0, isem0, gsem0),
            (srcv1, dstv1, dlocv1, rows1, isem1, gsem1))
    nch = _EPT // _MCH

    def issue_idx(c, b):
        srcv, dstv, _, _, isem, _ = bufs[b]
        off = base + c * _MCH
        pltpu.async_copy(ei_hbm.at[0, pl.ds(off, _MCH)], srcv, isem)
        pltpu.async_copy(ei_hbm.at[1, pl.ds(off, _MCH)], dstv, isem)

    def wait_idx(b):
        srcv, dstv, _, _, isem, _ = bufs[b]
        pltpu.make_async_copy(ei_hbm.at[0, pl.ds(0, _MCH)], srcv, isem).wait()
        pltpu.make_async_copy(ei_hbm.at[1, pl.ds(0, _MCH)], dstv, isem).wait()

    def issue_gather(b):
        srcv, _, _, rows, _, gsem = bufs[b]
        pltpu.async_copy(y_hbm.at[srcv], rows, gsem)

    def wait_gather(b):
        srcv, _, _, rows, _, gsem = bufs[b]
        pltpu.make_async_copy(y_hbm.at[srcv], rows, gsem).wait()

    def remap(b):
        _, dstv, dlocv, _, _, _ = bufs[b]
        for j in range(_MCH // 16):
            d = dstv[pl.ds(16 * j, 16)]
            inb = (d >= lo) & (d < lo + _HALF)
            dlocv[pl.ds(16 * j, 16)] = jnp.where(inb, d - lo, _HALF)

    def scatter(b):
        _, _, dlocv, rows, _, _ = bufs[b]
        pltpu.sync_copy(rows, shared.at[dlocv], add=True)

    issue_idx(0, 0)
    wait_idx(0)
    issue_gather(0)
    issue_idx(1, 1)

    def pair(g, carry):
        c0 = 2 * g
        wait_idx(1)
        issue_gather(1)
        remap(0)
        wait_gather(0)
        issue_idx(c0 + 2, 0)
        scatter(0)
        remap(1)
        wait_gather(1)
        wait_idx(0)
        issue_gather(0)

        @pl.when(g < (nch - 1) // 2 - 1)
        def _pf():
            issue_idx(c0 + 3, 1)

        scatter(1)
        return carry

    lax.fori_loop(0, (nch - 1) // 2, pair, 0)
    remap(0)
    wait_gather(0)
    scatter(0)
    plsc.subcore_barrier()

    @pl.when(sid < 15)
    def _o0():
        pltpu.sync_copy(shared.at[pl.ds(sid * _ORC, _ORC)],
                        out_hbm.at[pl.ds(lo + sid * _ORC, _ORC)])

    @pl.when(sid == 15)
    def _o1():
        pltpu.sync_copy(shared.at[pl.ds(15 * _ORC, nz)],
                        out_hbm.at[pl.ds(lo + 15 * _ORC, nz)])


def _compute_accum(y, edge_index):
    f = pl.kernel(
        _msg_body,
        out_type=jax.ShapeDtypeStruct((N, H), jnp.float32),
        mesh=_sc_mesh(),
        compiler_params=pltpu.CompilerParams(use_tc_tiling_on_sc=False, needs_layout_passes=False),
        scratch_types=[
            pltpu.VMEM((_MCH,), jnp.int32),
            pltpu.VMEM((_MCH,), jnp.int32),
            pltpu.VMEM((_MCH,), jnp.int32),
            pltpu.VMEM((_MCH, H), jnp.float32),
            pltpu.VMEM((_MCH,), jnp.int32),
            pltpu.VMEM((_MCH,), jnp.int32),
            pltpu.VMEM((_MCH,), jnp.int32),
            pltpu.VMEM((_MCH, H), jnp.float32),
            pltpu.VMEM_SHARED((_ACC_ROWS, H), jnp.float32),
            pltpu.SemaphoreType.DMA,
            pltpu.SemaphoreType.DMA,
            pltpu.SemaphoreType.DMA,
            pltpu.SemaphoreType.DMA,
        ],
    )
    return f(y, edge_index)


def _y_body(x_ref, wg_ref, deg0_ref, deg1_ref, y_ref, dinv_ref):
    deg = deg0_ref[...] + deg1_ref[...] + 1.0
    dinv = lax.rsqrt(deg)
    xw = jnp.dot(x_ref[...], wg_ref[...], preferred_element_type=jnp.float32)
    y_ref[...] = xw * dinv
    dinv_ref[...] = dinv


def _compute_y(x, wg, deg0, deg1):
    BR = 1000
    grid = (N // BR,)
    return pl.pallas_call(
        _y_body,
        grid=grid,
        in_specs=[
            pl.BlockSpec((BR, D), lambda i: (i, 0)),
            pl.BlockSpec((D, H), lambda i: (0, 0)),
            pl.BlockSpec((BR, 1), lambda i: (i, 0)),
            pl.BlockSpec((BR, 1), lambda i: (i, 0)),
        ],
        out_specs=[
            pl.BlockSpec((BR, H), lambda i: (i, 0)),
            pl.BlockSpec((BR, 1), lambda i: (i, 0)),
        ],
        out_shape=[
            jax.ShapeDtypeStruct((N, H), jnp.float32),
            jax.ShapeDtypeStruct((N, 1), jnp.float32),
        ],
    )(x, wg, deg0, deg1)


def _gx_body(acc_ref, y_ref, dinv_ref, bg_ref, wt_ref, bias_ref, gx_ref):
    xg = dinv_ref[...] * (acc_ref[...] + y_ref[...]) + bg_ref[...]
    gx_ref[...] = (
        jnp.dot(xg, wt_ref[...], preferred_element_type=jnp.float32) + bias_ref[...]
    )


def _compute_gx(accum, y, dinv, b_gcn, w_ihT, bias):
    BR = 1000
    grid = (N // BR,)
    return pl.pallas_call(
        _gx_body,
        grid=grid,
        in_specs=[
            pl.BlockSpec((BR, H), lambda i: (i, 0)),
            pl.BlockSpec((BR, H), lambda i: (i, 0)),
            pl.BlockSpec((BR, 1), lambda i: (i, 0)),
            pl.BlockSpec((1, H), lambda i: (0, 0)),
            pl.BlockSpec((H, G4), lambda i: (0, 0)),
            pl.BlockSpec((1, G4), lambda i: (0, 0)),
        ],
        out_specs=pl.BlockSpec((BR, G4), lambda i: (i, 0)),
        out_shape=jax.ShapeDtypeStruct((N, G4), jnp.float32),
    )(accum, y, dinv, b_gcn, w_ihT, bias)


def _lstm_body(gx_ref, whhT_ref, h0_ref, c0_ref, out_ref, cn_ref, h_s, c_s, *, t_blk):
    @pl.when(pl.program_id(0) == 0)
    def _init():
        h_s[...] = h0_ref[...]
        c_s[...] = c0_ref[...]

    def step(t, carry):
        h, c = carry
        hb = h.astype(jnp.bfloat16)
        g = (
            jnp.dot(hb, whhT_ref[...], preferred_element_type=jnp.float32)
            + gx_ref[pl.ds(t, 1), :]
        )
        c_new = (jax.nn.sigmoid(g[:, H:2 * H]) * c
                 + jax.nn.sigmoid(g[:, 0:H]) * jnp.tanh(g[:, 2 * H:3 * H]))
        h_new = jax.nn.sigmoid(g[:, 3 * H:4 * H]) * jnp.tanh(c_new)
        out_ref[pl.ds(t, 1), :] = h_new
        return (h_new, c_new)

    h, c = lax.fori_loop(0, t_blk, step, (h_s[...], c_s[...]), unroll=16)
    h_s[...] = h
    c_s[...] = c
    cn_ref[...] = c


def _run_lstm(gx, w_hhT, h0, c0):
    w_hi = w_hhT.astype(jnp.bfloat16)
    T_BLK = 1000
    grid = (N // T_BLK,)
    return pl.pallas_call(
        functools.partial(_lstm_body, t_blk=T_BLK),
        grid=grid,
        in_specs=[
            pl.BlockSpec((T_BLK, G4), lambda i: (i, 0)),
            pl.BlockSpec((H, G4), lambda i: (0, 0)),
            pl.BlockSpec((1, H), lambda i: (0, 0)),
            pl.BlockSpec((1, H), lambda i: (0, 0)),
        ],
        out_specs=[
            pl.BlockSpec((T_BLK, H), lambda i: (i, 0)),
            pl.BlockSpec((1, H), lambda i: (0, 0)),
        ],
        out_shape=[
            jax.ShapeDtypeStruct((N, H), jnp.float32),
            jax.ShapeDtypeStruct((1, H), jnp.float32),
        ],
        scratch_shapes=[
            pltpu.VMEM((1, H), jnp.float32),
            pltpu.VMEM((1, H), jnp.float32),
        ],
    )(gx, w_hi, h0, c0)


def kernel(basic_block, edge_index, h0, c0, W_gcn, b_gcn, W_ih, W_hh, b_ih, b_hh):
    degp = _compute_deg(edge_index)
    degp = degp.reshape(_NSC, _DR * 256)
    deg0 = degp[0, :N].reshape(N, 1)
    deg1 = degp[1, :N].reshape(N, 1)

    y, dinv = _compute_y(basic_block, W_gcn, deg0, deg1)

    accum = _compute_accum(y, edge_index)

    bias = (b_ih + b_hh).reshape(1, G4)
    gx = _compute_gx(accum, y, dinv, b_gcn.reshape(1, H), W_ih.T, bias)

    outs, c_n = _run_lstm(gx, W_hh.T, h0[0], c0[0])
    output = outs[:, None, :]
    h_n = outs[N - 1 :][None]
    c_n = c_n[None]
    return output, h_n, c_n

# --- scband reference (transcript-rebuilt; emitter-appended) ---
"""Pipeline reference for scband-encoder-6983616824487 (READ-ONLY COPY).

The authoritative reference and input builder live on the scoring server;
editing this copy changes nothing except your own understanding.
"""

import jax, jax.numpy as jnp
import numpy as np

N = 10000
E = 160000
D_IN = 256
H = 256


def setup_inputs(seed: int = 0) -> dict:
    key = jax.random.key(seed)
    ks = jax.random.split(key, 8)
    basic_block = jax.random.normal(ks[0], (N, D_IN), dtype=jnp.float32)
    edge_index = jax.random.randint(ks[1], (2, E), 0, N, dtype=jnp.int32)
    h0 = jnp.zeros((1, 1, H), dtype=jnp.float32)
    c0 = jnp.zeros((1, 1, H), dtype=jnp.float32)
    s_in = 1.0 / np.sqrt(D_IN)
    s_h = 1.0 / np.sqrt(H)
    W_gcn = jax.random.uniform(ks[2], (D_IN, H), jnp.float32, -s_in, s_in)
    b_gcn = jnp.zeros((H,), dtype=jnp.float32)
    W_ih = jax.random.uniform(ks[3], (4 * H, H), jnp.float32, -s_h, s_h)
    W_hh = jax.random.uniform(ks[4], (4 * H, H), jnp.float32, -s_h, s_h)
    b_ih = jax.random.uniform(ks[5], (4 * H,), jnp.float32, -s_h, s_h)
    b_hh = jax.random.uniform(ks[6], (4 * H,), jnp.float32, -s_h, s_h)
    return {"basic_block": basic_block, "edge_index": edge_index, "h0": h0, "c0": c0,
            "W_gcn": W_gcn, "b_gcn": b_gcn, "W_ih": W_ih, "W_hh": W_hh,
            "b_ih": b_ih, "b_hh": b_hh}


def reference(basic_block, edge_index, h0, c0, W_gcn, b_gcn, W_ih, W_hh, b_ih, b_hh):
    n = basic_block.shape[0]
    src = edge_index[0]
    dst = edge_index[1]
    loop = jnp.arange(n, dtype=src.dtype)
    src = jnp.concatenate([src, loop])
    dst = jnp.concatenate([dst, loop])
    # GCNConv: symmetric normalization with self loops
    deg = jax.ops.segment_sum(jnp.ones_like(dst, dtype=jnp.float32), dst, num_segments=n)
    dinv = jax.lax.rsqrt(jnp.maximum(deg, 1e-12))
    norm = dinv[src] * dinv[dst]
    xw = basic_block @ W_gcn
    msg = xw[src] * norm[:, None]
    x = jax.ops.segment_sum(msg, dst, num_segments=n) + b_gcn
    # x.unsqueeze(1) -> seq_len = n, batch = 1; LSTM over nodes
    def step(carry, x_t):
        h, c = carry
        gates = x_t @ W_ih.T + h @ W_hh.T + b_ih + b_hh
        i, f, g, o = jnp.split(gates, 4)
        i = jax.nn.sigmoid(i)
        f = jax.nn.sigmoid(f)
        g = jnp.tanh(g)
        o = jax.nn.sigmoid(o)
        c_new = f * c + i * g
        h_new = o * jnp.tanh(c_new)
        return (h_new, c_new), h_new
    (h_n, c_n), outs = jax.lax.scan(step, (h0[0, 0], c0[0, 0]), x)
    output = outs[:, None, :]
    return output, h_n[None, None, :], c_n[None, None, :]

if __name__ == "__main__":
    import jax
    _d = setup_inputs()
    print(jax.jit(kernel)(*tuple(_d.values())))

</pallas_src>

<mosaic_0001>
#map = affine_map<(d0, d1) -> (0, 0)>
#map1 = affine_map<(d0, d1) -> (0, 0, 0)>
module attributes {stable_mosaic.version = 14 : i64} {
  func.func @_deg_body(%arg0: i32, %arg1: i32, %arg2: memref<2x160000xi32, #tpu.memory_space<hbm>>, %arg3: memref<2x48x256xf32, #tpu.memory_space<hbm>>, %arg4: memref<1008xi32, #tpu.memory_space<vmem>>, %arg5: memref<12288xf32, #tpu.memory_space<vmem>>, %arg6: memref<48x256xf32, #tpu.memory_space<vmem>>, %arg7: memref<48xi32, #tpu.memory_space<vmem>>, %arg8: memref<48x256xf32, #tpu.memory_space<vmem_shared>>) attributes {dimension_semantics = [#tpu.dimension_semantics<core_parallel>, #tpu.dimension_semantics<subcore_parallel>], iteration_bounds = array<i64: 2, 16>, scalar_prefetch = 0 : i64, scratch_operands = 5 : i64, tpu.core_type = #tpu.core_type<sc_vector_subcore>, window_params = [{transform_indices = #map}, {transform_indices = #map1}]} {
    %mul3A = arith.constant 2 : i32
    %mul3A_0 = arith.muli %arg1, %mul3A : i32
    %add3A = arith.addi %mul3A_0, %arg0 : i32
    %broadcast_in_dim3A = arith.constant 0.000000e+00 : f32
    %broadcast_in_dim3A_1 = vector.broadcast %broadcast_in_dim3A : f32 to vector<16xf32>
    %scan3A = arith.constant 0 : i32
    %scan3A_2 = arith.constant 0 : i32
    %scan3A_3 = arith.constant 768 : i32
    %scan3A_4 = arith.addi %scan3A_2, %scan3A_3 : i32
    %scan3A_5 = arith.constant 1 : i32
    scf.for %scan3A_50 = %scan3A_2 to %scan3A_4 step %scan3A_5  : i32 {
      %mul3A_51 = arith.constant 16 : i32
      %mul3A_52 = arith.muli %mul3A_51, %scan3A_50 : i32
      %swap3A_53 = arith.index_cast %mul3A_52 : i32 to index
      %swap3A_54 = tpu.vector_load %arg5[%swap3A_53] {strides = array<i32>} : memref<12288xf32, #tpu.memory_space<vmem>>, vector<16xf32>,
      tpu.vector_store %arg5[%swap3A_53], %broadcast_in_dim3A_1 {strides = array<i32>} : memref<12288xf32, #tpu.memory_space<vmem>>, vector<16xf32>,
      %shift_right_arithmetic3A = arith.constant 4 : i32
      %shift_right_arithmetic3A_55 = arith.shrsi %scan3A_50, %shift_right_arithmetic3A : i32
      %and3A = arith.constant 15 : i32
      %and3A_56 = arith.andi %scan3A_50, %and3A : i32
      %mul3A_57 = arith.constant 16 : i32
      %mul3A_58 = arith.muli %mul3A_57, %and3A_56 : i32
      %swap3A_59 = arith.index_cast %shift_right_arithmetic3A_55 : i32 to index
      %swap3A_60 = arith.index_cast %mul3A_58 : i32 to index
      %swap3A_61 = tpu.vector_load %arg6[%swap3A_59, %swap3A_60] {strides = array<i32>} : memref<48x256xf32, #tpu.memory_space<vmem>>, vector<16xf32>,
      tpu.vector_store %arg6[%swap3A_59, %swap3A_60], %broadcast_in_dim3A_1 {strides = array<i32>} : memref<48x256xf32, #tpu.memory_space<vmem>>, vector<16xf32>,
    }
    %scan3A_6 = arith.constant 768 : i32
    %eq3A = arith.constant 0 : i32
    %eq3A_7 = arith.cmpi eq, %arg1, %eq3A : i32
    %convert_element_type3A = arith.extui %eq3A_7 : i1 to i32
    %cond3A = arith.constant 0 : i32
    %cond3A_8 = arith.cmpi ne, %convert_element_type3A, %cond3A : i32
    scf.if %cond3A_8 {
      "tpu.region"() ({
        %run_scoped3A = tpu.sem_alloc : memref<!tpu.dma_semaphore, #tpu.memory_space<semaphore_mem>>
        tpu.enqueue_dma source(%arg6 : memref<48x256xf32, #tpu.memory_space<vmem>>) target(%arg8 : memref<48x256xf32, #tpu.memory_space<vmem_shared>>) target_semaphore(%run_scoped3A : memref<!tpu.dma_semaphore, #tpu.memory_space<semaphore_mem>>)
        tpu.wait_dma2 semaphore(%run_scoped3A : memref<!tpu.dma_semaphore, #tpu.memory_space<semaphore_mem>>) src(%arg6 : memref<48x256xf32, #tpu.memory_space<vmem>>) dst(%arg8 : memref<48x256xf32, #tpu.memory_space<vmem_shared>>)
        tpu.yield
      }) : () -> ()
    } else {
    }
    %iota3A = tpu.iota {dimensions = array<i32: 0>} : vector<16xi32>
    %add3A_9 = arith.constant 0 : i32
    %add3A_10 = vector.broadcast %add3A_9 : i32 to vector<16xi32>
    %add3A_11 = arith.addi %iota3A, %add3A_10 : vector<16xi32>
    %swap3A = arith.constant 0 : index
    %swap3A_12 = tpu.vector_load %arg7[%swap3A] {strides = array<i32>} : memref<48xi32, #tpu.memory_space<vmem>>, vector<16xi32>,
    tpu.vector_store %arg7[%swap3A], %add3A_11 {strides = array<i32>} : memref<48xi32, #tpu.memory_space<vmem>>, vector<16xi32>,
    %iota3A_13 = tpu.iota {dimensions = array<i32: 0>} : vector<16xi32>
    %add3A_14 = arith.constant 16 : i32
    %add3A_15 = vector.broadcast %add3A_14 : i32 to vector<16xi32>
    %add3A_16 = arith.addi %iota3A_13, %add3A_15 : vector<16xi32>
    %swap3A_17 = arith.constant 16 : index
    %swap3A_18 = tpu.vector_load %arg7[%swap3A_17] {strides = array<i32>} : memref<48xi32, #tpu.memory_space<vmem>>, vector<16xi32>,
    tpu.vector_store %arg7[%swap3A_17], %add3A_16 {strides = array<i32>} : memref<48xi32, #tpu.memory_space<vmem>>, vector<16xi32>,
    %iota3A_19 = tpu.iota {dimensions = array<i32: 0>} : vector<16xi32>
    %add3A_20 = arith.constant 32 : i32
    %add3A_21 = vector.broadcast %add3A_20 : i32 to vector<16xi32>
    %add3A_22 = arith.addi %iota3A_19, %add3A_21 : vector<16xi32>
    %swap3A_23 = arith.constant 32 : index
    %swap3A_24 = tpu.vector_load %arg7[%swap3A_23] {strides = array<i32>} : memref<48xi32, #tpu.memory_space<vmem>>, vector<16xi32>,
    tpu.vector_store %arg7[%swap3A_23], %add3A_22 {strides = array<i32>} : memref<48xi32, #tpu.memory_space<vmem>>, vector<16xi32>,
    %barrier3A = arith.constant 0 : index
    tpu.barrier barrier_id(%barrier3A)
    %broadcast_in_dim3A_25 = arith.constant 1.000000e+00 : f32
    %broadcast_in_dim3A_26 = vector.broadcast %broadcast_in_dim3A_25 : f32 to vector<16xf32>
    %iota3A_27 = tpu.iota {dimensions = array<i32: 0>} : vector<16xi32>
    %lt3A = arith.constant 8 : i32
    %lt3A_28 = vector.broadcast %lt3A : i32 to vector<16xi32>
    %lt3A_29 = arith.cmpi slt, %iota3A_27, %lt3A_28 : vector<16xi32>
    %mul3A_30 = arith.constant 5000 : i32
    %mul3A_31 = arith.muli %add3A, %mul3A_30 : i32
    %scan3A_32 = arith.constant 0 : i32
    %scan3A_33 = arith.constant 0 : i32
    %scan3A_34 = arith.constant 5 : i32
    %scan3A_35 = arith.addi %scan3A_33, %scan3A_34 : i32
    %scan3A_36 = arith.constant 1 : i32
    scf.for %scan3A_50 = %scan3A_33 to %scan3A_35 step %scan3A_36  : i32 {
      %mul3A_51 = arith.constant 1000 : i32
      %mul3A_52 = arith.muli %scan3A_50, %mul3A_51 : i32
      %add3A_53 = arith.addi %mul3A_31, %mul3A_52 : i32
      %run_scoped3A = arith.constant 1 : i32
      "tpu.region"() ({
        %run_scoped3A_61 = tpu.sem_alloc : memref<!tpu.dma_semaphore, #tpu.memory_space<semaphore_mem>>
        %dma_start3A = arith.constant 0 : i32
        %dma_start3A_62 = tpu.memref_slice %arg4[%dma_start3A] : memref<1008xi32, #tpu.memory_space<vmem>> -> memref<1000xi32, #tpu.memory_space<vmem>>
        %dma_start3A_63 = tpu.memref_slice %arg2[%run_scoped3A, %add3A_53] : memref<2x160000xi32, #tpu.memory_space<hbm>> -> memref<1x1000xi32, #tpu.memory_space<hbm>>
        %dma_start3A_64 = tpu.memref_squeeze %dma_start3A_63 : memref<1x1000xi32, #tpu.memory_space<hbm>> -> memref<1000xi32, #tpu.memory_space<hbm>>
        %dma_start3A_65 = arith.constant 0 : i32
        %dma_start3A_66 = tpu.memref_slice %arg4[%dma_start3A_65] : memref<1008xi32, #tpu.memory_space<vmem>> -> memref<1000xi32, #tpu.memory_space<vmem>>
        %dma_start3A_67 = tpu.memref_slice %arg2[%run_scoped3A, %add3A_53] : memref<2x160000xi32, #tpu.memory_space<hbm>> -> memref<1x1000xi32, #tpu.memory_space<hbm>>
        %dma_start3A_68 = tpu.memref_squeeze %dma_start3A_67 : memref<1x1000xi32, #tpu.memory_space<hbm>> -> memref<1000xi32, #tpu.memory_space<hbm>>
        tpu.enqueue_dma source(%dma_start3A_68 : memref<1000xi32, #tpu.memory_space<hbm>>) target(%dma_start3A_66 : memref<1000xi32, #tpu.memory_space<vmem>>) target_semaphore(%run_scoped3A_61 : memref<!tpu.dma_semaphore, #tpu.memory_space<semaphore_mem>>)
        %dma_wait3A = arith.constant 0 : i32
        %dma_wait3A_69 = tpu.memref_slice %arg4[%dma_wait3A] : memref<1008xi32, #tpu.memory_space<vmem>> -> memref<1000xi32, #tpu.memory_space<vmem>>
        %dma_wait3A_70 = tpu.memref_slice %arg2[%run_scoped3A, %add3A_53] : memref<2x160000xi32, #tpu.memory_space<hbm>> -> memref<1x1000xi32, #tpu.memory_space<hbm>>
        %dma_wait3A_71 = tpu.memref_squeeze %dma_wait3A_70 : memref<1x1000xi32, #tpu.memory_space<hbm>> -> memref<1000xi32, #tpu.memory_space<hbm>>
        %dma_wait3A_72 = arith.constant 0 : i32
        %dma_wait3A_73 = tpu.memref_slice %arg4[%dma_wait3A_72] : memref<1008xi32, #tpu.memory_space<vmem>> -> memref<1000xi32, #tpu.memory_space<vmem>>
        %dma_wait3A_74 = tpu.memref_slice %arg2[%run_scoped3A, %add3A_53] : memref<2x160000xi32, #tpu.memory_space<hbm>> -> memref<1x1000xi32, #tpu.memory_space<hbm>>
        %dma_wait3A_75 = tpu.memref_squeeze %dma_wait3A_74 : memref<1x1000xi32, #tpu.memory_space<hbm>> -> memref<1000xi32, #tpu.memory_space<hbm>>
        tpu.wait_dma2 semaphore(%run_scoped3A_61 : memref<!tpu.dma_semaphore, #tpu.memory_space<semaphore_mem>>) src(%dma_wait3A_75 : memref<1000xi32, #tpu.memory_space<hbm>>) dst(%dma_wait3A_73 : memref<1000xi32, #tpu.memory_space<vmem>>)
        tpu.yield
      }) : () -> ()
      %scan3A_54 = arith.constant 0 : i32
      %scan3A_55 = arith.constant 0 : i32
      %scan3A_56 = arith.constant 62 : i32
      %scan3A_57 = arith.addi %scan3A_55, %scan3A_56 : i32
      %scan3A_58 = arith.constant 1 : i32
      scf.for %scan3A_61 = %scan3A_55 to %scan3A_57 step %scan3A_58  : i32 {
        %mul3A_62 = arith.constant 16 : i32
        %mul3A_63 = arith.muli %mul3A_62, %scan3A_61 : i32
        %get3A_64 = arith.index_cast %mul3A_63 : i32 to index
        %get3A_65 = tpu.vector_load %arg4[%get3A_64] {strides = array<i32>} : memref<1008xi32, #tpu.memory_space<vmem>>, vector<16xi32>,
        tpu.vector_store_idx %arg5[%get3A_65], %broadcast_in_dim3A_26 {add = true} : memref<12288xf32, #tpu.memory_space<vmem>>[vector<16xi32>], vector<16xf32>,
      }
      %scan3A_59 = arith.constant 62 : i32
      %get3A = arith.constant 992 : index
      %get3A_60 = tpu.vector_load %arg4[%get3A] {strides = array<i32>} : memref<1008xi32, #tpu.memory_space<vmem>>, vector<16xi32>,
      tpu.vector_store_idx %arg5[%get3A_60], %broadcast_in_dim3A_26 masked %lt3A_29 {add = true} : memref<12288xf32, #tpu.memory_space<vmem>>[vector<16xi32>], vector<16xf32>, vector<16xi1>
    }
    %scan3A_37 = arith.constant 5 : i32
    %scan3A_38 = arith.constant 0 : i32
    %scan3A_39 = arith.constant 0 : i32
    %scan3A_40 = arith.constant 768 : i32
    %scan3A_41 = arith.addi %scan3A_39, %scan3A_40 : i32
    %scan3A_42 = arith.constant 1 : i32
    scf.for %scan3A_50 = %scan3A_39 to %scan3A_41 step %scan3A_42  : i32 {
      %shift_right_arithmetic3A = arith.constant 4 : i32
      %shift_right_arithmetic3A_51 = arith.shrsi %scan3A_50, %shift_right_arithmetic3A : i32
      %and3A = arith.constant 15 : i32
      %and3A_52 = arith.andi %scan3A_50, %and3A : i32
      %mul3A_53 = arith.constant 16 : i32
      %mul3A_54 = arith.muli %mul3A_53, %scan3A_50 : i32
      %get3A = arith.index_cast %mul3A_54 : i32 to index
      %get3A_55 = tpu.vector_load %arg5[%get3A] {strides = array<i32>} : memref<12288xf32, #tpu.memory_space<vmem>>, vector<16xf32>,
      %mul3A_56 = arith.constant 16 : i32
      %mul3A_57 = arith.muli %mul3A_56, %and3A_52 : i32
      %swap3A_58 = arith.index_cast %shift_right_arithmetic3A_51 : i32 to index
      %swap3A_59 = arith.index_cast %mul3A_57 : i32 to index
      %swap3A_60 = tpu.vector_load %arg6[%swap3A_58, %swap3A_59] {strides = array<i32>} : memref<48x256xf32, #tpu.memory_space<vmem>>, vector<16xf32>,
      tpu.vector_store %arg6[%swap3A_58, %swap3A_59], %get3A_55 {strides = array<i32>} : memref<48x256xf32, #tpu.memory_space<vmem>>, vector<16xf32>,
    }
    %scan3A_43 = arith.constant 768 : i32
    "tpu.region"() ({
      %run_scoped3A = tpu.sem_alloc : memref<!tpu.dma_semaphore, #tpu.memory_space<semaphore_mem>>
      %dma_start3A = arith.constant 0 : i32
      %dma_start3A_50 = arith.constant 0 : i32
      %dma_start3A_51 = tpu.memref_slice %arg8[%dma_start3A, %dma_start3A_50] : memref<48x256xf32, #tpu.memory_space<vmem_shared>> -> memref<48x256xf32, #tpu.memory_space<vmem_shared>>
      tpu.enqueue_indirect_dma source(%arg6 : memref<48x256xf32, #tpu.memory_space<vmem>>) target(%dma_start3A_51 : memref<48x256xf32, #tpu.memory_space<vmem_shared>>) offsets(%arg7 : memref<48xi32, #tpu.memory_space<vmem>>) semaphore(%run_scoped3A : memref<!tpu.dma_semaphore, #tpu.memory_space<semaphore_mem>>) {add = true}
      %dma_wait3A = arith.constant 0 : i32
      %dma_wait3A_52 = arith.constant 0 : i32
      %dma_wait3A_53 = tpu.memref_slice %arg8[%dma_wait3A, %dma_wait3A_52] : memref<48x256xf32, #tpu.memory_space<vmem_shared>> -> memref<48x256xf32, #tpu.memory_space<vmem_shared>>
      tpu.wait_indirect_dma semaphore(%run_scoped3A : memref<!tpu.dma_semaphore, #tpu.memory_space<semaphore_mem>>) src(%arg6 : memref<48x256xf32, #tpu.memory_space<vmem>>) dst(%dma_wait3A_53 : memref<48x256xf32, #tpu.memory_space<vmem_shared>>)
      tpu.yield
    }) : () -> ()
    %barrier3A_44 = arith.constant 0 : index
    tpu.barrier barrier_id(%barrier3A_44)
    %eq3A_45 = arith.constant 0 : i32
    %eq3A_46 = arith.cmpi eq, %arg1, %eq3A_45 : i32
    %convert_element_type3A_47 = arith.extui %eq3A_46 : i1 to i32
    %cond3A_48 = arith.constant 0 : i32
    %cond3A_49 = arith.cmpi ne, %convert_element_type3A_47, %cond3A_48 : i32
    scf.if %cond3A_49 {
      "tpu.region"() ({
        %run_scoped3A = tpu.sem_alloc : memref<!tpu.dma_semaphore, #tpu.memory_space<semaphore_mem>>
        %dma_start3A = arith.constant 0 : i32
        %dma_start3A_50 = arith.constant 0 : i32
        %dma_start3A_51 = tpu.memref_slice %arg3[%arg0, %dma_start3A, %dma_start3A_50] : memref<2x48x256xf32, #tpu.memory_space<hbm>> -> memref<1x48x256xf32, #tpu.memory_space<hbm>>
        %dma_start3A_52 = tpu.memref_squeeze %dma_start3A_51 : memref<1x48x256xf32, #tpu.memory_space<hbm>> -> memref<48x256xf32, #tpu.memory_space<hbm>>
        tpu.enqueue_dma source(%arg8 : memref<48x256xf32, #tpu.memory_space<vmem_shared>>) target(%dma_start3A_52 : memref<48x256xf32, #tpu.memory_space<hbm>>) target_semaphore(%run_scoped3A : memref<!tpu.dma_semaphore, #tpu.memory_space<semaphore_mem>>)
        %dma_wait3A = arith.constant 0 : i32
        %dma_wait3A_53 = arith.constant 0 : i32
        %dma_wait3A_54 = tpu.memref_slice %arg3[%arg0, %dma_wait3A, %dma_wait3A_53] : memref<2x48x256xf32, #tpu.memory_space<hbm>> -> memref<1x48x256xf32, #tpu.memory_space<hbm>>
        %dma_wait3A_55 = tpu.memref_squeeze %dma_wait3A_54 : memref<1x48x256xf32, #tpu.memory_space<hbm>> -> memref<48x256xf32, #tpu.memory_space<hbm>>
        tpu.wait_dma2 semaphore(%run_scoped3A : memref<!tpu.dma_semaphore, #tpu.memory_space<semaphore_mem>>) src(%arg8 : memref<48x256xf32, #tpu.memory_space<vmem_shared>>) dst(%dma_wait3A_55 : memref<48x256xf32, #tpu.memory_space<hbm>>)
        tpu.yield
      }) : () -> ()
    } else {
    }
    return
  }
}

#map = affine_map<(d0, d1) -> (0, 0)>
module attributes {stable_mosaic.version = 14 : i64} {
  func.func @_msg_body(%arg0: i32, %arg1: i32, %arg2: memref<10000x256xf32, #tpu.memory_space<hbm>>, %arg3: memref<2x160000xi32, #tpu.memory_space<hbm>>, %arg4: memref<10000x256xf32, #tpu.memory_space<hbm>>, %arg5: memref<80xi32, #tpu.memory_space<vmem>>, %arg6: memref<80xi32, #tpu.memory_space<vmem>>, %arg7: memref<80xi32, #tpu.memory_space<vmem>>, %arg8: memref<80x256xf32, #tpu.memory_space<vmem>>, %arg9: memref<80xi32, #tpu.memory_space<vmem>>, %arg10: memref<80xi32, #tpu.memory_space<vmem>>, %arg11: memref<80xi32, #tpu.memory_space<vmem>>, %arg12: memref<80x256xf32, #tpu.memory_space<vmem>>, %arg13: memref<5008x256xf32, #tpu.memory_space<vmem_shared>>, %arg14: memref<!tpu.dma_semaphore, #tpu.memory_space<semaphore_mem>>, %arg15: memref<!tpu.dma_semaphore, #tpu.memory_space<semaphore_mem>>, %arg16: memref<!tpu.dma_semaphore, #tpu.memory_space<semaphore_mem>>, %arg17: memref<!tpu.dma_semaphore, #tpu.memory_space<semaphore_mem>>) attributes {dimension_semantics = [#tpu.dimension_semantics<core_parallel>, #tpu.dimension_semantics<subcore_parallel>], iteration_bounds = array<i64: 2, 16>, scalar_prefetch = 0 : i64, scratch_operands = 13 : i64, tpu.core_type = #tpu.core_type<sc_vector_subcore>, window_params = [{transform_indices = #map}, {transform_indices = #map}, {transform_indices = #map}]} {
    %mul3A = arith.constant 5000 : i32
    %mul3A_0 = arith.muli %arg0, %mul3A : i32
    %broadcast_in_dim3A = arith.constant 0.000000e+00 : f32
    %broadcast_in_dim3A_1 = vector.broadcast %broadcast_in_dim3A : f32 to vector<16xf32>
    %scan3A = arith.constant 0 : i32
    %scan3A_2 = arith.constant 0 : i32
    %scan3A_3 = arith.constant 1280 : i32
    %scan3A_4 = arith.addi %scan3A_2, %scan3A_3 : i32
    %scan3A_5 = arith.constant 1 : i32
    scf.for %scan3A_146 = %scan3A_2 to %scan3A_4 step %scan3A_5  : i32 {
      %shift_right_arithmetic3A = arith.constant 4 : i32
      %shift_right_arithmetic3A_147 = arith.shrsi %scan3A_146, %shift_right_arithmetic3A : i32
      %and3A_148 = arith.constant 15 : i32
      %and3A_149 = arith.andi %scan3A_146, %and3A_148 : i32
      %mul3A_150 = arith.constant 16 : i32
      %mul3A_151 = arith.muli %mul3A_150, %and3A_149 : i32
      %swap3A_152 = arith.index_cast %shift_right_arithmetic3A_147 : i32 to index
      %swap3A_153 = arith.index_cast %mul3A_151 : i32 to index
      %swap3A_154 = tpu.vector_load %arg8[%swap3A_152, %swap3A_153] {strides = array<i32>} : memref<80x256xf32, #tpu.memory_space<vmem>>, vector<16xf32>,
      tpu.vector_store %arg8[%swap3A_152, %swap3A_153], %broadcast_in_dim3A_1 {strides = array<i32>} : memref<80x256xf32, #tpu.memory_space<vmem>>, vector<16xf32>,
    }
    %scan3A_6 = arith.constant 1280 : i32
    %lt3A = arith.constant 15 : i32
    %lt3A_7 = arith.cmpi slt, %arg1, %lt3A : i32
    %convert_element_type3A = arith.extui %lt3A_7 : i1 to i32
    %cond3A = arith.constant 0 : i32
    %cond3A_8 = arith.cmpi ne, %convert_element_type3A, %cond3A : i32
    scf.if %cond3A_8 {
      %mul3A_146 = arith.constant 320 : i32
      %mul3A_147 = arith.muli %arg1, %mul3A_146 : i32
      %add3A_148 = arith.constant 0 : i32
      %add3A_149 = arith.addi %mul3A_147, %add3A_148 : i32
      "tpu.region"() ({
        %run_scoped3A = tpu.sem_alloc : memref<!tpu.dma_semaphore, #tpu.memory_space<semaphore_mem>>
        %dma_start3A_162 = arith.constant 0 : i32
        %dma_start3A_163 = tpu.memref_slice %arg13[%add3A_149, %dma_start3A_162] : memref<5008x256xf32, #tpu.memory_space<vmem_shared>> -> memref<80x256xf32, #tpu.memory_space<vmem_shared>>
        %dma_start3A_164 = arith.constant 0 : i32
        %dma_start3A_165 = tpu.memref_slice %arg13[%add3A_149, %dma_start3A_164] : memref<5008x256xf32, #tpu.memory_space<vmem_shared>> -> memref<80x256xf32, #tpu.memory_space<vmem_shared>>
        tpu.enqueue_dma source(%arg8 : memref<80x256xf32, #tpu.memory_space<vmem>>) target(%dma_start3A_165 : memref<80x256xf32, #tpu.memory_space<vmem_shared>>) target_semaphore(%run_scoped3A : memref<!tpu.dma_semaphore, #tpu.memory_space<semaphore_mem>>)
        %dma_wait3A_166 = arith.constant 0 : i32
        %dma_wait3A_167 = tpu.memref_slice %arg13[%add3A_149, %dma_wait3A_166] : memref<5008x256xf32, #tpu.memory_space<vmem_shared>> -> memref<80x256xf32, #tpu.memory_space<vmem_shared>>
        %dma_wait3A_168 = arith.constant 0 : i32
        %dma_wait3A_169 = tpu.memref_slice %arg13[%add3A_149, %dma_wait3A_168] : memref<5008x256xf32, #tpu.memory_space<vmem_shared>> -> memref<80x256xf32, #tpu.memory_space<vmem_shared>>
        tpu.wait_dma2 semaphore(%run_scoped3A : memref<!tpu.dma_semaphore, #tpu.memory_space<semaphore_mem>>) src(%arg8 : memref<80x256xf32, #tpu.memory_space<vmem>>) dst(%dma_wait3A_169 : memref<80x256xf32, #tpu.memory_space<vmem_shared>>)
        tpu.yield
      }) : () -> ()
      %mul3A_150 = arith.constant 320 : i32
      %mul3A_151 = arith.muli %arg1, %mul3A_150 : i32
      %add3A_152 = arith.constant 80 : i32
      %add3A_153 = arith.addi %mul3A_151, %add3A_152 : i32
      "tpu.region"() ({
        %run_scoped3A = tpu.sem_alloc : memref<!tpu.dma_semaphore, #tpu.memory_space<semaphore_mem>>
        %dma_start3A_162 = arith.constant 0 : i32
        %dma_start3A_163 = tpu.memref_slice %arg13[%add3A_153, %dma_start3A_162] : memref<5008x256xf32, #tpu.memory_space<vmem_shared>> -> memref<80x256xf32, #tpu.memory_space<vmem_shared>>
        %dma_start3A_164 = arith.constant 0 : i32
        %dma_start3A_165 = tpu.memref_slice %arg13[%add3A_153, %dma_start3A_164] : memref<5008x256xf32, #tpu.memory_space<vmem_shared>> -> memref<80x256xf32, #tpu.memory_space<vmem_shared>>
        tpu.enqueue_dma source(%arg8 : memref<80x256xf32, #tpu.memory_space<vmem>>) target(%dma_start3A_165 : memref<80x256xf32, #tpu.memory_space<vmem_shared>>) target_semaphore(%run_scoped3A : memref<!tpu.dma_semaphore, #tpu.memory_space<semaphore_mem>>)
        %dma_wait3A_166 = arith.constant 0 : i32
        %dma_wait3A_167 = tpu.memref_slice %arg13[%add3A_153, %dma_wait3A_166] : memref<5008x256xf32, #tpu.memory_space<vmem_shared>> -> memref<80x256xf32, #tpu.memory_space<vmem_shared>>
        %dma_wait3A_168 = arith.constant 0 : i32
        %dma_wait3A_169 = tpu.memref_slice %arg13[%add3A_153, %dma_wait3A_168] : memref<5008x256xf32, #tpu.memory_space<vmem_shared>> -> memref<80x256xf32, #tpu.memory_space<vmem_shared>>
        tpu.wait_dma2 semaphore(%run_scoped3A : memref<!tpu.dma_semaphore, #tpu.memory_space<semaphore_mem>>) src(%arg8 : memref<80x256xf32, #tpu.memory_space<vmem>>) dst(%dma_wait3A_169 : memref<80x256xf32, #tpu.memory_space<vmem_shared>>)
        tpu.yield
      }) : () -> ()
      %mul3A_154 = arith.constant 320 : i32
      %mul3A_155 = arith.muli %arg1, %mul3A_154 : i32
      %add3A_156 = arith.constant 160 : i32
      %add3A_157 = arith.addi %mul3A_155, %add3A_156 : i32
      "tpu.region"() ({
        %run_scoped3A = tpu.sem_alloc : memref<!tpu.dma_semaphore, #tpu.memory_space<semaphore_mem>>
        %dma_start3A_162 = arith.constant 0 : i32
        %dma_start3A_163 = tpu.memref_slice %arg13[%add3A_157, %dma_start3A_162] : memref<5008x256xf32, #tpu.memory_space<vmem_shared>> -> memref<80x256xf32, #tpu.memory_space<vmem_shared>>
        %dma_start3A_164 = arith.constant 0 : i32
        %dma_start3A_165 = tpu.memref_slice %arg13[%add3A_157, %dma_start3A_164] : memref<5008x256xf32, #tpu.memory_space<vmem_shared>> -> memref<80x256xf32, #tpu.memory_space<vmem_shared>>
        tpu.enqueue_dma source(%arg8 : memref<80x256xf32, #tpu.memory_space<vmem>>) target(%dma_start3A_165 : memref<80x256xf32, #tpu.memory_space<vmem_shared>>) target_semaphore(%run_scoped3A : memref<!tpu.dma_semaphore, #tpu.memory_space<semaphore_mem>>)
        %dma_wait3A_166 = arith.constant 0 : i32
        %dma_wait3A_167 = tpu.memref_slice %arg13[%add3A_157, %dma_wait3A_166] : memref<5008x256xf32, #tpu.memory_space<vmem_shared>> -> memref<80x256xf32, #tpu.memory_space<vmem_shared>>
        %dma_wait3A_168 = arith.constant 0 : i32
        %dma_wait3A_169 = tpu.memref_slice %arg13[%add3A_157, %dma_wait3A_168] : memref<5008x256xf32, #tpu.memory_space<vmem_shared>> -> memref<80x256xf32, #tpu.memory_space<vmem_shared>>
        tpu.wait_dma2 semaphore(%run_scoped3A : memref<!tpu.dma_semaphore, #tpu.memory_space<semaphore_mem>>) src(%arg8 : memref<80x256xf32, #tpu.memory_space<vmem>>) dst(%dma_wait3A_169 : memref<80x256xf32, #tpu.memory_space<vmem_shared>>)
        tpu.yield
      }) : () -> ()
      %mul3A_158 = arith.constant 320 : i32
      %mul3A_159 = arith.muli %arg1, %mul3A_158 : i32
      %add3A_160 = arith.constant 240 : i32
      %add3A_161 = arith.addi %mul3A_159, %add3A_160 : i32
      "tpu.region"() ({
        %run_scoped3A = tpu.sem_alloc : memref<!tpu.dma_semaphore, #tpu.memory_space<semaphore_mem>>
        %dma_start3A_162 = arith.constant 0 : i32
        %dma_start3A_163 = tpu.memref_slice %arg13[%add3A_161, %dma_start3A_162] : memref<5008x256xf32, #tpu.memory_space<vmem_shared>> -> memref<80x256xf32, #tpu.memory_space<vmem_shared>>
        %dma_start3A_164 = arith.constant 0 : i32
        %dma_start3A_165 = tpu.memref_slice %arg13[%add3A_161, %dma_start3A_164] : memref<5008x256xf32, #tpu.memory_space<vmem_shared>> -> memref<80x256xf32, #tpu.memory_space<vmem_shared>>
        tpu.enqueue_dma source(%arg8 : memref<80x256xf32, #tpu.memory_space<vmem>>) target(%dma_start3A_165 : memref<80x256xf32, #tpu.memory_space<vmem_shared>>) target_semaphore(%run_scoped3A : memref<!tpu.dma_semaphore, #tpu.memory_space<semaphore_mem>>)
        %dma_wait3A_166 = arith.constant 0 : i32
        %dma_wait3A_167 = tpu.memref_slice %arg13[%add3A_161, %dma_wait3A_166] : memref<5008x256xf32, #tpu.memory_space<vmem_shared>> -> memref<80x256xf32, #tpu.memory_space<vmem_shared>>
        %dma_wait3A_168 = arith.constant 0 : i32
        %dma_wait3A_169 = tpu.memref_slice %arg13[%add3A_161, %dma_wait3A_168] : memref<5008x256xf32, #tpu.memory_space<vmem_shared>> -> memref<80x256xf32, #tpu.memory_space<vmem_shared>>
        tpu.wait_dma2 semaphore(%run_scoped3A : memref<!tpu.dma_semaphore, #tpu.memory_space<semaphore_mem>>) src(%arg8 : memref<80x256xf32, #tpu.memory_space<vmem>>) dst(%dma_wait3A_169 : memref<80x256xf32, #tpu.memory_space<vmem_shared>>)
        tpu.yield
      }) : () -> ()
    } else {
    }
    %eq3A = arith.constant 15 : i32
    %eq3A_9 = arith.cmpi eq, %arg1, %eq3A : i32
    %convert_element_type3A_10 = arith.extui %eq3A_9 : i1 to i32
    %cond3A_11 = arith.constant 0 : i32
    %cond3A_12 = arith.cmpi ne, %convert_element_type3A_10, %cond3A_11 : i32
    scf.if %cond3A_12 {
      "tpu.region"() ({
        %run_scoped3A = tpu.sem_alloc : memref<!tpu.dma_semaphore, #tpu.memory_space<semaphore_mem>>
        %dma_start3A_146 = arith.constant 4800 : i32
        %dma_start3A_147 = arith.constant 0 : i32
        %dma_start3A_148 = tpu.memref_slice %arg13[%dma_start3A_146, %dma_start3A_147] : memref<5008x256xf32, #tpu.memory_space<vmem_shared>> -> memref<80x256xf32, #tpu.memory_space<vmem_shared>>
        %dma_start3A_149 = arith.constant 4800 : i32
        %dma_start3A_150 = arith.constant 0 : i32
        %dma_start3A_151 = tpu.memref_slice %arg13[%dma_start3A_149, %dma_start3A_150] : memref<5008x256xf32, #tpu.memory_space<vmem_shared>> -> memref<80x256xf32, #tpu.memory_space<vmem_shared>>
        tpu.enqueue_dma source(%arg8 : memref<80x256xf32, #tpu.memory_space<vmem>>) target(%dma_start3A_151 : memref<80x256xf32, #tpu.memory_space<vmem_shared>>) target_semaphore(%run_scoped3A : memref<!tpu.dma_semaphore, #tpu.memory_space<semaphore_mem>>)
        %dma_wait3A_152 = arith.constant 4800 : i32
        %dma_wait3A_153 = arith.constant 0 : i32
        %dma_wait3A_154 = tpu.memref_slice %arg13[%dma_wait3A_152, %dma_wait3A_153] : memref<5008x256xf32, #tpu.memory_space<vmem_shared>> -> memref<80x256xf32, #tpu.memory_space<vmem_shared>>
        %dma_wait3A_155 = arith.constant 4800 : i32
        %dma_wait3A_156 = arith.constant 0 : i32
        %dma_wait3A_157 = tpu.memref_slice %arg13[%dma_wait3A_155, %dma_wait3A_156] : memref<5008x256xf32, #tpu.memory_space<vmem_shared>> -> memref<80x256xf32, #tpu.memory_space<vmem_shared>>
        tpu.wait_dma2 semaphore(%run_scoped3A : memref<!tpu.dma_semaphore, #tpu.memory_space<semaphore_mem>>) src(%arg8 : memref<80x256xf32, #tpu.memory_space<vmem>>) dst(%dma_wait3A_157 : memref<80x256xf32, #tpu.memory_space<vmem_shared>>)
        tpu.yield
      }) : () -> ()
      "tpu.region"() ({
        %run_scoped3A = tpu.sem_alloc : memref<!tpu.dma_semaphore, #tpu.memory_space<semaphore_mem>>
        %dma_start3A_146 = arith.constant 4880 : i32
        %dma_start3A_147 = arith.constant 0 : i32
        %dma_start3A_148 = tpu.memref_slice %arg13[%dma_start3A_146, %dma_start3A_147] : memref<5008x256xf32, #tpu.memory_space<vmem_shared>> -> memref<80x256xf32, #tpu.memory_space<vmem_shared>>
        %dma_start3A_149 = arith.constant 4880 : i32
        %dma_start3A_150 = arith.constant 0 : i32
        %dma_start3A_151 = tpu.memref_slice %arg13[%dma_start3A_149, %dma_start3A_150] : memref<5008x256xf32, #tpu.memory_space<vmem_shared>> -> memref<80x256xf32, #tpu.memory_space<vmem_shared>>
        tpu.enqueue_dma source(%arg8 : memref<80x256xf32, #tpu.memory_space<vmem>>) target(%dma_start3A_151 : memref<80x256xf32, #tpu.memory_space<vmem_shared>>) target_semaphore(%run_scoped3A : memref<!tpu.dma_semaphore, #tpu.memory_space<semaphore_mem>>)
        %dma_wait3A_152 = arith.constant 4880 : i32
        %dma_wait3A_153 = arith.constant 0 : i32
        %dma_wait3A_154 = tpu.memref_slice %arg13[%dma_wait3A_152, %dma_wait3A_153] : memref<5008x256xf32, #tpu.memory_space<vmem_shared>> -> memref<80x256xf32, #tpu.memory_space<vmem_shared>>
        %dma_wait3A_155 = arith.constant 4880 : i32
        %dma_wait3A_156 = arith.constant 0 : i32
        %dma_wait3A_157 = tpu.memref_slice %arg13[%dma_wait3A_155, %dma_wait3A_156] : memref<5008x256xf32, #tpu.memory_space<vmem_shared>> -> memref<80x256xf32, #tpu.memory_space<vmem_shared>>
        tpu.wait_dma2 semaphore(%run_scoped3A : memref<!tpu.dma_semaphore, #tpu.memory_space<semaphore_mem>>) src(%arg8 : memref<80x256xf32, #tpu.memory_space<vmem>>) dst(%dma_wait3A_157 : memref<80x256xf32, #tpu.memory_space<vmem_shared>>)
        tpu.yield
      }) : () -> ()
      "tpu.region"() ({
        %run_scoped3A = tpu.sem_alloc : memref<!tpu.dma_semaphore, #tpu.memory_space<semaphore_mem>>
        %dma_start3A_146 = arith.constant 0 : i32
        %dma_start3A_147 = arith.constant 0 : i32
        %dma_start3A_148 = tpu.memref_slice %arg8[%dma_start3A_146, %dma_start3A_147] : memref<80x256xf32, #tpu.memory_space<vmem>> -> memref<40x256xf32, #tpu.memory_space<vmem>>
        %dma_start3A_149 = arith.constant 4960 : i32
        %dma_start3A_150 = arith.constant 0 : i32
        %dma_start3A_151 = tpu.memref_slice %arg13[%dma_start3A_149, %dma_start3A_150] : memref<5008x256xf32, #tpu.memory_space<vmem_shared>> -> memref<40x256xf32, #tpu.memory_space<vmem_shared>>
        %dma_start3A_152 = arith.constant 4960 : i32
        %dma_start3A_153 = arith.constant 0 : i32
        %dma_start3A_154 = tpu.memref_slice %arg13[%dma_start3A_152, %dma_start3A_153] : memref<5008x256xf32, #tpu.memory_space<vmem_shared>> -> memref<40x256xf32, #tpu.memory_space<vmem_shared>>
        %dma_start3A_155 = arith.constant 0 : i32
        %dma_start3A_156 = arith.constant 0 : i32
        %dma_start3A_157 = tpu.memref_slice %arg8[%dma_start3A_155, %dma_start3A_156] : memref<80x256xf32, #tpu.memory_space<vmem>> -> memref<40x256xf32, #tpu.memory_space<vmem>>
        tpu.enqueue_dma source(%dma_start3A_157 : memref<40x256xf32, #tpu.memory_space<vmem>>) target(%dma_start3A_154 : memref<40x256xf32, #tpu.memory_space<vmem_shared>>) target_semaphore(%run_scoped3A : memref<!tpu.dma_semaphore, #tpu.memory_space<semaphore_mem>>)
        %dma_wait3A_158 = arith.constant 0 : i32
        %dma_wait3A_159 = arith.constant 0 : i32
        %dma_wait3A_160 = tpu.memref_slice %arg8[%dma_wait3A_158, %dma_wait3A_159] : memref<80x256xf32, #tpu.memory_space<vmem>> -> memref<40x256xf32, #tpu.memory_space<vmem>>
        %dma_wait3A_161 = arith.constant 4960 : i32
        %dma_wait3A_162 = arith.constant 0 : i32
        %dma_wait3A_163 = tpu.memref_slice %arg13[%dma_wait3A_161, %dma_wait3A_162] : memref<5008x256xf32, #tpu.memory_space<vmem_shared>> -> memref<40x256xf32, #tpu.memory_space<vmem_shared>>
        %dma_wait3A_164 = arith.constant 4960 : i32
        %dma_wait3A_165 = arith.constant 0 : i32
        %dma_wait3A_166 = tpu.memref_slice %arg13[%dma_wait3A_164, %dma_wait3A_165] : memref<5008x256xf32, #tpu.memory_space<vmem_shared>> -> memref<40x256xf32, #tpu.memory_space<vmem_shared>>
        %dma_wait3A_167 = arith.constant 0 : i32
        %dma_wait3A_168 = arith.constant 0 : i32
        %dma_wait3A_169 = tpu.memref_slice %arg8[%dma_wait3A_167, %dma_wait3A_168] : memref<80x256xf32, #tpu.memory_space<vmem>> -> memref<40x256xf32, #tpu.memory_space<vmem>>
        tpu.wait_dma2 semaphore(%run_scoped3A : memref<!tpu.dma_semaphore, #tpu.memory_space<semaphore_mem>>) src(%dma_wait3A_169 : memref<40x256xf32, #tpu.memory_space<vmem>>) dst(%dma_wait3A_166 : memref<40x256xf32, #tpu.memory_space<vmem_shared>>)
        tpu.yield
      }) : () -> ()
    } else {
    }
    %barrier3A = arith.constant 0 : index
    tpu.barrier barrier_id(%barrier3A)
    %mul3A_13 = arith.constant 10000 : i32
    %mul3A_14 = arith.muli %arg1, %mul3A_13 : i32
    %add3A = arith.constant 0 : i32
    %add3A_15 = arith.addi %mul3A_14, %add3A : i32
    %dma_start3A = arith.constant 0 : i32
    %dma_start3A_16 = tpu.memref_slice %arg3[%dma_start3A, %add3A_15] : memref<2x160000xi32, #tpu.memory_space<hbm>> -> memref<1x80xi32, #tpu.memory_space<hbm>>
    %dma_start3A_17 = tpu.memref_squeeze %dma_start3A_16 : memref<1x80xi32, #tpu.memory_space<hbm>> -> memref<80xi32, #tpu.memory_space<hbm>>
    %dma_start3A_18 = tpu.memref_slice %arg3[%dma_start3A, %add3A_15] : memref<2x160000xi32, #tpu.memory_space<hbm>> -> memref<1x80xi32, #tpu.memory_space<hbm>>
    %dma_start3A_19 = tpu.memref_squeeze %dma_start3A_18 : memref<1x80xi32, #tpu.memory_space<hbm>> -> memref<80xi32, #tpu.memory_space<hbm>>
    tpu.enqueue_dma source(%dma_start3A_19 : memref<80xi32, #tpu.memory_space<hbm>>) target(%arg5 : memref<80xi32, #tpu.memory_space<vmem>>) target_semaphore(%arg14 : memref<!tpu.dma_semaphore, #tpu.memory_space<semaphore_mem>>)
    %dma_start3A_20 = arith.constant 1 : i32
    %dma_start3A_21 = tpu.memref_slice %arg3[%dma_start3A_20, %add3A_15] : memref<2x160000xi32, #tpu.memory_space<hbm>> -> memref<1x80xi32, #tpu.memory_space<hbm>>
    %dma_start3A_22 = tpu.memref_squeeze %dma_start3A_21 : memref<1x80xi32, #tpu.memory_space<hbm>> -> memref<80xi32, #tpu.memory_space<hbm>>
    %dma_start3A_23 = tpu.memref_slice %arg3[%dma_start3A_20, %add3A_15] : memref<2x160000xi32, #tpu.memory_space<hbm>> -> memref<1x80xi32, #tpu.memory_space<hbm>>
    %dma_start3A_24 = tpu.memref_squeeze %dma_start3A_23 : memref<1x80xi32, #tpu.memory_space<hbm>> -> memref<80xi32, #tpu.memory_space<hbm>>
    tpu.enqueue_dma source(%dma_start3A_24 : memref<80xi32, #tpu.memory_space<hbm>>) target(%arg6 : memref<80xi32, #tpu.memory_space<vmem>>) target_semaphore(%arg14 : memref<!tpu.dma_semaphore, #tpu.memory_space<semaphore_mem>>)
    %dma_wait3A = arith.constant 0 : i32
    %dma_wait3A_25 = arith.constant 0 : i32
    %dma_wait3A_26 = tpu.memref_slice %arg3[%dma_wait3A, %dma_wait3A_25] : memref<2x160000xi32, #tpu.memory_space<hbm>> -> memref<1x80xi32, #tpu.memory_space<hbm>>
    %dma_wait3A_27 = tpu.memref_squeeze %dma_wait3A_26 : memref<1x80xi32, #tpu.memory_space<hbm>> -> memref<80xi32, #tpu.memory_space<hbm>>
    %dma_wait3A_28 = arith.constant 0 : i32
    %dma_wait3A_29 = tpu.memref_slice %arg3[%dma_wait3A, %dma_wait3A_28] : memref<2x160000xi32, #tpu.memory_space<hbm>> -> memref<1x80xi32, #tpu.memory_space<hbm>>
    %dma_wait3A_30 = tpu.memref_squeeze %dma_wait3A_29 : memref<1x80xi32, #tpu.memory_space<hbm>> -> memref<80xi32, #tpu.memory_space<hbm>>
    tpu.wait_dma2 semaphore(%arg14 : memref<!tpu.dma_semaphore, #tpu.memory_space<semaphore_mem>>) src(%dma_wait3A_30 : memref<80xi32, #tpu.memory_space<hbm>>) dst(%arg5 : memref<80xi32, #tpu.memory_space<vmem>>)
    %dma_wait3A_31 = arith.constant 1 : i32
    %dma_wait3A_32 = arith.constant 0 : i32
    %dma_wait3A_33 = tpu.memref_slice %arg3[%dma_wait3A_31, %dma_wait3A_32] : memref<2x160000xi32, #tpu.memory_space<hbm>> -> memref<1x80xi32, #tpu.memory_space<hbm>>
    %dma_wait3A_34 = tpu.memref_squeeze %dma_wait3A_33 : memref<1x80xi32, #tpu.memory_space<hbm>> -> memref<80xi32, #tpu.memory_space<hbm>>
    %dma_wait3A_35 = arith.constant 0 : i32
    %dma_wait3A_36 = tpu.memref_slice %arg3[%dma_wait3A_31, %dma_wait3A_35] : memref<2x160000xi32, #tpu.memory_space<hbm>> -> memref<1x80xi32, #tpu.memory_space<hbm>>
    %dma_wait3A_37 = tpu.memref_squeeze %dma_wait3A_36 : memref<1x80xi32, #tpu.memory_space<hbm>> -> memref<80xi32, #tpu.memory_space<hbm>>
    tpu.wait_dma2 semaphore(%arg14 : memref<!tpu.dma_semaphore, #tpu.memory_space<semaphore_mem>>) src(%dma_wait3A_37 : memref<80xi32, #tpu.memory_space<hbm>>) dst(%arg6 : memref<80xi32, #tpu.memory_space<vmem>>)
    %dma_start3A_38 = arith.constant 0 : i32
    %dma_start3A_39 = arith.constant 0 : i32
    %dma_start3A_40 = tpu.memref_slice %arg2[%dma_start3A_38, %dma_start3A_39] : memref<10000x256xf32, #tpu.memory_space<hbm>> -> memref<10000x256xf32, #tpu.memory_space<hbm>>
    tpu.enqueue_indirect_dma source(%dma_start3A_40 : memref<10000x256xf32, #tpu.memory_space<hbm>>) target(%arg8 : memref<80x256xf32, #tpu.memory_space<vmem>>) offsets(%arg5 : memref<80xi32, #tpu.memory_space<vmem>>) semaphore(%arg15 : memref<!tpu.dma_semaphore, #tpu.memory_space<semaphore_mem>>)
    %add3A_41 = arith.constant 80 : i32
    %add3A_42 = arith.addi %mul3A_14, %add3A_41 : i32
    %dma_start3A_43 = arith.constant 0 : i32
    %dma_start3A_44 = tpu.memref_slice %arg3[%dma_start3A_43, %add3A_42] : memref<2x160000xi32, #tpu.memory_space<hbm>> -> memref<1x80xi32, #tpu.memory_space<hbm>>
    %dma_start3A_45 = tpu.memref_squeeze %dma_start3A_44 : memref<1x80xi32, #tpu.memory_space<hbm>> -> memref<80xi32, #tpu.memory_space<hbm>>
    %dma_start3A_46 = tpu.memref_slice %arg3[%dma_start3A_43, %add3A_42] : memref<2x160000xi32, #tpu.memory_space<hbm>> -> memref<1x80xi32, #tpu.memory_space<hbm>>
    %dma_start3A_47 = tpu.memref_squeeze %dma_start3A_46 : memref<1x80xi32, #tpu.memory_space<hbm>> -> memref<80xi32, #tpu.memory_space<hbm>>
    tpu.enqueue_dma source(%dma_start3A_47 : memref<80xi32, #tpu.memory_space<hbm>>) target(%arg9 : memref<80xi32, #tpu.memory_space<vmem>>) target_semaphore(%arg16 : memref<!tpu.dma_semaphore, #tpu.memory_space<semaphore_mem>>)
    %dma_start3A_48 = arith.constant 1 : i32
    %dma_start3A_49 = tpu.memref_slice %arg3[%dma_start3A_48, %add3A_42] : memref<2x160000xi32, #tpu.memory_space<hbm>> -> memref<1x80xi32, #tpu.memory_space<hbm>>
    %dma_start3A_50 = tpu.memref_squeeze %dma_start3A_49 : memref<1x80xi32, #tpu.memory_space<hbm>> -> memref<80xi32, #tpu.memory_space<hbm>>
    %dma_start3A_51 = tpu.memref_slice %arg3[%dma_start3A_48, %add3A_42] : memref<2x160000xi32, #tpu.memory_space<hbm>> -> memref<1x80xi32, #tpu.memory_space<hbm>>
    %dma_start3A_52 = tpu.memref_squeeze %dma_start3A_51 : memref<1x80xi32, #tpu.memory_space<hbm>> -> memref<80xi32, #tpu.memory_space<hbm>>
    tpu.enqueue_dma source(%dma_start3A_52 : memref<80xi32, #tpu.memory_space<hbm>>) target(%arg10 : memref<80xi32, #tpu.memory_space<vmem>>) target_semaphore(%arg16 : memref<!tpu.dma_semaphore, #tpu.memory_space<semaphore_mem>>)
    %scan3A_53 = arith.constant 0 : i32
    %scan3A_54 = arith.constant 0 : i32
    %scan3A_55 = arith.constant 62 : i32
    %scan3A_56 = arith.addi %scan3A_54, %scan3A_55 : i32
    %scan3A_57 = arith.constant 1 : i32
    scf.for %scan3A_146 = %scan3A_54 to %scan3A_56 step %scan3A_57  : i32 {
      %mul3A_147 = arith.constant 2 : i32
      %mul3A_148 = arith.muli %mul3A_147, %scan3A_146 : i32
      %dma_wait3A_149 = arith.constant 0 : i32
      %dma_wait3A_150 = arith.constant 0 : i32
      %dma_wait3A_151 = tpu.memref_slice %arg3[%dma_wait3A_149, %dma_wait3A_150] : memref<2x160000xi32, #tpu.memory_space<hbm>> -> memref<1x80xi32, #tpu.memory_space<hbm>>
      %dma_wait3A_152 = tpu.memref_squeeze %dma_wait3A_151 : memref<1x80xi32, #tpu.memory_space<hbm>> -> memref<80xi32, #tpu.memory_space<hbm>>
      %dma_wait3A_153 = arith.constant 0 : i32
      %dma_wait3A_154 = tpu.memref_slice %arg3[%dma_wait3A_149, %dma_wait3A_153] : memref<2x160000xi32, #tpu.memory_space<hbm>> -> memref<1x80xi32, #tpu.memory_space<hbm>>
      %dma_wait3A_155 = tpu.memref_squeeze %dma_wait3A_154 : memref<1x80xi32, #tpu.memory_space<hbm>> -> memref<80xi32, #tpu.memory_space<hbm>>
      tpu.wait_dma2 semaphore(%arg16 : memref<!tpu.dma_semaphore, #tpu.memory_space<semaphore_mem>>) src(%dma_wait3A_155 : memref<80xi32, #tpu.memory_space<hbm>>) dst(%arg9 : memref<80xi32, #tpu.memory_space<vmem>>)
      %dma_wait3A_156 = arith.constant 1 : i32
      %dma_wait3A_157 = arith.constant 0 : i32
      %dma_wait3A_158 = tpu.memref_slice %arg3[%dma_wait3A_156, %dma_wait3A_157] : memref<2x160000xi32, #tpu.memory_space<hbm>> -> memref<1x80xi32, #tpu.memory_space<hbm>>
      %dma_wait3A_159 = tpu.memref_squeeze %dma_wait3A_158 : memref<1x80xi32, #tpu.memory_space<hbm>> -> memref<80xi32, #tpu.memory_space<hbm>>
      %dma_wait3A_160 = arith.constant 0 : i32
      %dma_wait3A_161 = tpu.memref_slice %arg3[%dma_wait3A_156, %dma_wait3A_160] : memref<2x160000xi32, #tpu.memory_space<hbm>> -> memref<1x80xi32, #tpu.memory_space<hbm>>
      %dma_wait3A_162 = tpu.memref_squeeze %dma_wait3A_161 : memref<1x80xi32, #tpu.memory_space<hbm>> -> memref<80xi32, #tpu.memory_space<hbm>>
      tpu.wait_dma2 semaphore(%arg16 : memref<!tpu.dma_semaphore, #tpu.memory_space<semaphore_mem>>) src(%dma_wait3A_162 : memref<80xi32, #tpu.memory_space<hbm>>) dst(%arg10 : memref<80xi32, #tpu.memory_space<vmem>>)
      %dma_start3A_163 = arith.constant 0 : i32
      %dma_start3A_164 = arith.constant 0 : i32
      %dma_start3A_165 = tpu.memref_slice %arg2[%dma_start3A_163, %dma_start3A_164] : memref<10000x256xf32, #tpu.memory_space<hbm>> -> memref<10000x256xf32, #tpu.memory_space<hbm>>
      tpu.enqueue_indirect_dma source(%dma_start3A_165 : memref<10000x256xf32, #tpu.memory_space<hbm>>) target(%arg12 : memref<80x256xf32, #tpu.memory_space<vmem>>) offsets(%arg9 : memref<80xi32, #tpu.memory_space<vmem>>) semaphore(%arg17 : memref<!tpu.dma_semaphore, #tpu.memory_space<semaphore_mem>>)
      %get3A_166 = arith.constant 0 : index
      %get3A_167 = tpu.vector_load %arg6[%get3A_166] {strides = array<i32>} : memref<80xi32, #tpu.memory_space<vmem>>, vector<16xi32>,
      %ge3A_168 = vector.broadcast %mul3A_0 : i32 to vector<16xi32>
      %ge3A_169 = arith.cmpi sge, %get3A_167, %ge3A_168 : vector<16xi32>
      %add3A_170 = arith.constant 5000 : i32
      %add3A_171 = arith.addi %mul3A_0, %add3A_170 : i32
      %lt3A_172 = vector.broadcast %add3A_171 : i32 to vector<16xi32>
      %lt3A_173 = arith.cmpi slt, %get3A_167, %lt3A_172 : vector<16xi32>
      %and3A_174 = arith.andi %ge3A_169, %lt3A_173 : vector<16xi1>
      %sub3A_175 = vector.broadcast %mul3A_0 : i32 to vector<16xi32>
      %sub3A_176 = arith.subi %get3A_167, %sub3A_175 : vector<16xi32>
      %jit3A_177 = arith.constant 5000 : i32
      %broadcast_in_dim3A_178 = vector.broadcast %jit3A_177 : i32 to vector<16xi32>
      %select_n3A_179 = arith.select %and3A_174, %sub3A_176, %broadcast_in_dim3A_178 : vector<16xi1>, vector<16xi32>
      %swap3A_180 = arith.constant 0 : index
      %swap3A_181 = tpu.vector_load %arg7[%swap3A_180] {strides = array<i32>} : memref<80xi32, #tpu.memory_space<vmem>>, vector<16xi32>,
      tpu.vector_store %arg7[%swap3A_180], %select_n3A_179 {strides = array<i32>} : memref<80xi32, #tpu.memory_space<vmem>>, vector<16xi32>,
      %get3A_182 = arith.constant 16 : index
      %get3A_183 = tpu.vector_load %arg6[%get3A_182] {strides = array<i32>} : memref<80xi32, #tpu.memory_space<vmem>>, vector<16xi32>,
      %ge3A_184 = vector.broadcast %mul3A_0 : i32 to vector<16xi32>
      %ge3A_185 = arith.cmpi sge, %get3A_183, %ge3A_184 : vector<16xi32>
      %add3A_186 = arith.constant 5000 : i32
      %add3A_187 = arith.addi %mul3A_0, %add3A_186 : i32
      %lt3A_188 = vector.broadcast %add3A_187 : i32 to vector<16xi32>
      %lt3A_189 = arith.cmpi slt, %get3A_183, %lt3A_188 : vector<16xi32>
      %and3A_190 = arith.andi %ge3A_185, %lt3A_189 : vector<16xi1>
      %sub3A_191 = vector.broadcast %mul3A_0 : i32 to vector<16xi32>
      %sub3A_192 = arith.subi %get3A_183, %sub3A_191 : vector<16xi32>
      %jit3A_193 = arith.constant 5000 : i32
      %broadcast_in_dim3A_194 = vector.broadcast %jit3A_193 : i32 to vector<16xi32>
      %select_n3A_195 = arith.select %and3A_190, %sub3A_192, %broadcast_in_dim3A_194 : vector<16xi1>, vector<16xi32>
      %swap3A_196 = arith.constant 16 : index
      %swap3A_197 = tpu.vector_load %arg7[%swap3A_196] {strides = array<i32>} : memref<80xi32, #tpu.memory_space<vmem>>, vector<16xi32>,
      tpu.vector_store %arg7[%swap3A_196], %select_n3A_195 {strides = array<i32>} : memref<80xi32, #tpu.memory_space<vmem>>, vector<16xi32>,
      %get3A_198 = arith.constant 32 : index
      %get3A_199 = tpu.vector_load %arg6[%get3A_198] {strides = array<i32>} : memref<80xi32, #tpu.memory_space<vmem>>, vector<16xi32>,
      %ge3A_200 = vector.broadcast %mul3A_0 : i32 to vector<16xi32>
      %ge3A_201 = arith.cmpi sge, %get3A_199, %ge3A_200 : vector<16xi32>
      %add3A_202 = arith.constant 5000 : i32
      %add3A_203 = arith.addi %mul3A_0, %add3A_202 : i32
      %lt3A_204 = vector.broadcast %add3A_203 : i32 to vector<16xi32>
      %lt3A_205 = arith.cmpi slt, %get3A_199, %lt3A_204 : vector<16xi32>
      %and3A_206 = arith.andi %ge3A_201, %lt3A_205 : vector<16xi1>
      %sub3A_207 = vector.broadcast %mul3A_0 : i32 to vector<16xi32>
      %sub3A_208 = arith.subi %get3A_199, %sub3A_207 : vector<16xi32>
      %jit3A_209 = arith.constant 5000 : i32
      %broadcast_in_dim3A_210 = vector.broadcast %jit3A_209 : i32 to vector<16xi32>
      %select_n3A_211 = arith.select %and3A_206, %sub3A_208, %broadcast_in_dim3A_210 : vector<16xi1>, vector<16xi32>
      %swap3A_212 = arith.constant 32 : index
      %swap3A_213 = tpu.vector_load %arg7[%swap3A_212] {strides = array<i32>} : memref<80xi32, #tpu.memory_space<vmem>>, vector<16xi32>,
      tpu.vector_store %arg7[%swap3A_212], %select_n3A_211 {strides = array<i32>} : memref<80xi32, #tpu.memory_space<vmem>>, vector<16xi32>,
      %get3A_214 = arith.constant 48 : index
      %get3A_215 = tpu.vector_load %arg6[%get3A_214] {strides = array<i32>} : memref<80xi32, #tpu.memory_space<vmem>>, vector<16xi32>,
      %ge3A_216 = vector.broadcast %mul3A_0 : i32 to vector<16xi32>
      %ge3A_217 = arith.cmpi sge, %get3A_215, %ge3A_216 : vector<16xi32>
      %add3A_218 = arith.constant 5000 : i32
      %add3A_219 = arith.addi %mul3A_0, %add3A_218 : i32
      %lt3A_220 = vector.broadcast %add3A_219 : i32 to vector<16xi32>
      %lt3A_221 = arith.cmpi slt, %get3A_215, %lt3A_220 : vector<16xi32>
      %and3A_222 = arith.andi %ge3A_217, %lt3A_221 : vector<16xi1>
      %sub3A_223 = vector.broadcast %mul3A_0 : i32 to vector<16xi32>
      %sub3A_224 = arith.subi %get3A_215, %sub3A_223 : vector<16xi32>
      %jit3A_225 = arith.constant 5000 : i32
      %broadcast_in_dim3A_226 = vector.broadcast %jit3A_225 : i32 to vector<16xi32>
      %select_n3A_227 = arith.select %and3A_222, %sub3A_224, %broadcast_in_dim3A_226 : vector<16xi1>, vector<16xi32>
      %swap3A_228 = arith.constant 48 : index
      %swap3A_229 = tpu.vector_load %arg7[%swap3A_228] {strides = array<i32>} : memref<80xi32, #tpu.memory_space<vmem>>, vector<16xi32>,
      tpu.vector_store %arg7[%swap3A_228], %select_n3A_227 {strides = array<i32>} : memref<80xi32, #tpu.memory_space<vmem>>, vector<16xi32>,
      %get3A_230 = arith.constant 64 : index
      %get3A_231 = tpu.vector_load %arg6[%get3A_230] {strides = array<i32>} : memref<80xi32, #tpu.memory_space<vmem>>, vector<16xi32>,
      %ge3A_232 = vector.broadcast %mul3A_0 : i32 to vector<16xi32>
      %ge3A_233 = arith.cmpi sge, %get3A_231, %ge3A_232 : vector<16xi32>
      %add3A_234 = arith.constant 5000 : i32
      %add3A_235 = arith.addi %mul3A_0, %add3A_234 : i32
      %lt3A_236 = vector.broadcast %add3A_235 : i32 to vector<16xi32>
      %lt3A_237 = arith.cmpi slt, %get3A_231, %lt3A_236 : vector<16xi32>
      %and3A_238 = arith.andi %ge3A_233, %lt3A_237 : vector<16xi1>
      %sub3A_239 = vector.broadcast %mul3A_0 : i32 to vector<16xi32>
      %sub3A_240 = arith.subi %get3A_231, %sub3A_239 : vector<16xi32>
      %jit3A_241 = arith.constant 5000 : i32
      %broadcast_in_dim3A_242 = vector.broadcast %jit3A_241 : i32 to vector<16xi32>
      %select_n3A_243 = arith.select %and3A_238, %sub3A_240, %broadcast_in_dim3A_242 : vector<16xi1>, vector<16xi32>
      %swap3A_244 = arith.constant 64 : index
      %swap3A_245 = tpu.vector_load %arg7[%swap3A_244] {strides = array<i32>} : memref<80xi32, #tpu.memory_space<vmem>>, vector<16xi32>,
      tpu.vector_store %arg7[%swap3A_244], %select_n3A_243 {strides = array<i32>} : memref<80xi32, #tpu.memory_space<vmem>>, vector<16xi32>,
      %dma_wait3A_246 = arith.constant 0 : i32
      %dma_wait3A_247 = arith.constant 0 : i32
      %dma_wait3A_248 = tpu.memref_slice %arg2[%dma_wait3A_246, %dma_wait3A_247] : memref<10000x256xf32, #tpu.memory_space<hbm>> -> memref<10000x256xf32, #tpu.memory_space<hbm>>
      tpu.wait_indirect_dma semaphore(%arg15 : memref<!tpu.dma_semaphore, #tpu.memory_space<semaphore_mem>>) src(%dma_wait3A_248 : memref<10000x256xf32, #tpu.memory_space<hbm>>) dst(%arg8 : memref<80x256xf32, #tpu.memory_space<vmem>>)
      %add3A_249 = arith.constant 2 : i32
      %add3A_250 = arith.addi %mul3A_148, %add3A_249 : i32
      %mul3A_251 = arith.constant 80 : i32
      %mul3A_252 = arith.muli %add3A_250, %mul3A_251 : i32
      %add3A_253 = arith.addi %mul3A_14, %mul3A_252 : i32
      %dma_start3A_254 = arith.constant 0 : i32
      %dma_start3A_255 = tpu.memref_slice %arg3[%dma_start3A_254, %add3A_253] : memref<2x160000xi32, #tpu.memory_space<hbm>> -> memref<1x80xi32, #tpu.memory_space<hbm>>
      %dma_start3A_256 = tpu.memref_squeeze %dma_start3A_255 : memref<1x80xi32, #tpu.memory_space<hbm>> -> memref<80xi32, #tpu.memory_space<hbm>>
      %dma_start3A_257 = tpu.memref_slice %arg3[%dma_start3A_254, %add3A_253] : memref<2x160000xi32, #tpu.memory_space<hbm>> -> memref<1x80xi32, #tpu.memory_space<hbm>>
      %dma_start3A_258 = tpu.memref_squeeze %dma_start3A_257 : memref<1x80xi32, #tpu.memory_space<hbm>> -> memref<80xi32, #tpu.memory_space<hbm>>
      tpu.enqueue_dma source(%dma_start3A_258 : memref<80xi32, #tpu.memory_space<hbm>>) target(%arg5 : memref<80xi32, #tpu.memory_space<vmem>>) target_semaphore(%arg14 : memref<!tpu.dma_semaphore, #tpu.memory_space<semaphore_mem>>)
      %dma_start3A_259 = arith.constant 1 : i32
      %dma_start3A_260 = tpu.memref_slice %arg3[%dma_start3A_259, %add3A_253] : memref<2x160000xi32, #tpu.memory_space<hbm>> -> memref<1x80xi32, #tpu.memory_space<hbm>>
      %dma_start3A_261 = tpu.memref_squeeze %dma_start3A_260 : memref<1x80xi32, #tpu.memory_space<hbm>> -> memref<80xi32, #tpu.memory_space<hbm>>
      %dma_start3A_262 = tpu.memref_slice %arg3[%dma_start3A_259, %add3A_253] : memref<2x160000xi32, #tpu.memory_space<hbm>> -> memref<1x80xi32, #tpu.memory_space<hbm>>
      %dma_start3A_263 = tpu.memref_squeeze %dma_start3A_262 : memref<1x80xi32, #tpu.memory_space<hbm>> -> memref<80xi32, #tpu.memory_space<hbm>>
      tpu.enqueue_dma source(%dma_start3A_263 : memref<80xi32, #tpu.memory_space<hbm>>) target(%arg6 : memref<80xi32, #tpu.memory_space<vmem>>) target_semaphore(%arg14 : memref<!tpu.dma_semaphore, #tpu.memory_space<semaphore_mem>>)
      "tpu.region"() ({
        %run_scoped3A = tpu.sem_alloc : memref<!tpu.dma_semaphore, #tpu.memory_space<semaphore_mem>>
        %dma_start3A_369 = arith.constant 0 : i32
        %dma_start3A_370 = arith.constant 0 : i32
        %dma_start3A_371 = tpu.memref_slice %arg13[%dma_start3A_369, %dma_start3A_370] : memref<5008x256xf32, #tpu.memory_space<vmem_shared>> -> memref<5008x256xf32, #tpu.memory_space<vmem_shared>>
        tpu.enqueue_indirect_dma source(%arg8 : memref<80x256xf32, #tpu.memory_space<vmem>>) target(%dma_start3A_371 : memref<5008x256xf32, #tpu.memory_space<vmem_shared>>) offsets(%arg7 : memref<80xi32, #tpu.memory_space<vmem>>) semaphore(%run_scoped3A : memref<!tpu.dma_semaphore, #tpu.memory_space<semaphore_mem>>) {add = true}
        %dma_wait3A_372 = arith.constant 0 : i32
        %dma_wait3A_373 = arith.constant 0 : i32
        %dma_wait3A_374 = tpu.memref_slice %arg13[%dma_wait3A_372, %dma_wait3A_373] : memref<5008x256xf32, #tpu.memory_space<vmem_shared>> -> memref<5008x256xf32, #tpu.memory_space<vmem_shared>>
        tpu.wait_indirect_dma semaphore(%run_scoped3A : memref<!tpu.dma_semaphore, #tpu.memory_space<semaphore_mem>>) src(%arg8 : memref<80x256xf32, #tpu.memory_space<vmem>>) dst(%dma_wait3A_374 : memref<5008x256xf32, #tpu.memory_space<vmem_shared>>)
        tpu.yield
      }) : () -> ()
      %get3A_264 = arith.constant 0 : index
      %get3A_265 = tpu.vector_load %arg10[%get3A_264] {strides = array<i32>} : memref<80xi32, #tpu.memory_space<vmem>>, vector<16xi32>,
      %ge3A_266 = vector.broadcast %mul3A_0 : i32 to vector<16xi32>
      %ge3A_267 = arith.cmpi sge, %get3A_265, %ge3A_266 : vector<16xi32>
      %add3A_268 = arith.constant 5000 : i32
      %add3A_269 = arith.addi %mul3A_0, %add3A_268 : i32
      %lt3A_270 = vector.broadcast %add3A_269 : i32 to vector<16xi32>
      %lt3A_271 = arith.cmpi slt, %get3A_265, %lt3A_270 : vector<16xi32>
      %and3A_272 = arith.andi %ge3A_267, %lt3A_271 : vector<16xi1>
      %sub3A_273 = vector.broadcast %mul3A_0 : i32 to vector<16xi32>
      %sub3A_274 = arith.subi %get3A_265, %sub3A_273 : vector<16xi32>
      %jit3A_275 = arith.constant 5000 : i32
      %broadcast_in_dim3A_276 = vector.broadcast %jit3A_275 : i32 to vector<16xi32>
      %select_n3A_277 = arith.select %and3A_272, %sub3A_274, %broadcast_in_dim3A_276 : vector<16xi1>, vector<16xi32>
      %swap3A_278 = arith.constant 0 : index
      %swap3A_279 = tpu.vector_load %arg11[%swap3A_278] {strides = array<i32>} : memref<80xi32, #tpu.memory_space<vmem>>, vector<16xi32>,
      tpu.vector_store %arg11[%swap3A_278], %select_n3A_277 {strides = array<i32>} : memref<80xi32, #tpu.memory_space<vmem>>, vector<16xi32>,
      %get3A_280 = arith.constant 16 : index
      %get3A_281 = tpu.vector_load %arg10[%get3A_280] {strides = array<i32>} : memref<80xi32, #tpu.memory_space<vmem>>, vector<16xi32>,
      %ge3A_282 = vector.broadcast %mul3A_0 : i32 to vector<16xi32>
      %ge3A_283 = arith.cmpi sge, %get3A_281, %ge3A_282 : vector<16xi32>
      %add3A_284 = arith.constant 5000 : i32
      %add3A_285 = arith.addi %mul3A_0, %add3A_284 : i32
      %lt3A_286 = vector.broadcast %add3A_285 : i32 to vector<16xi32>
      %lt3A_287 = arith.cmpi slt, %get3A_281, %lt3A_286 : vector<16xi32>
      %and3A_288 = arith.andi %ge3A_283, %lt3A_287 : vector<16xi1>
      %sub3A_289 = vector.broadcast %mul3A_0 : i32 to vector<16xi32>
      %sub3A_290 = arith.subi %get3A_281, %sub3A_289 : vector<16xi32>
      %jit3A_291 = arith.constant 5000 : i32
      %broadcast_in_dim3A_292 = vector.broadcast %jit3A_291 : i32 to vector<16xi32>
      %select_n3A_293 = arith.select %and3A_288, %sub3A_290, %broadcast_in_dim3A_292 : vector<16xi1>, vector<16xi32>
      %swap3A_294 = arith.constant 16 : index
      %swap3A_295 = tpu.vector_load %arg11[%swap3A_294] {strides = array<i32>} : memref<80xi32, #tpu.memory_space<vmem>>, vector<16xi32>,
      tpu.vector_store %arg11[%swap3A_294], %select_n3A_293 {strides = array<i32>} : memref<80xi32, #tpu.memory_space<vmem>>, vector<16xi32>,
      %get3A_296 = arith.constant 32 : index
      %get3A_297 = tpu.vector_load %arg10[%get3A_296] {strides = array<i32>} : memref<80xi32, #tpu.memory_space<vmem>>, vector<16xi32>,
      %ge3A_298 = vector.broadcast %mul3A_0 : i32 to vector<16xi32>
      %ge3A_299 = arith.cmpi sge, %get3A_297, %ge3A_298 : vector<16xi32>
      %add3A_300 = arith.constant 5000 : i32
      %add3A_301 = arith.addi %mul3A_0, %add3A_300 : i32
      %lt3A_302 = vector.broadcast %add3A_301 : i32 to vector<16xi32>
      %lt3A_303 = arith.cmpi slt, %get3A_297, %lt3A_302 : vector<16xi32>
      %and3A_304 = arith.andi %ge3A_299, %lt3A_303 : vector<16xi1>
      %sub3A_305 = vector.broadcast %mul3A_0 : i32 to vector<16xi32>
      %sub3A_306 = arith.subi %get3A_297, %sub3A_305 : vector<16xi32>
      %jit3A_307 = arith.constant 5000 : i32
      %broadcast_in_dim3A_308 = vector.broadcast %jit3A_307 : i32 to vector<16xi32>
      %select_n3A_309 = arith.select %and3A_304, %sub3A_306, %broadcast_in_dim3A_308 : vector<16xi1>, vector<16xi32>
      %swap3A_310 = arith.constant 32 : index
      %swap3A_311 = tpu.vector_load %arg11[%swap3A_310] {strides = array<i32>} : memref<80xi32, #tpu.memory_space<vmem>>, vector<16xi32>,
      tpu.vector_store %arg11[%swap3A_310], %select_n3A_309 {strides = array<i32>} : memref<80xi32, #tpu.memory_space<vmem>>, vector<16xi32>,
      %get3A_312 = arith.constant 48 : index
      %get3A_313 = tpu.vector_load %arg10[%get3A_312] {strides = array<i32>} : memref<80xi32, #tpu.memory_space<vmem>>, vector<16xi32>,
      %ge3A_314 = vector.broadcast %mul3A_0 : i32 to vector<16xi32>
      %ge3A_315 = arith.cmpi sge, %get3A_313, %ge3A_314 : vector<16xi32>
      %add3A_316 = arith.constant 5000 : i32
      %add3A_317 = arith.addi %mul3A_0, %add3A_316 : i32
      %lt3A_318 = vector.broadcast %add3A_317 : i32 to vector<16xi32>
      %lt3A_319 = arith.cmpi slt, %get3A_313, %lt3A_318 : vector<16xi32>
      %and3A_320 = arith.andi %ge3A_315, %lt3A_319 : vector<16xi1>
      %sub3A_321 = vector.broadcast %mul3A_0 : i32 to vector<16xi32>
      %sub3A_322 = arith.subi %get3A_313, %sub3A_321 : vector<16xi32>
      %jit3A_323 = arith.constant 5000 : i32
      %broadcast_in_dim3A_324 = vector.broadcast %jit3A_323 : i32 to vector<16xi32>
      %select_n3A_325 = arith.select %and3A_320, %sub3A_322, %broadcast_in_dim3A_324 : vector<16xi1>, vector<16xi32>
      %swap3A_326 = arith.constant 48 : index
      %swap3A_327 = tpu.vector_load %arg11[%swap3A_326] {strides = array<i32>} : memref<80xi32, #tpu.memory_space<vmem>>, vector<16xi32>,
      tpu.vector_store %arg11[%swap3A_326], %select_n3A_325 {strides = array<i32>} : memref<80xi32, #tpu.memory_space<vmem>>, vector<16xi32>,
      %get3A_328 = arith.constant 64 : index
      %get3A_329 = tpu.vector_load %arg10[%get3A_328] {strides = array<i32>} : memref<80xi32, #tpu.memory_space<vmem>>, vector<16xi32>,
      %ge3A_330 = vector.broadcast %mul3A_0 : i32 to vector<16xi32>
      %ge3A_331 = arith.cmpi sge, %get3A_329, %ge3A_330 : vector<16xi32>
      %add3A_332 = arith.constant 5000 : i32
      %add3A_333 = arith.addi %mul3A_0, %add3A_332 : i32
      %lt3A_334 = vector.broadcast %add3A_333 : i32 to vector<16xi32>
      %lt3A_335 = arith.cmpi slt, %get3A_329, %lt3A_334 : vector<16xi32>
      %and3A_336 = arith.andi %ge3A_331, %lt3A_335 : vector<16xi1>
      %sub3A_337 = vector.broadcast %mul3A_0 : i32 to vector<16xi32>
      %sub3A_338 = arith.subi %get3A_329, %sub3A_337 : vector<16xi32>
      %jit3A_339 = arith.constant 5000 : i32
      %broadcast_in_dim3A_340 = vector.broadcast %jit3A_339 : i32 to vector<16xi32>
      %select_n3A_341 = arith.select %and3A_336, %sub3A_338, %broadcast_in_dim3A_340 : vector<16xi1>, vector<16xi32>
      %swap3A_342 = arith.constant 64 : index
      %swap3A_343 = tpu.vector_load %arg11[%swap3A_342] {strides = array<i32>} : memref<80xi32, #tpu.memory_space<vmem>>, vector<16xi32>,
      tpu.vector_store %arg11[%swap3A_342], %select_n3A_341 {strides = array<i32>} : memref<80xi32, #tpu.memory_space<vmem>>, vector<16xi32>,
      %dma_wait3A_344 = arith.constant 0 : i32
      %dma_wait3A_345 = arith.constant 0 : i32
      %dma_wait3A_346 = tpu.memref_slice %arg2[%dma_wait3A_344, %dma_wait3A_345] : memref<10000x256xf32, #tpu.memory_space<hbm>> -> memref<10000x256xf32, #tpu.memory_space<hbm>>
      tpu.wait_indirect_dma semaphore(%arg17 : memref<!tpu.dma_semaphore, #tpu.memory_space<semaphore_mem>>) src(%dma_wait3A_346 : memref<10000x256xf32, #tpu.memory_space<hbm>>) dst(%arg12 : memref<80x256xf32, #tpu.memory_space<vmem>>)
      %dma_wait3A_347 = arith.constant 0 : i32
      %dma_wait3A_348 = arith.constant 0 : i32
      %dma_wait3A_349 = tpu.memref_slice %arg3[%dma_wait3A_347, %dma_wait3A_348] : memref<2x160000xi32, #tpu.memory_space<hbm>> -> memref<1x80xi32, #tpu.memory_space<hbm>>
      %dma_wait3A_350 = tpu.memref_squeeze %dma_wait3A_349 : memref<1x80xi32, #tpu.memory_space<hbm>> -> memref<80xi32, #tpu.memory_space<hbm>>
      %dma_wait3A_351 = arith.constant 0 : i32
      %dma_wait3A_352 = tpu.memref_slice %arg3[%dma_wait3A_347, %dma_wait3A_351] : memref<2x160000xi32, #tpu.memory_space<hbm>> -> memref<1x80xi32, #tpu.memory_space<hbm>>
      %dma_wait3A_353 = tpu.memref_squeeze %dma_wait3A_352 : memref<1x80xi32, #tpu.memory_space<hbm>> -> memref<80xi32, #tpu.memory_space<hbm>>
      tpu.wait_dma2 semaphore(%arg14 : memref<!tpu.dma_semaphore, #tpu.memory_space<semaphore_mem>>) src(%dma_wait3A_353 : memref<80xi32, #tpu.memory_space<hbm>>) dst(%arg5 : memref<80xi32, #tpu.memory_space<vmem>>)
      %dma_wait3A_354 = arith.constant 1 : i32
      %dma_wait3A_355 = arith.constant 0 : i32
      %dma_wait3A_356 = tpu.memref_slice %arg3[%dma_wait3A_354, %dma_wait3A_355] : memref<2x160000xi32, #tpu.memory_space<hbm>> -> memref<1x80xi32, #tpu.memory_space<hbm>>
      %dma_wait3A_357 = tpu.memref_squeeze %dma_wait3A_356 : memref<1x80xi32, #tpu.memory_space<hbm>> -> memref<80xi32, #tpu.memory_space<hbm>>
      %dma_wait3A_358 = arith.constant 0 : i32
      %dma_wait3A_359 = tpu.memref_slice %arg3[%dma_wait3A_354, %dma_wait3A_358] : memref<2x160000xi32, #tpu.memory_space<hbm>> -> memref<1x80xi32, #tpu.memory_space<hbm>>
      %dma_wait3A_360 = tpu.memref_squeeze %dma_wait3A_359 : memref<1x80xi32, #tpu.memory_space<hbm>> -> memref<80xi32, #tpu.memory_space<hbm>>
      tpu.wait_dma2 semaphore(%arg14 : memref<!tpu.dma_semaphore, #tpu.memory_space<semaphore_mem>>) src(%dma_wait3A_360 : memref<80xi32, #tpu.memory_space<hbm>>) dst(%arg6 : memref<80xi32, #tpu.memory_space<vmem>>)
      %dma_start3A_361 = arith.constant 0 : i32
      %dma_start3A_362 = arith.constant 0 : i32
      %dma_start3A_363 = tpu.memref_slice %arg2[%dma_start3A_361, %dma_start3A_362] : memref<10000x256xf32, #tpu.memory_space<hbm>> -> memref<10000x256xf32, #tpu.memory_space<hbm>>
      tpu.enqueue_indirect_dma source(%dma_start3A_363 : memref<10000x256xf32, #tpu.memory_space<hbm>>) target(%arg8 : memref<80x256xf32, #tpu.memory_space<vmem>>) offsets(%arg5 : memref<80xi32, #tpu.memory_space<vmem>>) semaphore(%arg15 : memref<!tpu.dma_semaphore, #tpu.memory_space<semaphore_mem>>)
      %lt3A_364 = arith.constant 61 : i32
      %lt3A_365 = arith.cmpi slt, %scan3A_146, %lt3A_364 : i32
      %convert_element_type3A_366 = arith.extui %lt3A_365 : i1 to i32
      %cond3A_367 = arith.constant 0 : i32
      %cond3A_368 = arith.cmpi ne, %convert_element_type3A_366, %cond3A_367 : i32
      scf.if %cond3A_368 {
        %add3A_369 = arith.constant 3 : i32
        %add3A_370 = arith.addi %mul3A_148, %add3A_369 : i32
        %mul3A_371 = arith.constant 80 : i32
        %mul3A_372 = arith.muli %add3A_370, %mul3A_371 : i32
        %add3A_373 = arith.addi %mul3A_14, %mul3A_372 : i32
        %dma_start3A_374 = arith.constant 0 : i32
        %dma_start3A_375 = tpu.memref_slice %arg3[%dma_start3A_374, %add3A_373] : memref<2x160000xi32, #tpu.memory_space<hbm>> -> memref<1x80xi32, #tpu.memory_space<hbm>>
        %dma_start3A_376 = tpu.memref_squeeze %dma_start3A_375 : memref<1x80xi32, #tpu.memory_space<hbm>> -> memref<80xi32, #tpu.memory_space<hbm>>
        %dma_start3A_377 = tpu.memref_slice %arg3[%dma_start3A_374, %add3A_373] : memref<2x160000xi32, #tpu.memory_space<hbm>> -> memref<1x80xi32, #tpu.memory_space<hbm>>
        %dma_start3A_378 = tpu.memref_squeeze %dma_start3A_377 : memref<1x80xi32, #tpu.memory_space<hbm>> -> memref<80xi32, #tpu.memory_space<hbm>>
        tpu.enqueue_dma source(%dma_start3A_378 : memref<80xi32, #tpu.memory_space<hbm>>) target(%arg9 : memref<80xi32, #tpu.memory_space<vmem>>) target_semaphore(%arg16 : memref<!tpu.dma_semaphore, #tpu.memory_space<semaphore_mem>>)
        %dma_start3A_379 = arith.constant 1 : i32
        %dma_start3A_380 = tpu.memref_slice %arg3[%dma_start3A_379, %add3A_373] : memref<2x160000xi32, #tpu.memory_space<hbm>> -> memref<1x80xi32, #tpu.memory_space<hbm>>
        %dma_start3A_381 = tpu.memref_squeeze %dma_start3A_380 : memref<1x80xi32, #tpu.memory_space<hbm>> -> memref<80xi32, #tpu.memory_space<hbm>>
        %dma_start3A_382 = tpu.memref_slice %arg3[%dma_start3A_379, %add3A_373] : memref<2x160000xi32, #tpu.memory_space<hbm>> -> memref<1x80xi32, #tpu.memory_space<hbm>>
        %dma_start3A_383 = tpu.memref_squeeze %dma_start3A_382 : memref<1x80xi32, #tpu.memory_space<hbm>> -> memref<80xi32, #tpu.memory_space<hbm>>
        tpu.enqueue_dma source(%dma_start3A_383 : memref<80xi32, #tpu.memory_space<hbm>>) target(%arg10 : memref<80xi32, #tpu.memory_space<vmem>>) target_semaphore(%arg16 : memref<!tpu.dma_semaphore, #tpu.memory_space<semaphore_mem>>)
      } else {
      }
      "tpu.region"() ({
        %run_scoped3A = tpu.sem_alloc : memref<!tpu.dma_semaphore, #tpu.memory_space<semaphore_mem>>
        %dma_start3A_369 = arith.constant 0 : i32
        %dma_start3A_370 = arith.constant 0 : i32
        %dma_start3A_371 = tpu.memref_slice %arg13[%dma_start3A_369, %dma_start3A_370] : memref<5008x256xf32, #tpu.memory_space<vmem_shared>> -> memref<5008x256xf32, #tpu.memory_space<vmem_shared>>
        tpu.enqueue_indirect_dma source(%arg12 : memref<80x256xf32, #tpu.memory_space<vmem>>) target(%dma_start3A_371 : memref<5008x256xf32, #tpu.memory_space<vmem_shared>>) offsets(%arg11 : memref<80xi32, #tpu.memory_space<vmem>>) semaphore(%run_scoped3A : memref<!tpu.dma_semaphore, #tpu.memory_space<semaphore_mem>>) {add = true}
        %dma_wait3A_372 = arith.constant 0 : i32
        %dma_wait3A_373 = arith.constant 0 : i32
        %dma_wait3A_374 = tpu.memref_slice %arg13[%dma_wait3A_372, %dma_wait3A_373] : memref<5008x256xf32, #tpu.memory_space<vmem_shared>> -> memref<5008x256xf32, #tpu.memory_space<vmem_shared>>
        tpu.wait_indirect_dma semaphore(%run_scoped3A : memref<!tpu.dma_semaphore, #tpu.memory_space<semaphore_mem>>) src(%arg12 : memref<80x256xf32, #tpu.memory_space<vmem>>) dst(%dma_wait3A_374 : memref<5008x256xf32, #tpu.memory_space<vmem_shared>>)
        tpu.yield
      }) : () -> ()
    }
    %scan3A_58 = arith.constant 62 : i32
    %get3A = arith.constant 0 : index
    %get3A_59 = tpu.vector_load %arg6[%get3A] {strides = array<i32>} : memref<80xi32, #tpu.memory_space<vmem>>, vector<16xi32>,
    %ge3A = vector.broadcast %mul3A_0 : i32 to vector<16xi32>
    %ge3A_60 = arith.cmpi sge, %get3A_59, %ge3A : vector<16xi32>
    %add3A_61 = arith.constant 5000 : i32
    %add3A_62 = arith.addi %mul3A_0, %add3A_61 : i32
    %lt3A_63 = vector.broadcast %add3A_62 : i32 to vector<16xi32>
    %lt3A_64 = arith.cmpi slt, %get3A_59, %lt3A_63 : vector<16xi32>
    %and3A = arith.andi %ge3A_60, %lt3A_64 : vector<16xi1>
    %sub3A = vector.broadcast %mul3A_0 : i32 to vector<16xi32>
    %sub3A_65 = arith.subi %get3A_59, %sub3A : vector<16xi32>
    %jit3A = arith.constant 5000 : i32
    %broadcast_in_dim3A_66 = vector.broadcast %jit3A : i32 to vector<16xi32>
    %select_n3A = arith.select %and3A, %sub3A_65, %broadcast_in_dim3A_66 : vector<16xi1>, vector<16xi32>
    %swap3A = arith.constant 0 : index
    %swap3A_67 = tpu.vector_load %arg7[%swap3A] {strides = array<i32>} : memref<80xi32, #tpu.memory_space<vmem>>, vector<16xi32>,
    tpu.vector_store %arg7[%swap3A], %select_n3A {strides = array<i32>} : memref<80xi32, #tpu.memory_space<vmem>>, vector<16xi32>,
    %get3A_68 = arith.constant 16 : index
    %get3A_69 = tpu.vector_load %arg6[%get3A_68] {strides = array<i32>} : memref<80xi32, #tpu.memory_space<vmem>>, vector<16xi32>,
    %ge3A_70 = vector.broadcast %mul3A_0 : i32 to vector<16xi32>
    %ge3A_71 = arith.cmpi sge, %get3A_69, %ge3A_70 : vector<16xi32>
    %add3A_72 = arith.constant 5000 : i32
    %add3A_73 = arith.addi %mul3A_0, %add3A_72 : i32
    %lt3A_74 = vector.broadcast %add3A_73 : i32 to vector<16xi32>
    %lt3A_75 = arith.cmpi slt, %get3A_69, %lt3A_74 : vector<16xi32>
    %and3A_76 = arith.andi %ge3A_71, %lt3A_75 : vector<16xi1>
    %sub3A_77 = vector.broadcast %mul3A_0 : i32 to vector<16xi32>
    %sub3A_78 = arith.subi %get3A_69, %sub3A_77 : vector<16xi32>
    %jit3A_79 = arith.constant 5000 : i32
    %broadcast_in_dim3A_80 = vector.broadcast %jit3A_79 : i32 to vector<16xi32>
    %select_n3A_81 = arith.select %and3A_76, %sub3A_78, %broadcast_in_dim3A_80 : vector<16xi1>, vector<16xi32>
    %swap3A_82 = arith.constant 16 : index
    %swap3A_83 = tpu.vector_load %arg7[%swap3A_82] {strides = array<i32>} : memref<80xi32, #tpu.memory_space<vmem>>, vector<16xi32>,
    tpu.vector_store %arg7[%swap3A_82], %select_n3A_81 {strides = array<i32>} : memref<80xi32, #tpu.memory_space<vmem>>, vector<16xi32>,
    %get3A_84 = arith.constant 32 : index
    %get3A_85 = tpu.vector_load %arg6[%get3A_84] {strides = array<i32>} : memref<80xi32, #tpu.memory_space<vmem>>, vector<16xi32>,
    %ge3A_86 = vector.broadcast %mul3A_0 : i32 to vector<16xi32>
    %ge3A_87 = arith.cmpi sge, %get3A_85, %ge3A_86 : vector<16xi32>
    %add3A_88 = arith.constant 5000 : i32
    %add3A_89 = arith.addi %mul3A_0, %add3A_88 : i32
    %lt3A_90 = vector.broadcast %add3A_89 : i32 to vector<16xi32>
    %lt3A_91 = arith.cmpi slt, %get3A_85, %lt3A_90 : vector<16xi32>
    %and3A_92 = arith.andi %ge3A_87, %lt3A_91 : vector<16xi1>
    %sub3A_93 = vector.broadcast %mul3A_0 : i32 to vector<16xi32>
    %sub3A_94 = arith.subi %get3A_85, %sub3A_93 : vector<16xi32>
    %jit3A_95 = arith.constant 5000 : i32
    %broadcast_in_dim3A_96 = vector.broadcast %jit3A_95 : i32 to vector<16xi32>
    %select_n3A_97 = arith.select %and3A_92, %sub3A_94, %broadcast_in_dim3A_96 : vector<16xi1>, vector<16xi32>
    %swap3A_98 = arith.constant 32 : index
    %swap3A_99 = tpu.vector_load %arg7[%swap3A_98] {strides = array<i32>} : memref<80xi32, #tpu.memory_space<vmem>>, vector<16xi32>,
    tpu.vector_store %arg7[%swap3A_98], %select_n3A_97 {strides = array<i32>} : memref<80xi32, #tpu.memory_space<vmem>>, vector<16xi32>,
    %get3A_100 = arith.constant 48 : index
    %get3A_101 = tpu.vector_load %arg6[%get3A_100] {strides = array<i32>} : memref<80xi32, #tpu.memory_space<vmem>>, vector<16xi32>,
    %ge3A_102 = vector.broadcast %mul3A_0 : i32 to vector<16xi32>
    %ge3A_103 = arith.cmpi sge, %get3A_101, %ge3A_102 : vector<16xi32>
    %add3A_104 = arith.constant 5000 : i32
    %add3A_105 = arith.addi %mul3A_0, %add3A_104 : i32
    %lt3A_106 = vector.broadcast %add3A_105 : i32 to vector<16xi32>
    %lt3A_107 = arith.cmpi slt, %get3A_101, %lt3A_106 : vector<16xi32>
    %and3A_108 = arith.andi %ge3A_103, %lt3A_107 : vector<16xi1>
    %sub3A_109 = vector.broadcast %mul3A_0 : i32 to vector<16xi32>
    %sub3A_110 = arith.subi %get3A_101, %sub3A_109 : vector<16xi32>
    %jit3A_111 = arith.constant 5000 : i32
    %broadcast_in_dim3A_112 = vector.broadcast %jit3A_111 : i32 to vector<16xi32>
    %select_n3A_113 = arith.select %and3A_108, %sub3A_110, %broadcast_in_dim3A_112 : vector<16xi1>, vector<16xi32>
    %swap3A_114 = arith.constant 48 : index
    %swap3A_115 = tpu.vector_load %arg7[%swap3A_114] {strides = array<i32>} : memref<80xi32, #tpu.memory_space<vmem>>, vector<16xi32>,
    tpu.vector_store %arg7[%swap3A_114], %select_n3A_113 {strides = array<i32>} : memref<80xi32, #tpu.memory_space<vmem>>, vector<16xi32>,
    %get3A_116 = arith.constant 64 : index
    %get3A_117 = tpu.vector_load %arg6[%get3A_116] {strides = array<i32>} : memref<80xi32, #tpu.memory_space<vmem>>, vector<16xi32>,
    %ge3A_118 = vector.broadcast %mul3A_0 : i32 to vector<16xi32>
    %ge3A_119 = arith.cmpi sge, %get3A_117, %ge3A_118 : vector<16xi32>
    %add3A_120 = arith.constant 5000 : i32
    %add3A_121 = arith.addi %mul3A_0, %add3A_120 : i32
    %lt3A_122 = vector.broadcast %add3A_121 : i32 to vector<16xi32>
    %lt3A_123 = arith.cmpi slt, %get3A_117, %lt3A_122 : vector<16xi32>
    %and3A_124 = arith.andi %ge3A_119, %lt3A_123 : vector<16xi1>
    %sub3A_125 = vector.broadcast %mul3A_0 : i32 to vector<16xi32>
    %sub3A_126 = arith.subi %get3A_117, %sub3A_125 : vector<16xi32>
    %jit3A_127 = arith.constant 5000 : i32
    %broadcast_in_dim3A_128 = vector.broadcast %jit3A_127 : i32 to vector<16xi32>
    %select_n3A_129 = arith.select %and3A_124, %sub3A_126, %broadcast_in_dim3A_128 : vector<16xi1>, vector<16xi32>
    %swap3A_130 = arith.constant 64 : index
    %swap3A_131 = tpu.vector_load %arg7[%swap3A_130] {strides = array<i32>} : memref<80xi32, #tpu.memory_space<vmem>>, vector<16xi32>,
    tpu.vector_store %arg7[%swap3A_130], %select_n3A_129 {strides = array<i32>} : memref<80xi32, #tpu.memory_space<vmem>>, vector<16xi32>,
    %dma_wait3A_132 = arith.constant 0 : i32
    %dma_wait3A_133 = arith.constant 0 : i32
    %dma_wait3A_134 = tpu.memref_slice %arg2[%dma_wait3A_132, %dma_wait3A_133] : memref<10000x256xf32, #tpu.memory_space<hbm>> -> memref<10000x256xf32, #tpu.memory_space<hbm>>
    tpu.wait_indirect_dma semaphore(%arg15 : memref<!tpu.dma_semaphore, #tpu.memory_space<semaphore_mem>>) src(%dma_wait3A_134 : memref<10000x256xf32, #tpu.memory_space<hbm>>) dst(%arg8 : memref<80x256xf32, #tpu.memory_space<vmem>>)
    "tpu.region"() ({
      %run_scoped3A = tpu.sem_alloc : memref<!tpu.dma_semaphore, #tpu.memory_space<semaphore_mem>>
      %dma_start3A_146 = arith.constant 0 : i32
      %dma_start3A_147 = arith.constant 0 : i32
      %dma_start3A_148 = tpu.memref_slice %arg13[%dma_start3A_146, %dma_start3A_147] : memref<5008x256xf32, #tpu.memory_space<vmem_shared>> -> memref<5008x256xf32, #tpu.memory_space<vmem_shared>>
      tpu.enqueue_indirect_dma source(%arg8 : memref<80x256xf32, #tpu.memory_space<vmem>>) target(%dma_start3A_148 : memref<5008x256xf32, #tpu.memory_space<vmem_shared>>) offsets(%arg7 : memref<80xi32, #tpu.memory_space<vmem>>) semaphore(%run_scoped3A : memref<!tpu.dma_semaphore, #tpu.memory_space<semaphore_mem>>) {add = true}
      %dma_wait3A_149 = arith.constant 0 : i32
      %dma_wait3A_150 = arith.constant 0 : i32
      %dma_wait3A_151 = tpu.memref_slice %arg13[%dma_wait3A_149, %dma_wait3A_150] : memref<5008x256xf32, #tpu.memory_space<vmem_shared>> -> memref<5008x256xf32, #tpu.memory_space<vmem_shared>>
      tpu.wait_indirect_dma semaphore(%run_scoped3A : memref<!tpu.dma_semaphore, #tpu.memory_space<semaphore_mem>>) src(%arg8 : memref<80x256xf32, #tpu.memory_space<vmem>>) dst(%dma_wait3A_151 : memref<5008x256xf32, #tpu.memory_space<vmem_shared>>)
      tpu.yield
    }) : () -> ()
    %barrier3A_135 = arith.constant 0 : index
    tpu.barrier barrier_id(%barrier3A_135)
    %lt3A_136 = arith.constant 15 : i32
    %lt3A_137 = arith.cmpi slt, %arg1, %lt3A_136 : i32
    %convert_element_type3A_138 = arith.extui %lt3A_137 : i1 to i32
    %cond3A_139 = arith.constant 0 : i32
    %cond3A_140 = arith.cmpi ne, %convert_element_type3A_138, %cond3A_139 : i32
    scf.if %cond3A_140 {
      %mul3A_146 = arith.constant 320 : i32
      %mul3A_147 = arith.muli %arg1, %mul3A_146 : i32
      %mul3A_148 = arith.constant 320 : i32
      %mul3A_149 = arith.muli %arg1, %mul3A_148 : i32
      %add3A_150 = arith.addi %mul3A_0, %mul3A_149 : i32
      "tpu.region"() ({
        %run_scoped3A = tpu.sem_alloc : memref<!tpu.dma_semaphore, #tpu.memory_space<semaphore_mem>>
        %dma_start3A_151 = arith.constant 0 : i32
        %dma_start3A_152 = tpu.memref_slice %arg4[%add3A_150, %dma_start3A_151] : memref<10000x256xf32, #tpu.memory_space<hbm>> -> memref<320x256xf32, #tpu.memory_space<hbm>>
        %dma_start3A_153 = arith.constant 0 : i32
        %dma_start3A_154 = tpu.memref_slice %arg13[%mul3A_147, %dma_start3A_153] : memref<5008x256xf32, #tpu.memory_space<vmem_shared>> -> memref<320x256xf32, #tpu.memory_space<vmem_shared>>
        tpu.enqueue_dma source(%dma_start3A_154 : memref<320x256xf32, #tpu.memory_space<vmem_shared>>) target(%dma_start3A_152 : memref<320x256xf32, #tpu.memory_space<hbm>>) target_semaphore(%run_scoped3A : memref<!tpu.dma_semaphore, #tpu.memory_space<semaphore_mem>>)
        %dma_wait3A_155 = arith.constant 0 : i32
        %dma_wait3A_156 = tpu.memref_slice %arg4[%add3A_150, %dma_wait3A_155] : memref<10000x256xf32, #tpu.memory_space<hbm>> -> memref<320x256xf32, #tpu.memory_space<hbm>>
        %dma_wait3A_157 = arith.constant 0 : i32
        %dma_wait3A_158 = tpu.memref_slice %arg13[%mul3A_147, %dma_wait3A_157] : memref<5008x256xf32, #tpu.memory_space<vmem_shared>> -> memref<320x256xf32, #tpu.memory_space<vmem_shared>>
        tpu.wait_dma2 semaphore(%run_scoped3A : memref<!tpu.dma_semaphore, #tpu.memory_space<semaphore_mem>>) src(%dma_wait3A_158 : memref<320x256xf32, #tpu.memory_space<vmem_shared>>) dst(%dma_wait3A_156 : memref<320x256xf32, #tpu.memory_space<hbm>>)
        tpu.yield
      }) : () -> ()
    } else {
    }
    %eq3A_141 = arith.constant 15 : i32
    %eq3A_142 = arith.cmpi eq, %arg1, %eq3A_141 : i32
    %convert_element_type3A_143 = arith.extui %eq3A_142 : i1 to i32
    %cond3A_144 = arith.constant 0 : i32
    %cond3A_145 = arith.cmpi ne, %convert_element_type3A_143, %cond3A_144 : i32
    scf.if %cond3A_145 {
      %add3A_146 = arith.constant 4800 : i32
      %add3A_147 = arith.addi %mul3A_0, %add3A_146 : i32
      "tpu.region"() ({
        %run_scoped3A = tpu.sem_alloc : memref<!tpu.dma_semaphore, #tpu.memory_space<semaphore_mem>>
        %dma_start3A_148 = arith.constant 0 : i32
        %dma_start3A_149 = tpu.memref_slice %arg4[%add3A_147, %dma_start3A_148] : memref<10000x256xf32, #tpu.memory_space<hbm>> -> memref<200x256xf32, #tpu.memory_space<hbm>>
        %dma_start3A_150 = arith.constant 4800 : i32
        %dma_start3A_151 = arith.constant 0 : i32
        %dma_start3A_152 = tpu.memref_slice %arg13[%dma_start3A_150, %dma_start3A_151] : memref<5008x256xf32, #tpu.memory_space<vmem_shared>> -> memref<200x256xf32, #tpu.memory_space<vmem_shared>>
        tpu.enqueue_dma source(%dma_start3A_152 : memref<200x256xf32, #tpu.memory_space<vmem_shared>>) target(%dma_start3A_149 : memref<200x256xf32, #tpu.memory_space<hbm>>) target_semaphore(%run_scoped3A : memref<!tpu.dma_semaphore, #tpu.memory_space<semaphore_mem>>)
        %dma_wait3A_153 = arith.constant 0 : i32
        %dma_wait3A_154 = tpu.memref_slice %arg4[%add3A_147, %dma_wait3A_153] : memref<10000x256xf32, #tpu.memory_space<hbm>> -> memref<200x256xf32, #tpu.memory_space<hbm>>
        %dma_wait3A_155 = arith.constant 4800 : i32
        %dma_wait3A_156 = arith.constant 0 : i32
        %dma_wait3A_157 = tpu.memref_slice %arg13[%dma_wait3A_155, %dma_wait3A_156] : memref<5008x256xf32, #tpu.memory_space<vmem_shared>> -> memref<200x256xf32, #tpu.memory_space<vmem_shared>>
        tpu.wait_dma2 semaphore(%run_scoped3A : memref<!tpu.dma_semaphore, #tpu.memory_space<semaphore_mem>>) src(%dma_wait3A_157 : memref<200x256xf32, #tpu.memory_space<vmem_shared>>) dst(%dma_wait3A_154 : memref<200x256xf32, #tpu.memory_space<hbm>>)
        tpu.yield
      }) : () -> ()
    } else {
    }
    return
  }
}

module attributes {stable_mosaic.version = 14 : i64} {
  func.func @_y_body(%arg0: i32, %arg1: memref<1000x256xf32, #tpu.memory_space<vmem>>, %arg2: memref<256x256xf32, #tpu.memory_space<vmem>>, %arg3: memref<1000x1xf32, #tpu.memory_space<vmem>>, %arg4: memref<1000x1xf32, #tpu.memory_space<vmem>>, %arg5: memref<1000x256xf32, #tpu.memory_space<vmem>>, %arg6: memref<1000x1xf32, #tpu.memory_space<vmem>>) attributes {dimension_semantics = [#tpu.dimension_semantics<arbitrary>], iteration_bounds = array<i64: 10>, scalar_prefetch = 0 : i64, scratch_operands = 0 : i64, tpu.core_type = #tpu.core_type<tc>, window_params = [{transform_indices = @transform_0, window_bounds = array<i64: 1000, 256>}, {pipeline_mode = #tpu.pipeline_mode<synchronous>, transform_indices = @transform_1, window_bounds = array<i64: 256, 256>}, {transform_indices = @transform_2, window_bounds = array<i64: 1000, 1>}, {transform_indices = @transform_3, window_bounds = array<i64: 1000, 1>}, {transform_indices = @transform_4, window_bounds = array<i64: 1000, 256>}, {transform_indices = @transform_5, window_bounds = array<i64: 1000, 1>}]} {
    %get3A = arith.constant 0 : index
    %get3A_0 = arith.constant 0 : index
    %get3A_1 = vector.load %arg3[%get3A, %get3A_0] : memref<1000x1xf32, #tpu.memory_space<vmem>>, vector<1000x1xf32>
    %get3A_2 = arith.constant 0 : index
    %get3A_3 = arith.constant 0 : index
    %get3A_4 = vector.load %arg4[%get3A_2, %get3A_3] : memref<1000x1xf32, #tpu.memory_space<vmem>>, vector<1000x1xf32>
    %add3A = arith.addf %get3A_1, %get3A_4 : vector<1000x1xf32>
    %add3A_5 = arith.constant 1.000000e+00 : f32
    %add3A_6 = vector.broadcast %add3A_5 : f32 to vector<1000x1xf32>
    %add3A_7 = arith.addf %add3A, %add3A_6 : vector<1000x1xf32>
    %rsqrt3A = math.rsqrt %add3A_7 : vector<1000x1xf32>
    %get3A_8 = arith.constant 0 : index
    %get3A_9 = arith.constant 0 : index
    %get3A_10 = vector.load %arg1[%get3A_8, %get3A_9] : memref<1000x256xf32, #tpu.memory_space<vmem>>, vector<1000x256xf32>
    %get3A_11 = arith.constant 0 : index
    %get3A_12 = arith.constant 0 : index
    %get3A_13 = vector.load %arg2[%get3A_11, %get3A_12] : memref<256x256xf32, #tpu.memory_space<vmem>>, vector<256x256xf32>
    %dot_general3A = arith.constant dense<0.000000e+00> : vector<1000x256xf32>
    %dot_general3A_14 = tpu.matmul %get3A_10, %get3A_13, %dot_general3A {dimension_numbers = #tpu.dot_dimension_numbers<[1], [0], [0], [1], [0, 0, 1, 1], [], []>, transpose_lhs_hint = false} : vector<1000x256xf32>, vector<256x256xf32>, vector<1000x256xf32> -> vector<1000x256xf32>
    %mul3A = vector.broadcast %rsqrt3A : vector<1000x1xf32> to vector<1000x256xf32>
    %mul3A_15 = arith.mulf %dot_general3A_14, %mul3A : vector<1000x256xf32>
    %swap3A = arith.constant 0 : index
    %swap3A_16 = arith.constant 0 : index
    %swap3A_17 = vector.load %arg5[%swap3A, %swap3A_16] : memref<1000x256xf32, #tpu.memory_space<vmem>>, vector<1000x256xf32>
    tpu.vector_store %arg5[%swap3A, %swap3A_16], %mul3A_15 {strides = array<i32>} : memref<1000x256xf32, #tpu.memory_space<vmem>>, vector<1000x256xf32>,
    %swap3A_18 = arith.constant 0 : index
    %swap3A_19 = arith.constant 0 : index
    %swap3A_20 = vector.load %arg6[%swap3A_18, %swap3A_19] : memref<1000x1xf32, #tpu.memory_space<vmem>>, vector<1000x1xf32>
    tpu.vector_store %arg6[%swap3A_18, %swap3A_19], %rsqrt3A {strides = array<i32>} : memref<1000x1xf32, #tpu.memory_space<vmem>>, vector<1000x1xf32>,
    return
  }
  func.func @transform_0(%arg0: i32) -> (i32, i32) {
    %c0_i32 = arith.constant 0 : i32
    %c0_i32_0 = arith.constant 0 : i32
    return %arg0, %c0_i32 : i32, i32
  }
  func.func @transform_1(%arg0: i32) -> (i32, i32) {
    %c0_i32 = arith.constant 0 : i32
    %c0_i32_0 = arith.constant 0 : i32
    %c0_i32_1 = arith.constant 0 : i32
    return %c0_i32, %c0_i32_0 : i32, i32
  }
  func.func @transform_2(%arg0: i32) -> (i32, i32) {
    %c0_i32 = arith.constant 0 : i32
    %c0_i32_0 = arith.constant 0 : i32
    return %arg0, %c0_i32 : i32, i32
  }
  func.func @transform_3(%arg0: i32) -> (i32, i32) {
    %c0_i32 = arith.constant 0 : i32
    %c0_i32_0 = arith.constant 0 : i32
    return %arg0, %c0_i32 : i32, i32
  }
  func.func @transform_4(%arg0: i32) -> (i32, i32) {
    %c0_i32 = arith.constant 0 : i32
    %c0_i32_0 = arith.constant 0 : i32
    return %arg0, %c0_i32 : i32, i32
  }
  func.func @transform_5(%arg0: i32) -> (i32, i32) {
    %c0_i32 = arith.constant 0 : i32
    %c0_i32_0 = arith.constant 0 : i32
    return %arg0, %c0_i32 : i32, i32
  }
}

module attributes {stable_mosaic.version = 14 : i64} {
  func.func @_gx_body(%arg0: i32, %arg1: memref<1000x256xf32, #tpu.memory_space<vmem>>, %arg2: memref<1000x256xf32, #tpu.memory_space<vmem>>, %arg3: memref<1000x1xf32, #tpu.memory_space<vmem>>, %arg4: memref<1x256xf32, #tpu.memory_space<vmem>>, %arg5: memref<256x1024xf32, #tpu.memory_space<vmem>>, %arg6: memref<1x1024xf32, #tpu.memory_space<vmem>>, %arg7: memref<1000x1024xf32, #tpu.memory_space<vmem>>) attributes {dimension_semantics = [#tpu.dimension_semantics<arbitrary>], iteration_bounds = array<i64: 10>, scalar_prefetch = 0 : i64, scratch_operands = 0 : i64, tpu.core_type = #tpu.core_type<tc>, window_params = [{transform_indices = @transform_0, window_bounds = array<i64: 1000, 256>}, {transform_indices = @transform_1, window_bounds = array<i64: 1000, 256>}, {transform_indices = @transform_2, window_bounds = array<i64: 1000, 1>}, {pipeline_mode = #tpu.pipeline_mode<synchronous>, transform_indices = @transform_3, window_bounds = array<i64: 1, 256>}, {pipeline_mode = #tpu.pipeline_mode<synchronous>, transform_indices = @transform_4, window_bounds = array<i64: 256, 1024>}, {pipeline_mode = #tpu.pipeline_mode<synchronous>, transform_indices = @transform_5, window_bounds = array<i64: 1, 1024>}, {transform_indices = @transform_6, window_bounds = array<i64: 1000, 1024>}]} {
    %get3A = arith.constant 0 : index
    %get3A_0 = arith.constant 0 : index
    %get3A_1 = vector.load %arg3[%get3A, %get3A_0] : memref<1000x1xf32, #tpu.memory_space<vmem>>, vector<1000x1xf32>
    %get3A_2 = arith.constant 0 : index
    %get3A_3 = arith.constant 0 : index
    %get3A_4 = vector.load %arg1[%get3A_2, %get3A_3] : memref<1000x256xf32, #tpu.memory_space<vmem>>, vector<1000x256xf32>
    %get3A_5 = arith.constant 0 : index
    %get3A_6 = arith.constant 0 : index
    %get3A_7 = vector.load %arg2[%get3A_5, %get3A_6] : memref<1000x256xf32, #tpu.memory_space<vmem>>, vector<1000x256xf32>
    %add3A = arith.addf %get3A_4, %get3A_7 : vector<1000x256xf32>
    %mul3A = vector.broadcast %get3A_1 : vector<1000x1xf32> to vector<1000x256xf32>
    %mul3A_8 = arith.mulf %mul3A, %add3A : vector<1000x256xf32>
    %get3A_9 = arith.constant 0 : index
    %get3A_10 = arith.constant 0 : index
    %get3A_11 = vector.load %arg4[%get3A_9, %get3A_10] : memref<1x256xf32, #tpu.memory_space<vmem>>, vector<1x256xf32>
    %add3A_12 = vector.broadcast %get3A_11 : vector<1x256xf32> to vector<1000x256xf32>
    %add3A_13 = arith.addf %mul3A_8, %add3A_12 : vector<1000x256xf32>
    %get3A_14 = arith.constant 0 : index
    %get3A_15 = arith.constant 0 : index
    %get3A_16 = vector.load %arg5[%get3A_14, %get3A_15] : memref<256x1024xf32, #tpu.memory_space<vmem>>, vector<256x1024xf32>
    %dot_general3A = arith.constant dense<0.000000e+00> : vector<1000x1024xf32>
    %dot_general3A_17 = tpu.matmul %add3A_13, %get3A_16, %dot_general3A {dimension_numbers = #tpu.dot_dimension_numbers<[1], [0], [0], [1], [0, 0, 1, 1], [], []>, transpose_lhs_hint = false} : vector<1000x256xf32>, vector<256x1024xf32>, vector<1000x1024xf32> -> vector<1000x1024xf32>
    %get3A_18 = arith.constant 0 : index
    %get3A_19 = arith.constant 0 : index
    %get3A_20 = vector.load %arg6[%get3A_18, %get3A_19] : memref<1x1024xf32, #tpu.memory_space<vmem>>, vector<1x1024xf32>
    %add3A_21 = vector.broadcast %get3A_20 : vector<1x1024xf32> to vector<1000x1024xf32>
    %add3A_22 = arith.addf %dot_general3A_17, %add3A_21 : vector<1000x1024xf32>
    %swap3A = arith.constant 0 : index
    %swap3A_23 = arith.constant 0 : index
    %swap3A_24 = vector.load %arg7[%swap3A, %swap3A_23] : memref<1000x1024xf32, #tpu.memory_space<vmem>>, vector<1000x1024xf32>
    tpu.vector_store %arg7[%swap3A, %swap3A_23], %add3A_22 {strides = array<i32>} : memref<1000x1024xf32, #tpu.memory_space<vmem>>, vector<1000x1024xf32>,
    return
  }
  func.func @transform_0(%arg0: i32) -> (i32, i32) {
    %c0_i32 = arith.constant 0 : i32
    %c0_i32_0 = arith.constant 0 : i32
    return %arg0, %c0_i32 : i32, i32
  }
  func.func @transform_1(%arg0: i32) -> (i32, i32) {
    %c0_i32 = arith.constant 0 : i32
    %c0_i32_0 = arith.constant 0 : i32
    return %arg0, %c0_i32 : i32, i32
  }
  func.func @transform_2(%arg0: i32) -> (i32, i32) {
    %c0_i32 = arith.constant 0 : i32
    %c0_i32_0 = arith.constant 0 : i32
    return %arg0, %c0_i32 : i32, i32
  }
  func.func @transform_3(%arg0: i32) -> (i32, i32) {
    %c0_i32 = arith.constant 0 : i32
    %c0_i32_0 = arith.constant 0 : i32
    %c0_i32_1 = arith.constant 0 : i32
    return %c0_i32, %c0_i32_0 : i32, i32
  }
  func.func @transform_4(%arg0: i32) -> (i32, i32) {
    %c0_i32 = arith.constant 0 : i32
    %c0_i32_0 = arith.constant 0 : i32
    %c0_i32_1 = arith.constant 0 : i32
    return %c0_i32, %c0_i32_0 : i32, i32
  }
  func.func @transform_5(%arg0: i32) -> (i32, i32) {
    %c0_i32 = arith.constant 0 : i32
    %c0_i32_0 = arith.constant 0 : i32
    %c0_i32_1 = arith.constant 0 : i32
    return %c0_i32, %c0_i32_0 : i32, i32
  }
  func.func @transform_6(%arg0: i32) -> (i32, i32) {
    %c0_i32 = arith.constant 0 : i32
    %c0_i32_0 = arith.constant 0 : i32
    return %arg0, %c0_i32 : i32, i32
  }
}

module attributes {stable_mosaic.version = 14 : i64} {
  func.func @_lstm_body(%arg0: i32, %arg1: memref<1000x1024xf32, #tpu.memory_space<vmem>>, %arg2: memref<256x1024xbf16, #tpu.memory_space<vmem>>, %arg3: memref<1x256xf32, #tpu.memory_space<vmem>>, %arg4: memref<1x256xf32, #tpu.memory_space<vmem>>, %arg5: memref<1000x256xf32, #tpu.memory_space<vmem>>, %arg6: memref<1x256xf32, #tpu.memory_space<vmem>>, %arg7: memref<1x256xf32, #tpu.memory_space<vmem>>, %arg8: memref<1x256xf32, #tpu.memory_space<vmem>>) attributes {dimension_semantics = [#tpu.dimension_semantics<arbitrary>], iteration_bounds = array<i64: 10>, scalar_prefetch = 0 : i64, scratch_operands = 2 : i64, tpu.core_type = #tpu.core_type<tc>, window_params = [{transform_indices = @transform_0, window_bounds = array<i64: 1000, 1024>}, {pipeline_mode = #tpu.pipeline_mode<synchronous>, transform_indices = @transform_1, window_bounds = array<i64: 256, 1024>}, {pipeline_mode = #tpu.pipeline_mode<synchronous>, transform_indices = @transform_2, window_bounds = array<i64: 1, 256>}, {pipeline_mode = #tpu.pipeline_mode<synchronous>, transform_indices = @transform_3, window_bounds = array<i64: 1, 256>}, {transform_indices = @transform_4, window_bounds = array<i64: 1000, 256>}, {pipeline_mode = #tpu.pipeline_mode<synchronous>, transform_indices = @transform_5, window_bounds = array<i64: 1, 256>}]} {
    %eq3A = arith.constant 0 : i32
    %eq3A_0 = arith.cmpi eq, %arg0, %eq3A : i32
    %convert_element_type3A = arith.extui %eq3A_0 : i1 to i32
    %cond3A = arith.constant 0 : i32
    %cond3A_1 = arith.cmpi ne, %convert_element_type3A, %cond3A : i32
    scf.if %cond3A_1 {
      %get3A_358 = arith.constant 0 : index
      %get3A_359 = arith.constant 0 : index
      %get3A_360 = vector.load %arg3[%get3A_358, %get3A_359] : memref<1x256xf32, #tpu.memory_space<vmem>>, vector<1x256xf32>
      %swap3A_361 = arith.constant 0 : index
      %swap3A_362 = arith.constant 0 : index
      %swap3A_363 = vector.load %arg7[%swap3A_361, %swap3A_362] : memref<1x256xf32, #tpu.memory_space<vmem>>, vector<1x256xf32>
      tpu.vector_store %arg7[%swap3A_361, %swap3A_362], %get3A_360 {strides = array<i32>} : memref<1x256xf32, #tpu.memory_space<vmem>>, vector<1x256xf32>,
      %get3A_364 = arith.constant 0 : index
      %get3A_365 = arith.constant 0 : index
      %get3A_366 = vector.load %arg4[%get3A_364, %get3A_365] : memref<1x256xf32, #tpu.memory_space<vmem>>, vector<1x256xf32>
      %swap3A_367 = arith.constant 0 : index
      %swap3A_368 = arith.constant 0 : index
      %swap3A_369 = vector.load %arg8[%swap3A_367, %swap3A_368] : memref<1x256xf32, #tpu.memory_space<vmem>>, vector<1x256xf32>
      tpu.vector_store %arg8[%swap3A_367, %swap3A_368], %get3A_366 {strides = array<i32>} : memref<1x256xf32, #tpu.memory_space<vmem>>, vector<1x256xf32>,
    } else {
    }
    %get3A = arith.constant 0 : index
    %get3A_2 = arith.constant 0 : index
    %get3A_3 = vector.load %arg7[%get3A, %get3A_2] : memref<1x256xf32, #tpu.memory_space<vmem>>, vector<1x256xf32>
    %get3A_4 = arith.constant 0 : index
    %get3A_5 = arith.constant 0 : index
    %get3A_6 = vector.load %arg8[%get3A_4, %get3A_5] : memref<1x256xf32, #tpu.memory_space<vmem>>, vector<1x256xf32>
    %scan3A = arith.constant 0 : i32
    %scan3A_7 = arith.constant 992 : i32
    %scan3A_8 = arith.addi %scan3A, %scan3A_7 : i32
    %scan3A_9 = arith.constant 16 : i32
    %scan3A_10:2 = scf.for %scan3A_358 = %scan3A to %scan3A_8 step %scan3A_9 iter_args(%scan3A_359 = %get3A_3, %scan3A_360 = %get3A_6) -> (vector<1x256xf32>, vector<1x256xf32>)  : i32 {
      %convert_element_type3A_361 = arith.truncf %scan3A_359 : vector<1x256xf32> to vector<1x256xbf16>
      %get3A_362 = arith.constant 0 : index
      %get3A_363 = arith.constant 0 : index
      %get3A_364 = vector.load %arg2[%get3A_362, %get3A_363] : memref<256x1024xbf16, #tpu.memory_space<vmem>>, vector<256x1024xbf16>
      %dot_general3A_365 = arith.constant dense<0.000000e+00> : vector<1x1024xf32>
      %dot_general3A_366 = tpu.matmul %convert_element_type3A_361, %get3A_364, %dot_general3A_365 {dimension_numbers = #tpu.dot_dimension_numbers<[1], [0], [0], [1], [0, 0, 1, 1], [], []>, transpose_lhs_hint = false} : vector<1x256xbf16>, vector<256x1024xbf16>, vector<1x1024xf32> -> vector<1x1024xf32>
      %get3A_367 = arith.index_cast %scan3A_358 : i32 to index
      %get3A_368 = arith.constant 0 : index
      %get3A_369 = vector.load %arg1[%get3A_367, %get3A_368] : memref<1000x1024xf32, #tpu.memory_space<vmem>>, vector<1x1024xf32>
      %add3A_370 = arith.addf %dot_general3A_366, %get3A_369 : vector<1x1024xf32>
      %slice3A_371 = vector.extract_strided_slice %add3A_370 {offsets = [0, 256], sizes = [1, 256], strides = [1, 1]} : vector<1x1024xf32> to vector<1x256xf32>
      %logistic3A_372 = arith.negf %slice3A_371 : vector<1x256xf32>
      %logistic3A_373 = math.exp %logistic3A_372 : vector<1x256xf32>
      %logistic3A_374 = arith.constant 1.000000e+00 : f32
      %logistic3A_375 = vector.broadcast %logistic3A_374 : f32 to vector<1x256xf32>
      %logistic3A_376 = arith.addf %logistic3A_375, %logistic3A_373 : vector<1x256xf32>
      %logistic3A_377 = arith.divf %logistic3A_375, %logistic3A_376 : vector<1x256xf32>
      %mul3A_378 = arith.mulf %logistic3A_377, %scan3A_360 : vector<1x256xf32>
      %slice3A_379 = vector.extract_strided_slice %add3A_370 {offsets = [0, 0], sizes = [1, 256], strides = [1, 1]} : vector<1x1024xf32> to vector<1x256xf32>
      %logistic3A_380 = arith.negf %slice3A_379 : vector<1x256xf32>
      %logistic3A_381 = math.exp %logistic3A_380 : vector<1x256xf32>
      %logistic3A_382 = arith.constant 1.000000e+00 : f32
      %logistic3A_383 = vector.broadcast %logistic3A_382 : f32 to vector<1x256xf32>
      %logistic3A_384 = arith.addf %logistic3A_383, %logistic3A_381 : vector<1x256xf32>
      %logistic3A_385 = arith.divf %logistic3A_383, %logistic3A_384 : vector<1x256xf32>
      %slice3A_386 = vector.extract_strided_slice %add3A_370 {offsets = [0, 512], sizes = [1, 256], strides = [1, 1]} : vector<1x1024xf32> to vector<1x256xf32>
      %tanh3A_387 = math.tanh %slice3A_386 : vector<1x256xf32>
      %mul3A_388 = arith.mulf %logistic3A_385, %tanh3A_387 : vector<1x256xf32>
      %add3A_389 = arith.addf %mul3A_378, %mul3A_388 : vector<1x256xf32>
      %slice3A_390 = vector.extract_strided_slice %add3A_370 {offsets = [0, 768], sizes = [1, 256], strides = [1, 1]} : vector<1x1024xf32> to vector<1x256xf32>
      %logistic3A_391 = arith.negf %slice3A_390 : vector<1x256xf32>
      %logistic3A_392 = math.exp %logistic3A_391 : vector<1x256xf32>
      %logistic3A_393 = arith.constant 1.000000e+00 : f32
      %logistic3A_394 = vector.broadcast %logistic3A_393 : f32 to vector<1x256xf32>
      %logistic3A_395 = arith.addf %logistic3A_394, %logistic3A_392 : vector<1x256xf32>
      %logistic3A_396 = arith.divf %logistic3A_394, %logistic3A_395 : vector<1x256xf32>
      %tanh3A_397 = math.tanh %add3A_389 : vector<1x256xf32>
      %mul3A_398 = arith.mulf %logistic3A_396, %tanh3A_397 : vector<1x256xf32>
      %swap3A_399 = arith.index_cast %scan3A_358 : i32 to index
      %swap3A_400 = arith.constant 0 : index
      %swap3A_401 = vector.load %arg5[%swap3A_399, %swap3A_400] : memref<1000x256xf32, #tpu.memory_space<vmem>>, vector<1x256xf32>
      tpu.vector_store %arg5[%swap3A_399, %swap3A_400], %mul3A_398 {strides = array<i32>} : memref<1000x256xf32, #tpu.memory_space<vmem>>, vector<1x256xf32>,
      %scan3A_402 = arith.constant 1 : i32
      %scan3A_403 = arith.addi %scan3A_358, %scan3A_402 : i32
      %convert_element_type3A_404 = arith.truncf %mul3A_398 : vector<1x256xf32> to vector<1x256xbf16>
      %get3A_405 = arith.constant 0 : index
      %get3A_406 = arith.constant 0 : index
      %get3A_407 = vector.load %arg2[%get3A_405, %get3A_406] : memref<256x1024xbf16, #tpu.memory_space<vmem>>, vector<256x1024xbf16>
      %dot_general3A_408 = arith.constant dense<0.000000e+00> : vector<1x1024xf32>
      %dot_general3A_409 = tpu.matmul %convert_element_type3A_404, %get3A_407, %dot_general3A_408 {dimension_numbers = #tpu.dot_dimension_numbers<[1], [0], [0], [1], [0, 0, 1, 1], [], []>, transpose_lhs_hint = false} : vector<1x256xbf16>, vector<256x1024xbf16>, vector<1x1024xf32> -> vector<1x1024xf32>
      %get3A_410 = arith.index_cast %scan3A_403 : i32 to index
      %get3A_411 = arith.constant 0 : index
      %get3A_412 = vector.load %arg1[%get3A_410, %get3A_411] : memref<1000x1024xf32, #tpu.memory_space<vmem>>, vector<1x1024xf32>
      %add3A_413 = arith.addf %dot_general3A_409, %get3A_412 : vector<1x1024xf32>
      %slice3A_414 = vector.extract_strided_slice %add3A_413 {offsets = [0, 256], sizes = [1, 256], strides = [1, 1]} : vector<1x1024xf32> to vector<1x256xf32>
      %logistic3A_415 = arith.negf %slice3A_414 : vector<1x256xf32>
      %logistic3A_416 = math.exp %logistic3A_415 : vector<1x256xf32>
      %logistic3A_417 = arith.constant 1.000000e+00 : f32
      %logistic3A_418 = vector.broadcast %logistic3A_417 : f32 to vector<1x256xf32>
      %logistic3A_419 = arith.addf %logistic3A_418, %logistic3A_416 : vector<1x256xf32>
      %logistic3A_420 = arith.divf %logistic3A_418, %logistic3A_419 : vector<1x256xf32>
      %mul3A_421 = arith.mulf %logistic3A_420, %add3A_389 : vector<1x256xf32>
      %slice3A_422 = vector.extract_strided_slice %add3A_413 {offsets = [0, 0], sizes = [1, 256], strides = [1, 1]} : vector<1x1024xf32> to vector<1x256xf32>
      %logistic3A_423 = arith.negf %slice3A_422 : vector<1x256xf32>
      %logistic3A_424 = math.exp %logistic3A_423 : vector<1x256xf32>
      %logistic3A_425 = arith.constant 1.000000e+00 : f32
      %logistic3A_426 = vector.broadcast %logistic3A_425 : f32 to vector<1x256xf32>
      %logistic3A_427 = arith.addf %logistic3A_426, %logistic3A_424 : vector<1x256xf32>
      %logistic3A_428 = arith.divf %logistic3A_426, %logistic3A_427 : vector<1x256xf32>
      %slice3A_429 = vector.extract_strided_slice %add3A_413 {offsets = [0, 512], sizes = [1, 256], strides = [1, 1]} : vector<1x1024xf32> to vector<1x256xf32>
      %tanh3A_430 = math.tanh %slice3A_429 : vector<1x256xf32>
      %mul3A_431 = arith.mulf %logistic3A_428, %tanh3A_430 : vector<1x256xf32>
      %add3A_432 = arith.addf %mul3A_421, %mul3A_431 : vector<1x256xf32>
      %slice3A_433 = vector.extract_strided_slice %add3A_413 {offsets = [0, 768], sizes = [1, 256], strides = [1, 1]} : vector<1x1024xf32> to vector<1x256xf32>
      %logistic3A_434 = arith.negf %slice3A_433 : vector<1x256xf32>
      %logistic3A_435 = math.exp %logistic3A_434 : vector<1x256xf32>
      %logistic3A_436 = arith.constant 1.000000e+00 : f32
      %logistic3A_437 = vector.broadcast %logistic3A_436 : f32 to vector<1x256xf32>
      %logistic3A_438 = arith.addf %logistic3A_437, %logistic3A_435 : vector<1x256xf32>
      %logistic3A_439 = arith.divf %logistic3A_437, %logistic3A_438 : vector<1x256xf32>
      %tanh3A_440 = math.tanh %add3A_432 : vector<1x256xf32>
      %mul3A_441 = arith.mulf %logistic3A_439, %tanh3A_440 : vector<1x256xf32>
      %swap3A_442 = arith.index_cast %scan3A_403 : i32 to index
      %swap3A_443 = arith.constant 0 : index
      %swap3A_444 = vector.load %arg5[%swap3A_442, %swap3A_443] : memref<1000x256xf32, #tpu.memory_space<vmem>>, vector<1x256xf32>
      tpu.vector_store %arg5[%swap3A_442, %swap3A_443], %mul3A_441 {strides = array<i32>} : memref<1000x256xf32, #tpu.memory_space<vmem>>, vector<1x256xf32>,
      %scan3A_445 = arith.constant 2 : i32
      %scan3A_446 = arith.addi %scan3A_358, %scan3A_445 : i32
      %convert_element_type3A_447 = arith.truncf %mul3A_441 : vector<1x256xf32> to vector<1x256xbf16>
      %get3A_448 = arith.constant 0 : index
      %get3A_449 = arith.constant 0 : index
      %get3A_450 = vector.load %arg2[%get3A_448, %get3A_449] : memref<256x1024xbf16, #tpu.memory_space<vmem>>, vector<256x1024xbf16>
      %dot_general3A_451 = arith.constant dense<0.000000e+00> : vector<1x1024xf32>
      %dot_general3A_452 = tpu.matmul %convert_element_type3A_447, %get3A_450, %dot_general3A_451 {dimension_numbers = #tpu.dot_dimension_numbers<[1], [0], [0], [1], [0, 0, 1, 1], [], []>, transpose_lhs_hint = false} : vector<1x256xbf16>, vector<256x1024xbf16>, vector<1x1024xf32> -> vector<1x1024xf32>
      %get3A_453 = arith.index_cast %scan3A_446 : i32 to index
      %get3A_454 = arith.constant 0 : index
      %get3A_455 = vector.load %arg1[%get3A_453, %get3A_454] : memref<1000x1024xf32, #tpu.memory_space<vmem>>, vector<1x1024xf32>
      %add3A_456 = arith.addf %dot_general3A_452, %get3A_455 : vector<1x1024xf32>
      %slice3A_457 = vector.extract_strided_slice %add3A_456 {offsets = [0, 256], sizes = [1, 256], strides = [1, 1]} : vector<1x1024xf32> to vector<1x256xf32>
      %logistic3A_458 = arith.negf %slice3A_457 : vector<1x256xf32>
      %logistic3A_459 = math.exp %logistic3A_458 : vector<1x256xf32>
      %logistic3A_460 = arith.constant 1.000000e+00 : f32
      %logistic3A_461 = vector.broadcast %logistic3A_460 : f32 to vector<1x256xf32>
      %logistic3A_462 = arith.addf %logistic3A_461, %logistic3A_459 : vector<1x256xf32>
      %logistic3A_463 = arith.divf %logistic3A_461, %logistic3A_462 : vector<1x256xf32>
      %mul3A_464 = arith.mulf %logistic3A_463, %add3A_432 : vector<1x256xf32>
      %slice3A_465 = vector.extract_strided_slice %add3A_456 {offsets = [0, 0], sizes = [1, 256], strides = [1, 1]} : vector<1x1024xf32> to vector<1x256xf32>
      %logistic3A_466 = arith.negf %slice3A_465 : vector<1x256xf32>
      %logistic3A_467 = math.exp %logistic3A_466 : vector<1x256xf32>
      %logistic3A_468 = arith.constant 1.000000e+00 : f32
      %logistic3A_469 = vector.broadcast %logistic3A_468 : f32 to vector<1x256xf32>
      %logistic3A_470 = arith.addf %logistic3A_469, %logistic3A_467 : vector<1x256xf32>
      %logistic3A_471 = arith.divf %logistic3A_469, %logistic3A_470 : vector<1x256xf32>
      %slice3A_472 = vector.extract_strided_slice %add3A_456 {offsets = [0, 512], sizes = [1, 256], strides = [1, 1]} : vector<1x1024xf32> to vector<1x256xf32>
      %tanh3A_473 = math.tanh %slice3A_472 : vector<1x256xf32>
      %mul3A_474 = arith.mulf %logistic3A_471, %tanh3A_473 : vector<1x256xf32>
      %add3A_475 = arith.addf %mul3A_464, %mul3A_474 : vector<1x256xf32>
      %slice3A_476 = vector.extract_strided_slice %add3A_456 {offsets = [0, 768], sizes = [1, 256], strides = [1, 1]} : vector<1x1024xf32> to vector<1x256xf32>
      %logistic3A_477 = arith.negf %slice3A_476 : vector<1x256xf32>
      %logistic3A_478 = math.exp %logistic3A_477 : vector<1x256xf32>
      %logistic3A_479 = arith.constant 1.000000e+00 : f32
      %logistic3A_480 = vector.broadcast %logistic3A_479 : f32 to vector<1x256xf32>
      %logistic3A_481 = arith.addf %logistic3A_480, %logistic3A_478 : vector<1x256xf32>
      %logistic3A_482 = arith.divf %logistic3A_480, %logistic3A_481 : vector<1x256xf32>
      %tanh3A_483 = math.tanh %add3A_475 : vector<1x256xf32>
      %mul3A_484 = arith.mulf %logistic3A_482, %tanh3A_483 : vector<1x256xf32>
      %swap3A_485 = arith.index_cast %scan3A_446 : i32 to index
      %swap3A_486 = arith.constant 0 : index
      %swap3A_487 = vector.load %arg5[%swap3A_485, %swap3A_486] : memref<1000x256xf32, #tpu.memory_space<vmem>>, vector<1x256xf32>
      tpu.vector_store %arg5[%swap3A_485, %swap3A_486], %mul3A_484 {strides = array<i32>} : memref<1000x256xf32, #tpu.memory_space<vmem>>, vector<1x256xf32>,
      %scan3A_488 = arith.constant 3 : i32
      %scan3A_489 = arith.addi %scan3A_358, %scan3A_488 : i32
      %convert_element_type3A_490 = arith.truncf %mul3A_484 : vector<1x256xf32> to vector<1x256xbf16>
      %get3A_491 = arith.constant 0 : index
      %get3A_492 = arith.constant 0 : index
      %get3A_493 = vector.load %arg2[%get3A_491, %get3A_492] : memref<256x1024xbf16, #tpu.memory_space<vmem>>, vector<256x1024xbf16>
      %dot_general3A_494 = arith.constant dense<0.000000e+00> : vector<1x1024xf32>
      %dot_general3A_495 = tpu.matmul %convert_element_type3A_490, %get3A_493, %dot_general3A_494 {dimension_numbers = #tpu.dot_dimension_numbers<[1], [0], [0], [1], [0, 0, 1, 1], [], []>, transpose_lhs_hint = false} : vector<1x256xbf16>, vector<256x1024xbf16>, vector<1x1024xf32> -> vector<1x1024xf32>
      %get3A_496 = arith.index_cast %scan3A_489 : i32 to index
      %get3A_497 = arith.constant 0 : index
      %get3A_498 = vector.load %arg1[%get3A_496, %get3A_497] : memref<1000x1024xf32, #tpu.memory_space<vmem>>, vector<1x1024xf32>
      %add3A_499 = arith.addf %dot_general3A_495, %get3A_498 : vector<1x1024xf32>
      %slice3A_500 = vector.extract_strided_slice %add3A_499 {offsets = [0, 256], sizes = [1, 256], strides = [1, 1]} : vector<1x1024xf32> to vector<1x256xf32>
      %logistic3A_501 = arith.negf %slice3A_500 : vector<1x256xf32>
      %logistic3A_502 = math.exp %logistic3A_501 : vector<1x256xf32>
      %logistic3A_503 = arith.constant 1.000000e+00 : f32
      %logistic3A_504 = vector.broadcast %logistic3A_503 : f32 to vector<1x256xf32>
      %logistic3A_505 = arith.addf %logistic3A_504, %logistic3A_502 : vector<1x256xf32>
      %logistic3A_506 = arith.divf %logistic3A_504, %logistic3A_505 : vector<1x256xf32>
      %mul3A_507 = arith.mulf %logistic3A_506, %add3A_475 : vector<1x256xf32>
      %slice3A_508 = vector.extract_strided_slice %add3A_499 {offsets = [0, 0], sizes = [1, 256], strides = [1, 1]} : vector<1x1024xf32> to vector<1x256xf32>
      %logistic3A_509 = arith.negf %slice3A_508 : vector<1x256xf32>
      %logistic3A_510 = math.exp %logistic3A_509 : vector<1x256xf32>
      %logistic3A_511 = arith.constant 1.000000e+00 : f32
      %logistic3A_512 = vector.broadcast %logistic3A_511 : f32 to vector<1x256xf32>
      %logistic3A_513 = arith.addf %logistic3A_512, %logistic3A_510 : vector<1x256xf32>
      %logistic3A_514 = arith.divf %logistic3A_512, %logistic3A_513 : vector<1x256xf32>
      %slice3A_515 = vector.extract_strided_slice %add3A_499 {offsets = [0, 512], sizes = [1, 256], strides = [1, 1]} : vector<1x1024xf32> to vector<1x256xf32>
      %tanh3A_516 = math.tanh %slice3A_515 : vector<1x256xf32>
      %mul3A_517 = arith.mulf %logistic3A_514, %tanh3A_516 : vector<1x256xf32>
      %add3A_518 = arith.addf %mul3A_507, %mul3A_517 : vector<1x256xf32>
      %slice3A_519 = vector.extract_strided_slice %add3A_499 {offsets = [0, 768], sizes = [1, 256], strides = [1, 1]} : vector<1x1024xf32> to vector<1x256xf32>
      %logistic3A_520 = arith.negf %slice3A_519 : vector<1x256xf32>
      %logistic3A_521 = math.exp %logistic3A_520 : vector<1x256xf32>
      %logistic3A_522 = arith.constant 1.000000e+00 : f32
      %logistic3A_523 = vector.broadcast %logistic3A_522 : f32 to vector<1x256xf32>
      %logistic3A_524 = arith.addf %logistic3A_523, %logistic3A_521 : vector<1x256xf32>
      %logistic3A_525 = arith.divf %logistic3A_523, %logistic3A_524 : vector<1x256xf32>
      %tanh3A_526 = math.tanh %add3A_518 : vector<1x256xf32>
      %mul3A_527 = arith.mulf %logistic3A_525, %tanh3A_526 : vector<1x256xf32>
      %swap3A_528 = arith.index_cast %scan3A_489 : i32 to index
      %swap3A_529 = arith.constant 0 : index
      %swap3A_530 = vector.load %arg5[%swap3A_528, %swap3A_529] : memref<1000x256xf32, #tpu.memory_space<vmem>>, vector<1x256xf32>
      tpu.vector_store %arg5[%swap3A_528, %swap3A_529], %mul3A_527 {strides = array<i32>} : memref<1000x256xf32, #tpu.memory_space<vmem>>, vector<1x256xf32>,
      %scan3A_531 = arith.constant 4 : i32
      %scan3A_532 = arith.addi %scan3A_358, %scan3A_531 : i32
      %convert_element_type3A_533 = arith.truncf %mul3A_527 : vector<1x256xf32> to vector<1x256xbf16>
      %get3A_534 = arith.constant 0 : index
      %get3A_535 = arith.constant 0 : index
      %get3A_536 = vector.load %arg2[%get3A_534, %get3A_535] : memref<256x1024xbf16, #tpu.memory_space<vmem>>, vector<256x1024xbf16>
      %dot_general3A_537 = arith.constant dense<0.000000e+00> : vector<1x1024xf32>
      %dot_general3A_538 = tpu.matmul %convert_element_type3A_533, %get3A_536, %dot_general3A_537 {dimension_numbers = #tpu.dot_dimension_numbers<[1], [0], [0], [1], [0, 0, 1, 1], [], []>, transpose_lhs_hint = false} : vector<1x256xbf16>, vector<256x1024xbf16>, vector<1x1024xf32> -> vector<1x1024xf32>
      %get3A_539 = arith.index_cast %scan3A_532 : i32 to index
      %get3A_540 = arith.constant 0 : index
      %get3A_541 = vector.load %arg1[%get3A_539, %get3A_540] : memref<1000x1024xf32, #tpu.memory_space<vmem>>, vector<1x1024xf32>
      %add3A_542 = arith.addf %dot_general3A_538, %get3A_541 : vector<1x1024xf32>
      %slice3A_543 = vector.extract_strided_slice %add3A_542 {offsets = [0, 256], sizes = [1, 256], strides = [1, 1]} : vector<1x1024xf32> to vector<1x256xf32>
      %logistic3A_544 = arith.negf %slice3A_543 : vector<1x256xf32>
      %logistic3A_545 = math.exp %logistic3A_544 : vector<1x256xf32>
      %logistic3A_546 = arith.constant 1.000000e+00 : f32
      %logistic3A_547 = vector.broadcast %logistic3A_546 : f32 to vector<1x256xf32>
      %logistic3A_548 = arith.addf %logistic3A_547, %logistic3A_545 : vector<1x256xf32>
      %logistic3A_549 = arith.divf %logistic3A_547, %logistic3A_548 : vector<1x256xf32>
      %mul3A_550 = arith.mulf %logistic3A_549, %add3A_518 : vector<1x256xf32>
      %slice3A_551 = vector.extract_strided_slice %add3A_542 {offsets = [0, 0], sizes = [1, 256], strides = [1, 1]} : vector<1x1024xf32> to vector<1x256xf32>
      %logistic3A_552 = arith.negf %slice3A_551 : vector<1x256xf32>
      %logistic3A_553 = math.exp %logistic3A_552 : vector<1x256xf32>
      %logistic3A_554 = arith.constant 1.000000e+00 : f32
      %logistic3A_555 = vector.broadcast %logistic3A_554 : f32 to vector<1x256xf32>
      %logistic3A_556 = arith.addf %logistic3A_555, %logistic3A_553 : vector<1x256xf32>
      %logistic3A_557 = arith.divf %logistic3A_555, %logistic3A_556 : vector<1x256xf32>
      %slice3A_558 = vector.extract_strided_slice %add3A_542 {offsets = [0, 512], sizes = [1, 256], strides = [1, 1]} : vector<1x1024xf32> to vector<1x256xf32>
      %tanh3A_559 = math.tanh %slice3A_558 : vector<1x256xf32>
      %mul3A_560 = arith.mulf %logistic3A_557, %tanh3A_559 : vector<1x256xf32>
      %add3A_561 = arith.addf %mul3A_550, %mul3A_560 : vector<1x256xf32>
      %slice3A_562 = vector.extract_strided_slice %add3A_542 {offsets = [0, 768], sizes = [1, 256], strides = [1, 1]} : vector<1x1024xf32> to vector<1x256xf32>
      %logistic3A_563 = arith.negf %slice3A_562 : vector<1x256xf32>
      %logistic3A_564 = math.exp %logistic3A_563 : vector<1x256xf32>
      %logistic3A_565 = arith.constant 1.000000e+00 : f32
      %logistic3A_566 = vector.broadcast %logistic3A_565 : f32 to vector<1x256xf32>
      %logistic3A_567 = arith.addf %logistic3A_566, %logistic3A_564 : vector<1x256xf32>
      %logistic3A_568 = arith.divf %logistic3A_566, %logistic3A_567 : vector<1x256xf32>
      %tanh3A_569 = math.tanh %add3A_561 : vector<1x256xf32>
      %mul3A_570 = arith.mulf %logistic3A_568, %tanh3A_569 : vector<1x256xf32>
      %swap3A_571 = arith.index_cast %scan3A_532 : i32 to index
      %swap3A_572 = arith.constant 0 : index
      %swap3A_573 = vector.load %arg5[%swap3A_571, %swap3A_572] : memref<1000x256xf32, #tpu.memory_space<vmem>>, vector<1x256xf32>
      tpu.vector_store %arg5[%swap3A_571, %swap3A_572], %mul3A_570 {strides = array<i32>} : memref<1000x256xf32, #tpu.memory_space<vmem>>, vector<1x256xf32>,
      %scan3A_574 = arith.constant 5 : i32
      %scan3A_575 = arith.addi %scan3A_358, %scan3A_574 : i32
      %convert_element_type3A_576 = arith.truncf %mul3A_570 : vector<1x256xf32> to vector<1x256xbf16>
      %get3A_577 = arith.constant 0 : index
      %get3A_578 = arith.constant 0 : index
      %get3A_579 = vector.load %arg2[%get3A_577, %get3A_578] : memref<256x1024xbf16, #tpu.memory_space<vmem>>, vector<256x1024xbf16>
      %dot_general3A_580 = arith.constant dense<0.000000e+00> : vector<1x1024xf32>
      %dot_general3A_581 = tpu.matmul %convert_element_type3A_576, %get3A_579, %dot_general3A_580 {dimension_numbers = #tpu.dot_dimension_numbers<[1], [0], [0], [1], [0, 0, 1, 1], [], []>, transpose_lhs_hint = false} : vector<1x256xbf16>, vector<256x1024xbf16>, vector<1x1024xf32> -> vector<1x1024xf32>
      %get3A_582 = arith.index_cast %scan3A_575 : i32 to index
      %get3A_583 = arith.constant 0 : index
      %get3A_584 = vector.load %arg1[%get3A_582, %get3A_583] : memref<1000x1024xf32, #tpu.memory_space<vmem>>, vector<1x1024xf32>
      %add3A_585 = arith.addf %dot_general3A_581, %get3A_584 : vector<1x1024xf32>
      %slice3A_586 = vector.extract_strided_slice %add3A_585 {offsets = [0, 256], sizes = [1, 256], strides = [1, 1]} : vector<1x1024xf32> to vector<1x256xf32>
      %logistic3A_587 = arith.negf %slice3A_586 : vector<1x256xf32>
      %logistic3A_588 = math.exp %logistic3A_587 : vector<1x256xf32>
      %logistic3A_589 = arith.constant 1.000000e+00 : f32
      %logistic3A_590 = vector.broadcast %logistic3A_589 : f32 to vector<1x256xf32>
      %logistic3A_591 = arith.addf %logistic3A_590, %logistic3A_588 : vector<1x256xf32>
      %logistic3A_592 = arith.divf %logistic3A_590, %logistic3A_591 : vector<1x256xf32>
      %mul3A_593 = arith.mulf %logistic3A_592, %add3A_561 : vector<1x256xf32>
      %slice3A_594 = vector.extract_strided_slice %add3A_585 {offsets = [0, 0], sizes = [1, 256], strides = [1, 1]} : vector<1x1024xf32> to vector<1x256xf32>
      %logistic3A_595 = arith.negf %slice3A_594 : vector<1x256xf32>
      %logistic3A_596 = math.exp %logistic3A_595 : vector<1x256xf32>
      %logistic3A_597 = arith.constant 1.000000e+00 : f32
      %logistic3A_598 = vector.broadcast %logistic3A_597 : f32 to vector<1x256xf32>
      %logistic3A_599 = arith.addf %logistic3A_598, %logistic3A_596 : vector<1x256xf32>
      %logistic3A_600 = arith.divf %logistic3A_598, %logistic3A_599 : vector<1x256xf32>
      %slice3A_601 = vector.extract_strided_slice %add3A_585 {offsets = [0, 512], sizes = [1, 256], strides = [1, 1]} : vector<1x1024xf32> to vector<1x256xf32>
      %tanh3A_602 = math.tanh %slice3A_601 : vector<1x256xf32>
      %mul3A_603 = arith.mulf %logistic3A_600, %tanh3A_602 : vector<1x256xf32>
      %add3A_604 = arith.addf %mul3A_593, %mul3A_603 : vector<1x256xf32>
      %slice3A_605 = vector.extract_strided_slice %add3A_585 {offsets = [0, 768], sizes = [1, 256], strides = [1, 1]} : vector<1x1024xf32> to vector<1x256xf32>
      %logistic3A_606 = arith.negf %slice3A_605 : vector<1x256xf32>
      %logistic3A_607 = math.exp %logistic3A_606 : vector<1x256xf32>
      %logistic3A_608 = arith.constant 1.000000e+00 : f32
      %logistic3A_609 = vector.broadcast %logistic3A_608 : f32 to vector<1x256xf32>
      %logistic3A_610 = arith.addf %logistic3A_609, %logistic3A_607 : vector<1x256xf32>
      %logistic3A_611 = arith.divf %logistic3A_609, %logistic3A_610 : vector<1x256xf32>
      %tanh3A_612 = math.tanh %add3A_604 : vector<1x256xf32>
      %mul3A_613 = arith.mulf %logistic3A_611, %tanh3A_612 : vector<1x256xf32>
      %swap3A_614 = arith.index_cast %scan3A_575 : i32 to index
      %swap3A_615 = arith.constant 0 : index
      %swap3A_616 = vector.load %arg5[%swap3A_614, %swap3A_615] : memref<1000x256xf32, #tpu.memory_space<vmem>>, vector<1x256xf32>
      tpu.vector_store %arg5[%swap3A_614, %swap3A_615], %mul3A_613 {strides = array<i32>} : memref<1000x256xf32, #tpu.memory_space<vmem>>, vector<1x256xf32>,
      %scan3A_617 = arith.constant 6 : i32
      %scan3A_618 = arith.addi %scan3A_358, %scan3A_617 : i32
      %convert_element_type3A_619 = arith.truncf %mul3A_613 : vector<1x256xf32> to vector<1x256xbf16>
      %get3A_620 = arith.constant 0 : index
      %get3A_621 = arith.constant 0 : index
      %get3A_622 = vector.load %arg2[%get3A_620, %get3A_621] : memref<256x1024xbf16, #tpu.memory_space<vmem>>, vector<256x1024xbf16>
      %dot_general3A_623 = arith.constant dense<0.000000e+00> : vector<1x1024xf32>
      %dot_general3A_624 = tpu.matmul %convert_element_type3A_619, %get3A_622, %dot_general3A_623 {dimension_numbers = #tpu.dot_dimension_numbers<[1], [0], [0], [1], [0, 0, 1, 1], [], []>, transpose_lhs_hint = false} : vector<1x256xbf16>, vector<256x1024xbf16>, vector<1x1024xf32> -> vector<1x1024xf32>
      %get3A_625 = arith.index_cast %scan3A_618 : i32 to index
      %get3A_626 = arith.constant 0 : index
      %get3A_627 = vector.load %arg1[%get3A_625, %get3A_626] : memref<1000x1024xf32, #tpu.memory_space<vmem>>, vector<1x1024xf32>
      %add3A_628 = arith.addf %dot_general3A_624, %get3A_627 : vector<1x1024xf32>
      %slice3A_629 = vector.extract_strided_slice %add3A_628 {offsets = [0, 256], sizes = [1, 256], strides = [1, 1]} : vector<1x1024xf32> to vector<1x256xf32>
      %logistic3A_630 = arith.negf %slice3A_629 : vector<1x256xf32>
      %logistic3A_631 = math.exp %logistic3A_630 : vector<1x256xf32>
      %logistic3A_632 = arith.constant 1.000000e+00 : f32
      %logistic3A_633 = vector.broadcast %logistic3A_632 : f32 to vector<1x256xf32>
      %logistic3A_634 = arith.addf %logistic3A_633, %logistic3A_631 : vector<1x256xf32>
      %logistic3A_635 = arith.divf %logistic3A_633, %logistic3A_634 : vector<1x256xf32>
      %mul3A_636 = arith.mulf %logistic3A_635, %add3A_604 : vector<1x256xf32>
      %slice3A_637 = vector.extract_strided_slice %add3A_628 {offsets = [0, 0], sizes = [1, 256], strides = [1, 1]} : vector<1x1024xf32> to vector<1x256xf32>
      %logistic3A_638 = arith.negf %slice3A_637 : vector<1x256xf32>
      %logistic3A_639 = math.exp %logistic3A_638 : vector<1x256xf32>
      %logistic3A_640 = arith.constant 1.000000e+00 : f32
      %logistic3A_641 = vector.broadcast %logistic3A_640 : f32 to vector<1x256xf32>
      %logistic3A_642 = arith.addf %logistic3A_641, %logistic3A_639 : vector<1x256xf32>
      %logistic3A_643 = arith.divf %logistic3A_641, %logistic3A_642 : vector<1x256xf32>
      %slice3A_644 = vector.extract_strided_slice %add3A_628 {offsets = [0, 512], sizes = [1, 256], strides = [1, 1]} : vector<1x1024xf32> to vector<1x256xf32>
      %tanh3A_645 = math.tanh %slice3A_644 : vector<1x256xf32>
      %mul3A_646 = arith.mulf %logistic3A_643, %tanh3A_645 : vector<1x256xf32>
      %add3A_647 = arith.addf %mul3A_636, %mul3A_646 : vector<1x256xf32>
      %slice3A_648 = vector.extract_strided_slice %add3A_628 {offsets = [0, 768], sizes = [1, 256], strides = [1, 1]} : vector<1x1024xf32> to vector<1x256xf32>
      %logistic3A_649 = arith.negf %slice3A_648 : vector<1x256xf32>
      %logistic3A_650 = math.exp %logistic3A_649 : vector<1x256xf32>
      %logistic3A_651 = arith.constant 1.000000e+00 : f32
      %logistic3A_652 = vector.broadcast %logistic3A_651 : f32 to vector<1x256xf32>
      %logistic3A_653 = arith.addf %logistic3A_652, %logistic3A_650 : vector<1x256xf32>
      %logistic3A_654 = arith.divf %logistic3A_652, %logistic3A_653 : vector<1x256xf32>
      %tanh3A_655 = math.tanh %add3A_647 : vector<1x256xf32>
      %mul3A_656 = arith.mulf %logistic3A_654, %tanh3A_655 : vector<1x256xf32>
      %swap3A_657 = arith.index_cast %scan3A_618 : i32 to index
      %swap3A_658 = arith.constant 0 : index
      %swap3A_659 = vector.load %arg5[%swap3A_657, %swap3A_658] : memref<1000x256xf32, #tpu.memory_space<vmem>>, vector<1x256xf32>
      tpu.vector_store %arg5[%swap3A_657, %swap3A_658], %mul3A_656 {strides = array<i32>} : memref<1000x256xf32, #tpu.memory_space<vmem>>, vector<1x256xf32>,
      %scan3A_660 = arith.constant 7 : i32
      %scan3A_661 = arith.addi %scan3A_358, %scan3A_660 : i32
      %convert_element_type3A_662 = arith.truncf %mul3A_656 : vector<1x256xf32> to vector<1x256xbf16>
      %get3A_663 = arith.constant 0 : index
      %get3A_664 = arith.constant 0 : index
      %get3A_665 = vector.load %arg2[%get3A_663, %get3A_664] : memref<256x1024xbf16, #tpu.memory_space<vmem>>, vector<256x1024xbf16>
      %dot_general3A_666 = arith.constant dense<0.000000e+00> : vector<1x1024xf32>
      %dot_general3A_667 = tpu.matmul %convert_element_type3A_662, %get3A_665, %dot_general3A_666 {dimension_numbers = #tpu.dot_dimension_numbers<[1], [0], [0], [1], [0, 0, 1, 1], [], []>, transpose_lhs_hint = false} : vector<1x256xbf16>, vector<256x1024xbf16>, vector<1x1024xf32> -> vector<1x1024xf32>
      %get3A_668 = arith.index_cast %scan3A_661 : i32 to index
      %get3A_669 = arith.constant 0 : index
      %get3A_670 = vector.load %arg1[%get3A_668, %get3A_669] : memref<1000x1024xf32, #tpu.memory_space<vmem>>, vector<1x1024xf32>
      %add3A_671 = arith.addf %dot_general3A_667, %get3A_670 : vector<1x1024xf32>
      %slice3A_672 = vector.extract_strided_slice %add3A_671 {offsets = [0, 256], sizes = [1, 256], strides = [1, 1]} : vector<1x1024xf32> to vector<1x256xf32>
      %logistic3A_673 = arith.negf %slice3A_672 : vector<1x256xf32>
      %logistic3A_674 = math.exp %logistic3A_673 : vector<1x256xf32>
      %logistic3A_675 = arith.constant 1.000000e+00 : f32
      %logistic3A_676 = vector.broadcast %logistic3A_675 : f32 to vector<1x256xf32>
      %logistic3A_677 = arith.addf %logistic3A_676, %logistic3A_674 : vector<1x256xf32>
      %logistic3A_678 = arith.divf %logistic3A_676, %logistic3A_677 : vector<1x256xf32>
      %mul3A_679 = arith.mulf %logistic3A_678, %add3A_647 : vector<1x256xf32>
      %slice3A_680 = vector.extract_strided_slice %add3A_671 {offsets = [0, 0], sizes = [1, 256], strides = [1, 1]} : vector<1x1024xf32> to vector<1x256xf32>
      %logistic3A_681 = arith.negf %slice3A_680 : vector<1x256xf32>
      %logistic3A_682 = math.exp %logistic3A_681 : vector<1x256xf32>
      %logistic3A_683 = arith.constant 1.000000e+00 : f32
      %logistic3A_684 = vector.broadcast %logistic3A_683 : f32 to vector<1x256xf32>
      %logistic3A_685 = arith.addf %logistic3A_684, %logistic3A_682 : vector<1x256xf32>
      %logistic3A_686 = arith.divf %logistic3A_684, %logistic3A_685 : vector<1x256xf32>
      %slice3A_687 = vector.extract_strided_slice %add3A_671 {offsets = [0, 512], sizes = [1, 256], strides = [1, 1]} : vector<1x1024xf32> to vector<1x256xf32>
      %tanh3A_688 = math.tanh %slice3A_687 : vector<1x256xf32>
      %mul3A_689 = arith.mulf %logistic3A_686, %tanh3A_688 : vector<1x256xf32>
      %add3A_690 = arith.addf %mul3A_679, %mul3A_689 : vector<1x256xf32>
      %slice3A_691 = vector.extract_strided_slice %add3A_671 {offsets = [0, 768], sizes = [1, 256], strides = [1, 1]} : vector<1x1024xf32> to vector<1x256xf32>
      %logistic3A_692 = arith.negf %slice3A_691 : vector<1x256xf32>
      %logistic3A_693 = math.exp %logistic3A_692 : vector<1x256xf32>
      %logistic3A_694 = arith.constant 1.000000e+00 : f32
      %logistic3A_695 = vector.broadcast %logistic3A_694 : f32 to vector<1x256xf32>
      %logistic3A_696 = arith.addf %logistic3A_695, %logistic3A_693 : vector<1x256xf32>
      %logistic3A_697 = arith.divf %logistic3A_695, %logistic3A_696 : vector<1x256xf32>
      %tanh3A_698 = math.tanh %add3A_690 : vector<1x256xf32>
      %mul3A_699 = arith.mulf %logistic3A_697, %tanh3A_698 : vector<1x256xf32>
      %swap3A_700 = arith.index_cast %scan3A_661 : i32 to index
      %swap3A_701 = arith.constant 0 : index
      %swap3A_702 = vector.load %arg5[%swap3A_700, %swap3A_701] : memref<1000x256xf32, #tpu.memory_space<vmem>>, vector<1x256xf32>
      tpu.vector_store %arg5[%swap3A_700, %swap3A_701], %mul3A_699 {strides = array<i32>} : memref<1000x256xf32, #tpu.memory_space<vmem>>, vector<1x256xf32>,
      %scan3A_703 = arith.constant 8 : i32
      %scan3A_704 = arith.addi %scan3A_358, %scan3A_703 : i32
      %convert_element_type3A_705 = arith.truncf %mul3A_699 : vector<1x256xf32> to vector<1x256xbf16>
      %get3A_706 = arith.constant 0 : index
      %get3A_707 = arith.constant 0 : index
      %get3A_708 = vector.load %arg2[%get3A_706, %get3A_707] : memref<256x1024xbf16, #tpu.memory_space<vmem>>, vector<256x1024xbf16>
      %dot_general3A_709 = arith.constant dense<0.000000e+00> : vector<1x1024xf32>
      %dot_general3A_710 = tpu.matmul %convert_element_type3A_705, %get3A_708, %dot_general3A_709 {dimension_numbers = #tpu.dot_dimension_numbers<[1], [0], [0], [1], [0, 0, 1, 1], [], []>, transpose_lhs_hint = false} : vector<1x256xbf16>, vector<256x1024xbf16>, vector<1x1024xf32> -> vector<1x1024xf32>
      %get3A_711 = arith.index_cast %scan3A_704 : i32 to index
      %get3A_712 = arith.constant 0 : index
      %get3A_713 = vector.load %arg1[%get3A_711, %get3A_712] : memref<1000x1024xf32, #tpu.memory_space<vmem>>, vector<1x1024xf32>
      %add3A_714 = arith.addf %dot_general3A_710, %get3A_713 : vector<1x1024xf32>
      %slice3A_715 = vector.extract_strided_slice %add3A_714 {offsets = [0, 256], sizes = [1, 256], strides = [1, 1]} : vector<1x1024xf32> to vector<1x256xf32>
      %logistic3A_716 = arith.negf %slice3A_715 : vector<1x256xf32>
      %logistic3A_717 = math.exp %logistic3A_716 : vector<1x256xf32>
      %logistic3A_718 = arith.constant 1.000000e+00 : f32
      %logistic3A_719 = vector.broadcast %logistic3A_718 : f32 to vector<1x256xf32>
      %logistic3A_720 = arith.addf %logistic3A_719, %logistic3A_717 : vector<1x256xf32>
      %logistic3A_721 = arith.divf %logistic3A_719, %logistic3A_720 : vector<1x256xf32>
      %mul3A_722 = arith.mulf %logistic3A_721, %add3A_690 : vector<1x256xf32>
      %slice3A_723 = vector.extract_strided_slice %add3A_714 {offsets = [0, 0], sizes = [1, 256], strides = [1, 1]} : vector<1x1024xf32> to vector<1x256xf32>
      %logistic3A_724 = arith.negf %slice3A_723 : vector<1x256xf32>
      %logistic3A_725 = math.exp %logistic3A_724 : vector<1x256xf32>
      %logistic3A_726 = arith.constant 1.000000e+00 : f32
      %logistic3A_727 = vector.broadcast %logistic3A_726 : f32 to vector<1x256xf32>
      %logistic3A_728 = arith.addf %logistic3A_727, %logistic3A_725 : vector<1x256xf32>
      %logistic3A_729 = arith.divf %logistic3A_727, %logistic3A_728 : vector<1x256xf32>
      %slice3A_730 = vector.extract_strided_slice %add3A_714 {offsets = [0, 512], sizes = [1, 256], strides = [1, 1]} : vector<1x1024xf32> to vector<1x256xf32>
      %tanh3A_731 = math.tanh %slice3A_730 : vector<1x256xf32>
      %mul3A_732 = arith.mulf %logistic3A_729, %tanh3A_731 : vector<1x256xf32>
      %add3A_733 = arith.addf %mul3A_722, %mul3A_732 : vector<1x256xf32>
      %slice3A_734 = vector.extract_strided_slice %add3A_714 {offsets = [0, 768], sizes = [1, 256], strides = [1, 1]} : vector<1x1024xf32> to vector<1x256xf32>
      %logistic3A_735 = arith.negf %slice3A_734 : vector<1x256xf32>
      %logistic3A_736 = math.exp %logistic3A_735 : vector<1x256xf32>
      %logistic3A_737 = arith.constant 1.000000e+00 : f32
      %logistic3A_738 = vector.broadcast %logistic3A_737 : f32 to vector<1x256xf32>
      %logistic3A_739 = arith.addf %logistic3A_738, %logistic3A_736 : vector<1x256xf32>
      %logistic3A_740 = arith.divf %logistic3A_738, %logistic3A_739 : vector<1x256xf32>
      %tanh3A_741 = math.tanh %add3A_733 : vector<1x256xf32>
      %mul3A_742 = arith.mulf %logistic3A_740, %tanh3A_741 : vector<1x256xf32>
      %swap3A_743 = arith.index_cast %scan3A_704 : i32 to index
      %swap3A_744 = arith.constant 0 : index
      %swap3A_745 = vector.load %arg5[%swap3A_743, %swap3A_744] : memref<1000x256xf32, #tpu.memory_space<vmem>>, vector<1x256xf32>
      tpu.vector_store %arg5[%swap3A_743, %swap3A_744], %mul3A_742 {strides = array<i32>} : memref<1000x256xf32, #tpu.memory_space<vmem>>, vector<1x256xf32>,
      %scan3A_746 = arith.constant 9 : i32
      %scan3A_747 = arith.addi %scan3A_358, %scan3A_746 : i32
      %convert_element_type3A_748 = arith.truncf %mul3A_742 : vector<1x256xf32> to vector<1x256xbf16>
      %get3A_749 = arith.constant 0 : index
      %get3A_750 = arith.constant 0 : index
      %get3A_751 = vector.load %arg2[%get3A_749, %get3A_750] : memref<256x1024xbf16, #tpu.memory_space<vmem>>, vector<256x1024xbf16>
      %dot_general3A_752 = arith.constant dense<0.000000e+00> : vector<1x1024xf32>
      %dot_general3A_753 = tpu.matmul %convert_element_type3A_748, %get3A_751, %dot_general3A_752 {dimension_numbers = #tpu.dot_dimension_numbers<[1], [0], [0], [1], [0, 0, 1, 1], [], []>, transpose_lhs_hint = false} : vector<1x256xbf16>, vector<256x1024xbf16>, vector<1x1024xf32> -> vector<1x1024xf32>
      %get3A_754 = arith.index_cast %scan3A_747 : i32 to index
      %get3A_755 = arith.constant 0 : index
      %get3A_756 = vector.load %arg1[%get3A_754, %get3A_755] : memref<1000x1024xf32, #tpu.memory_space<vmem>>, vector<1x1024xf32>
      %add3A_757 = arith.addf %dot_general3A_753, %get3A_756 : vector<1x1024xf32>
      %slice3A_758 = vector.extract_strided_slice %add3A_757 {offsets = [0, 256], sizes = [1, 256], strides = [1, 1]} : vector<1x1024xf32> to vector<1x256xf32>
      %logistic3A_759 = arith.negf %slice3A_758 : vector<1x256xf32>
      %logistic3A_760 = math.exp %logistic3A_759 : vector<1x256xf32>
      %logistic3A_761 = arith.constant 1.000000e+00 : f32
      %logistic3A_762 = vector.broadcast %logistic3A_761 : f32 to vector<1x256xf32>
      %logistic3A_763 = arith.addf %logistic3A_762, %logistic3A_760 : vector<1x256xf32>
      %logistic3A_764 = arith.divf %logistic3A_762, %logistic3A_763 : vector<1x256xf32>
      %mul3A_765 = arith.mulf %logistic3A_764, %add3A_733 : vector<1x256xf32>
      %slice3A_766 = vector.extract_strided_slice %add3A_757 {offsets = [0, 0], sizes = [1, 256], strides = [1, 1]} : vector<1x1024xf32> to vector<1x256xf32>
      %logistic3A_767 = arith.negf %slice3A_766 : vector<1x256xf32>
      %logistic3A_768 = math.exp %logistic3A_767 : vector<1x256xf32>
      %logistic3A_769 = arith.constant 1.000000e+00 : f32
      %logistic3A_770 = vector.broadcast %logistic3A_769 : f32 to vector<1x256xf32>
      %logistic3A_771 = arith.addf %logistic3A_770, %logistic3A_768 : vector<1x256xf32>
      %logistic3A_772 = arith.divf %logistic3A_770, %logistic3A_771 : vector<1x256xf32>
      %slice3A_773 = vector.extract_strided_slice %add3A_757 {offsets = [0, 512], sizes = [1, 256], strides = [1, 1]} : vector<1x1024xf32> to vector<1x256xf32>
      %tanh3A_774 = math.tanh %slice3A_773 : vector<1x256xf32>
      %mul3A_775 = arith.mulf %logistic3A_772, %tanh3A_774 : vector<1x256xf32>
      %add3A_776 = arith.addf %mul3A_765, %mul3A_775 : vector<1x256xf32>
      %slice3A_777 = vector.extract_strided_slice %add3A_757 {offsets = [0, 768], sizes = [1, 256], strides = [1, 1]} : vector<1x1024xf32> to vector<1x256xf32>
      %logistic3A_778 = arith.negf %slice3A_777 : vector<1x256xf32>
      %logistic3A_779 = math.exp %logistic3A_778 : vector<1x256xf32>
      %logistic3A_780 = arith.constant 1.000000e+00 : f32
      %logistic3A_781 = vector.broadcast %logistic3A_780 : f32 to vector<1x256xf32>
      %logistic3A_782 = arith.addf %logistic3A_781, %logistic3A_779 : vector<1x256xf32>
      %logistic3A_783 = arith.divf %logistic3A_781, %logistic3A_782 : vector<1x256xf32>
      %tanh3A_784 = math.tanh %add3A_776 : vector<1x256xf32>
      %mul3A_785 = arith.mulf %logistic3A_783, %tanh3A_784 : vector<1x256xf32>
      %swap3A_786 = arith.index_cast %scan3A_747 : i32 to index
      %swap3A_787 = arith.constant 0 : index
      %swap3A_788 = vector.load %arg5[%swap3A_786, %swap3A_787] : memref<1000x256xf32, #tpu.memory_space<vmem>>, vector<1x256xf32>
      tpu.vector_store %arg5[%swap3A_786, %swap3A_787], %mul3A_785 {strides = array<i32>} : memref<1000x256xf32, #tpu.memory_space<vmem>>, vector<1x256xf32>,
      %scan3A_789 = arith.constant 10 : i32
      %scan3A_790 = arith.addi %scan3A_358, %scan3A_789 : i32
      %convert_element_type3A_791 = arith.truncf %mul3A_785 : vector<1x256xf32> to vector<1x256xbf16>
      %get3A_792 = arith.constant 0 : index
      %get3A_793 = arith.constant 0 : index
      %get3A_794 = vector.load %arg2[%get3A_792, %get3A_793] : memref<256x1024xbf16, #tpu.memory_space<vmem>>, vector<256x1024xbf16>
      %dot_general3A_795 = arith.constant dense<0.000000e+00> : vector<1x1024xf32>
      %dot_general3A_796 = tpu.matmul %convert_element_type3A_791, %get3A_794, %dot_general3A_795 {dimension_numbers = #tpu.dot_dimension_numbers<[1], [0], [0], [1], [0, 0, 1, 1], [], []>, transpose_lhs_hint = false} : vector<1x256xbf16>, vector<256x1024xbf16>, vector<1x1024xf32> -> vector<1x1024xf32>
      %get3A_797 = arith.index_cast %scan3A_790 : i32 to index
      %get3A_798 = arith.constant 0 : index
      %get3A_799 = vector.load %arg1[%get3A_797, %get3A_798] : memref<1000x1024xf32, #tpu.memory_space<vmem>>, vector<1x1024xf32>
      %add3A_800 = arith.addf %dot_general3A_796, %get3A_799 : vector<1x1024xf32>
      %slice3A_801 = vector.extract_strided_slice %add3A_800 {offsets = [0, 256], sizes = [1, 256], strides = [1, 1]} : vector<1x1024xf32> to vector<1x256xf32>
      %logistic3A_802 = arith.negf %slice3A_801 : vector<1x256xf32>
      %logistic3A_803 = math.exp %logistic3A_802 : vector<1x256xf32>
      %logistic3A_804 = arith.constant 1.000000e+00 : f32
      %logistic3A_805 = vector.broadcast %logistic3A_804 : f32 to vector<1x256xf32>
      %logistic3A_806 = arith.addf %logistic3A_805, %logistic3A_803 : vector<1x256xf32>
      %logistic3A_807 = arith.divf %logistic3A_805, %logistic3A_806 : vector<1x256xf32>
      %mul3A_808 = arith.mulf %logistic3A_807, %add3A_776 : vector<1x256xf32>
      %slice3A_809 = vector.extract_strided_slice %add3A_800 {offsets = [0, 0], sizes = [1, 256], strides = [1, 1]} : vector<1x1024xf32> to vector<1x256xf32>
      %logistic3A_810 = arith.negf %slice3A_809 : vector<1x256xf32>
      %logistic3A_811 = math.exp %logistic3A_810 : vector<1x256xf32>
      %logistic3A_812 = arith.constant 1.000000e+00 : f32
      %logistic3A_813 = vector.broadcast %logistic3A_812 : f32 to vector<1x256xf32>
      %logistic3A_814 = arith.addf %logistic3A_813, %logistic3A_811 : vector<1x256xf32>
      %logistic3A_815 = arith.divf %logistic3A_813, %logistic3A_814 : vector<1x256xf32>
      %slice3A_816 = vector.extract_strided_slice %add3A_800 {offsets = [0, 512], sizes = [1, 256], strides = [1, 1]} : vector<1x1024xf32> to vector<1x256xf32>
      %tanh3A_817 = math.tanh %slice3A_816 : vector<1x256xf32>
      %mul3A_818 = arith.mulf %logistic3A_815, %tanh3A_817 : vector<1x256xf32>
      %add3A_819 = arith.addf %mul3A_808, %mul3A_818 : vector<1x256xf32>
      %slice3A_820 = vector.extract_strided_slice %add3A_800 {offsets = [0, 768], sizes = [1, 256], strides = [1, 1]} : vector<1x1024xf32> to vector<1x256xf32>
      %logistic3A_821 = arith.negf %slice3A_820 : vector<1x256xf32>
      %logistic3A_822 = math.exp %logistic3A_821 : vector<1x256xf32>
      %logistic3A_823 = arith.constant 1.000000e+00 : f32
      %logistic3A_824 = vector.broadcast %logistic3A_823 : f32 to vector<1x256xf32>
      %logistic3A_825 = arith.addf %logistic3A_824, %logistic3A_822 : vector<1x256xf32>
      %logistic3A_826 = arith.divf %logistic3A_824, %logistic3A_825 : vector<1x256xf32>
      %tanh3A_827 = math.tanh %add3A_819 : vector<1x256xf32>
      %mul3A_828 = arith.mulf %logistic3A_826, %tanh3A_827 : vector<1x256xf32>
      %swap3A_829 = arith.index_cast %scan3A_790 : i32 to index
      %swap3A_830 = arith.constant 0 : index
      %swap3A_831 = vector.load %arg5[%swap3A_829, %swap3A_830] : memref<1000x256xf32, #tpu.memory_space<vmem>>, vector<1x256xf32>
      tpu.vector_store %arg5[%swap3A_829, %swap3A_830], %mul3A_828 {strides = array<i32>} : memref<1000x256xf32, #tpu.memory_space<vmem>>, vector<1x256xf32>,
      %scan3A_832 = arith.constant 11 : i32
      %scan3A_833 = arith.addi %scan3A_358, %scan3A_832 : i32
      %convert_element_type3A_834 = arith.truncf %mul3A_828 : vector<1x256xf32> to vector<1x256xbf16>
      %get3A_835 = arith.constant 0 : index
      %get3A_836 = arith.constant 0 : index
      %get3A_837 = vector.load %arg2[%get3A_835, %get3A_836] : memref<256x1024xbf16, #tpu.memory_space<vmem>>, vector<256x1024xbf16>
      %dot_general3A_838 = arith.constant dense<0.000000e+00> : vector<1x1024xf32>
      %dot_general3A_839 = tpu.matmul %convert_element_type3A_834, %get3A_837, %dot_general3A_838 {dimension_numbers = #tpu.dot_dimension_numbers<[1], [0], [0], [1], [0, 0, 1, 1], [], []>, transpose_lhs_hint = false} : vector<1x256xbf16>, vector<256x1024xbf16>, vector<1x1024xf32> -> vector<1x1024xf32>
      %get3A_840 = arith.index_cast %scan3A_833 : i32 to index
      %get3A_841 = arith.constant 0 : index
      %get3A_842 = vector.load %arg1[%get3A_840, %get3A_841] : memref<1000x1024xf32, #tpu.memory_space<vmem>>, vector<1x1024xf32>
      %add3A_843 = arith.addf %dot_general3A_839, %get3A_842 : vector<1x1024xf32>
      %slice3A_844 = vector.extract_strided_slice %add3A_843 {offsets = [0, 256], sizes = [1, 256], strides = [1, 1]} : vector<1x1024xf32> to vector<1x256xf32>
      %logistic3A_845 = arith.negf %slice3A_844 : vector<1x256xf32>
      %logistic3A_846 = math.exp %logistic3A_845 : vector<1x256xf32>
      %logistic3A_847 = arith.constant 1.000000e+00 : f32
      %logistic3A_848 = vector.broadcast %logistic3A_847 : f32 to vector<1x256xf32>
      %logistic3A_849 = arith.addf %logistic3A_848, %logistic3A_846 : vector<1x256xf32>
      %logistic3A_850 = arith.divf %logistic3A_848, %logistic3A_849 : vector<1x256xf32>
      %mul3A_851 = arith.mulf %logistic3A_850, %add3A_819 : vector<1x256xf32>
      %slice3A_852 = vector.extract_strided_slice %add3A_843 {offsets = [0, 0], sizes = [1, 256], strides = [1, 1]} : vector<1x1024xf32> to vector<1x256xf32>
      %logistic3A_853 = arith.negf %slice3A_852 : vector<1x256xf32>
      %logistic3A_854 = math.exp %logistic3A_853 : vector<1x256xf32>
      %logistic3A_855 = arith.constant 1.000000e+00 : f32
      %logistic3A_856 = vector.broadcast %logistic3A_855 : f32 to vector<1x256xf32>
      %logistic3A_857 = arith.addf %logistic3A_856, %logistic3A_854 : vector<1x256xf32>
      %logistic3A_858 = arith.divf %logistic3A_856, %logistic3A_857 : vector<1x256xf32>
      %slice3A_859 = vector.extract_strided_slice %add3A_843 {offsets = [0, 512], sizes = [1, 256], strides = [1, 1]} : vector<1x1024xf32> to vector<1x256xf32>
      %tanh3A_860 = math.tanh %slice3A_859 : vector<1x256xf32>
      %mul3A_861 = arith.mulf %logistic3A_858, %tanh3A_860 : vector<1x256xf32>
      %add3A_862 = arith.addf %mul3A_851, %mul3A_861 : vector<1x256xf32>
      %slice3A_863 = vector.extract_strided_slice %add3A_843 {offsets = [0, 768], sizes = [1, 256], strides = [1, 1]} : vector<1x1024xf32> to vector<1x256xf32>
      %logistic3A_864 = arith.negf %slice3A_863 : vector<1x256xf32>
      %logistic3A_865 = math.exp %logistic3A_864 : vector<1x256xf32>
      %logistic3A_866 = arith.constant 1.000000e+00 : f32
      %logistic3A_867 = vector.broadcast %logistic3A_866 : f32 to vector<1x256xf32>
      %logistic3A_868 = arith.addf %logistic3A_867, %logistic3A_865 : vector<1x256xf32>
      %logistic3A_869 = arith.divf %logistic3A_867, %logistic3A_868 : vector<1x256xf32>
      %tanh3A_870 = math.tanh %add3A_862 : vector<1x256xf32>
      %mul3A_871 = arith.mulf %logistic3A_869, %tanh3A_870 : vector<1x256xf32>
      %swap3A_872 = arith.index_cast %scan3A_833 : i32 to index
      %swap3A_873 = arith.constant 0 : index
      %swap3A_874 = vector.load %arg5[%swap3A_872, %swap3A_873] : memref<1000x256xf32, #tpu.memory_space<vmem>>, vector<1x256xf32>
      tpu.vector_store %arg5[%swap3A_872, %swap3A_873], %mul3A_871 {strides = array<i32>} : memref<1000x256xf32, #tpu.memory_space<vmem>>, vector<1x256xf32>,
      %scan3A_875 = arith.constant 12 : i32
      %scan3A_876 = arith.addi %scan3A_358, %scan3A_875 : i32
      %convert_element_type3A_877 = arith.truncf %mul3A_871 : vector<1x256xf32> to vector<1x256xbf16>
      %get3A_878 = arith.constant 0 : index
      %get3A_879 = arith.constant 0 : index
      %get3A_880 = vector.load %arg2[%get3A_878, %get3A_879] : memref<256x1024xbf16, #tpu.memory_space<vmem>>, vector<256x1024xbf16>
      %dot_general3A_881 = arith.constant dense<0.000000e+00> : vector<1x1024xf32>
      %dot_general3A_882 = tpu.matmul %convert_element_type3A_877, %get3A_880, %dot_general3A_881 {dimension_numbers = #tpu.dot_dimension_numbers<[1], [0], [0], [1], [0, 0, 1, 1], [], []>, transpose_lhs_hint = false} : vector<1x256xbf16>, vector<256x1024xbf16>, vector<1x1024xf32> -> vector<1x1024xf32>
      %get3A_883 = arith.index_cast %scan3A_876 : i32 to index
      %get3A_884 = arith.constant 0 : index
      %get3A_885 = vector.load %arg1[%get3A_883, %get3A_884] : memref<1000x1024xf32, #tpu.memory_space<vmem>>, vector<1x1024xf32>
      %add3A_886 = arith.addf %dot_general3A_882, %get3A_885 : vector<1x1024xf32>
      %slice3A_887 = vector.extract_strided_slice %add3A_886 {offsets = [0, 256], sizes = [1, 256], strides = [1, 1]} : vector<1x1024xf32> to vector<1x256xf32>
      %logistic3A_888 = arith.negf %slice3A_887 : vector<1x256xf32>
      %logistic3A_889 = math.exp %logistic3A_888 : vector<1x256xf32>
      %logistic3A_890 = arith.constant 1.000000e+00 : f32
      %logistic3A_891 = vector.broadcast %logistic3A_890 : f32 to vector<1x256xf32>
      %logistic3A_892 = arith.addf %logistic3A_891, %logistic3A_889 : vector<1x256xf32>
      %logistic3A_893 = arith.divf %logistic3A_891, %logistic3A_892 : vector<1x256xf32>
      %mul3A_894 = arith.mulf %logistic3A_893, %add3A_862 : vector<1x256xf32>
      %slice3A_895 = vector.extract_strided_slice %add3A_886 {offsets = [0, 0], sizes = [1, 256], strides = [1, 1]} : vector<1x1024xf32> to vector<1x256xf32>
      %logistic3A_896 = arith.negf %slice3A_895 : vector<1x256xf32>
      %logistic3A_897 = math.exp %logistic3A_896 : vector<1x256xf32>
      %logistic3A_898 = arith.constant 1.000000e+00 : f32
      %logistic3A_899 = vector.broadcast %logistic3A_898 : f32 to vector<1x256xf32>
      %logistic3A_900 = arith.addf %logistic3A_899, %logistic3A_897 : vector<1x256xf32>
      %logistic3A_901 = arith.divf %logistic3A_899, %logistic3A_900 : vector<1x256xf32>
      %slice3A_902 = vector.extract_strided_slice %add3A_886 {offsets = [0, 512], sizes = [1, 256], strides = [1, 1]} : vector<1x1024xf32> to vector<1x256xf32>
      %tanh3A_903 = math.tanh %slice3A_902 : vector<1x256xf32>
      %mul3A_904 = arith.mulf %logistic3A_901, %tanh3A_903 : vector<1x256xf32>
      %add3A_905 = arith.addf %mul3A_894, %mul3A_904 : vector<1x256xf32>
      %slice3A_906 = vector.extract_strided_slice %add3A_886 {offsets = [0, 768], sizes = [1, 256], strides = [1, 1]} : vector<1x1024xf32> to vector<1x256xf32>
      %logistic3A_907 = arith.negf %slice3A_906 : vector<1x256xf32>
      %logistic3A_908 = math.exp %logistic3A_907 : vector<1x256xf32>
      %logistic3A_909 = arith.constant 1.000000e+00 : f32
      %logistic3A_910 = vector.broadcast %logistic3A_909 : f32 to vector<1x256xf32>
      %logistic3A_911 = arith.addf %logistic3A_910, %logistic3A_908 : vector<1x256xf32>
      %logistic3A_912 = arith.divf %logistic3A_910, %logistic3A_911 : vector<1x256xf32>
      %tanh3A_913 = math.tanh %add3A_905 : vector<1x256xf32>
      %mul3A_914 = arith.mulf %logistic3A_912, %tanh3A_913 : vector<1x256xf32>
      %swap3A_915 = arith.index_cast %scan3A_876 : i32 to index
      %swap3A_916 = arith.constant 0 : index
      %swap3A_917 = vector.load %arg5[%swap3A_915, %swap3A_916] : memref<1000x256xf32, #tpu.memory_space<vmem>>, vector<1x256xf32>
      tpu.vector_store %arg5[%swap3A_915, %swap3A_916], %mul3A_914 {strides = array<i32>} : memref<1000x256xf32, #tpu.memory_space<vmem>>, vector<1x256xf32>,
      %scan3A_918 = arith.constant 13 : i32
      %scan3A_919 = arith.addi %scan3A_358, %scan3A_918 : i32
      %convert_element_type3A_920 = arith.truncf %mul3A_914 : vector<1x256xf32> to vector<1x256xbf16>
      %get3A_921 = arith.constant 0 : index
      %get3A_922 = arith.constant 0 : index
      %get3A_923 = vector.load %arg2[%get3A_921, %get3A_922] : memref<256x1024xbf16, #tpu.memory_space<vmem>>, vector<256x1024xbf16>
      %dot_general3A_924 = arith.constant dense<0.000000e+00> : vector<1x1024xf32>
      %dot_general3A_925 = tpu.matmul %convert_element_type3A_920, %get3A_923, %dot_general3A_924 {dimension_numbers = #tpu.dot_dimension_numbers<[1], [0], [0], [1], [0, 0, 1, 1], [], []>, transpose_lhs_hint = false} : vector<1x256xbf16>, vector<256x1024xbf16>, vector<1x1024xf32> -> vector<1x1024xf32>
      %get3A_926 = arith.index_cast %scan3A_919 : i32 to index
      %get3A_927 = arith.constant 0 : index
      %get3A_928 = vector.load %arg1[%get3A_926, %get3A_927] : memref<1000x1024xf32, #tpu.memory_space<vmem>>, vector<1x1024xf32>
      %add3A_929 = arith.addf %dot_general3A_925, %get3A_928 : vector<1x1024xf32>
      %slice3A_930 = vector.extract_strided_slice %add3A_929 {offsets = [0, 256], sizes = [1, 256], strides = [1, 1]} : vector<1x1024xf32> to vector<1x256xf32>
      %logistic3A_931 = arith.negf %slice3A_930 : vector<1x256xf32>
      %logistic3A_932 = math.exp %logistic3A_931 : vector<1x256xf32>
      %logistic3A_933 = arith.constant 1.000000e+00 : f32
      %logistic3A_934 = vector.broadcast %logistic3A_933 : f32 to vector<1x256xf32>
      %logistic3A_935 = arith.addf %logistic3A_934, %logistic3A_932 : vector<1x256xf32>
      %logistic3A_936 = arith.divf %logistic3A_934, %logistic3A_935 : vector<1x256xf32>
      %mul3A_937 = arith.mulf %logistic3A_936, %add3A_905 : vector<1x256xf32>
      %slice3A_938 = vector.extract_strided_slice %add3A_929 {offsets = [0, 0], sizes = [1, 256], strides = [1, 1]} : vector<1x1024xf32> to vector<1x256xf32>
      %logistic3A_939 = arith.negf %slice3A_938 : vector<1x256xf32>
      %logistic3A_940 = math.exp %logistic3A_939 : vector<1x256xf32>
      %logistic3A_941 = arith.constant 1.000000e+00 : f32
      %logistic3A_942 = vector.broadcast %logistic3A_941 : f32 to vector<1x256xf32>
      %logistic3A_943 = arith.addf %logistic3A_942, %logistic3A_940 : vector<1x256xf32>
      %logistic3A_944 = arith.divf %logistic3A_942, %logistic3A_943 : vector<1x256xf32>
      %slice3A_945 = vector.extract_strided_slice %add3A_929 {offsets = [0, 512], sizes = [1, 256], strides = [1, 1]} : vector<1x1024xf32> to vector<1x256xf32>
      %tanh3A_946 = math.tanh %slice3A_945 : vector<1x256xf32>
      %mul3A_947 = arith.mulf %logistic3A_944, %tanh3A_946 : vector<1x256xf32>
      %add3A_948 = arith.addf %mul3A_937, %mul3A_947 : vector<1x256xf32>
      %slice3A_949 = vector.extract_strided_slice %add3A_929 {offsets = [0, 768], sizes = [1, 256], strides = [1, 1]} : vector<1x1024xf32> to vector<1x256xf32>
      %logistic3A_950 = arith.negf %slice3A_949 : vector<1x256xf32>
      %logistic3A_951 = math.exp %logistic3A_950 : vector<1x256xf32>
      %logistic3A_952 = arith.constant 1.000000e+00 : f32
      %logistic3A_953 = vector.broadcast %logistic3A_952 : f32 to vector<1x256xf32>
      %logistic3A_954 = arith.addf %logistic3A_953, %logistic3A_951 : vector<1x256xf32>
      %logistic3A_955 = arith.divf %logistic3A_953, %logistic3A_954 : vector<1x256xf32>
      %tanh3A_956 = math.tanh %add3A_948 : vector<1x256xf32>
      %mul3A_957 = arith.mulf %logistic3A_955, %tanh3A_956 : vector<1x256xf32>
      %swap3A_958 = arith.index_cast %scan3A_919 : i32 to index
      %swap3A_959 = arith.constant 0 : index
      %swap3A_960 = vector.load %arg5[%swap3A_958, %swap3A_959] : memref<1000x256xf32, #tpu.memory_space<vmem>>, vector<1x256xf32>
      tpu.vector_store %arg5[%swap3A_958, %swap3A_959], %mul3A_957 {strides = array<i32>} : memref<1000x256xf32, #tpu.memory_space<vmem>>, vector<1x256xf32>,
      %scan3A_961 = arith.constant 14 : i32
      %scan3A_962 = arith.addi %scan3A_358, %scan3A_961 : i32
      %convert_element_type3A_963 = arith.truncf %mul3A_957 : vector<1x256xf32> to vector<1x256xbf16>
      %get3A_964 = arith.constant 0 : index
      %get3A_965 = arith.constant 0 : index
      %get3A_966 = vector.load %arg2[%get3A_964, %get3A_965] : memref<256x1024xbf16, #tpu.memory_space<vmem>>, vector<256x1024xbf16>
      %dot_general3A_967 = arith.constant dense<0.000000e+00> : vector<1x1024xf32>
      %dot_general3A_968 = tpu.matmul %convert_element_type3A_963, %get3A_966, %dot_general3A_967 {dimension_numbers = #tpu.dot_dimension_numbers<[1], [0], [0], [1], [0, 0, 1, 1], [], []>, transpose_lhs_hint = false} : vector<1x256xbf16>, vector<256x1024xbf16>, vector<1x1024xf32> -> vector<1x1024xf32>
      %get3A_969 = arith.index_cast %scan3A_962 : i32 to index
      %get3A_970 = arith.constant 0 : index
      %get3A_971 = vector.load %arg1[%get3A_969, %get3A_970] : memref<1000x1024xf32, #tpu.memory_space<vmem>>, vector<1x1024xf32>
      %add3A_972 = arith.addf %dot_general3A_968, %get3A_971 : vector<1x1024xf32>
      %slice3A_973 = vector.extract_strided_slice %add3A_972 {offsets = [0, 256], sizes = [1, 256], strides = [1, 1]} : vector<1x1024xf32> to vector<1x256xf32>
      %logistic3A_974 = arith.negf %slice3A_973 : vector<1x256xf32>
      %logistic3A_975 = math.exp %logistic3A_974 : vector<1x256xf32>
      %logistic3A_976 = arith.constant 1.000000e+00 : f32
      %logistic3A_977 = vector.broadcast %logistic3A_976 : f32 to vector<1x256xf32>
      %logistic3A_978 = arith.addf %logistic3A_977, %logistic3A_975 : vector<1x256xf32>
      %logistic3A_979 = arith.divf %logistic3A_977, %logistic3A_978 : vector<1x256xf32>
      %mul3A_980 = arith.mulf %logistic3A_979, %add3A_948 : vector<1x256xf32>
      %slice3A_981 = vector.extract_strided_slice %add3A_972 {offsets = [0, 0], sizes = [1, 256], strides = [1, 1]} : vector<1x1024xf32> to vector<1x256xf32>
      %logistic3A_982 = arith.negf %slice3A_981 : vector<1x256xf32>
      %logistic3A_983 = math.exp %logistic3A_982 : vector<1x256xf32>
      %logistic3A_984 = arith.constant 1.000000e+00 : f32
      %logistic3A_985 = vector.broadcast %logistic3A_984 : f32 to vector<1x256xf32>
      %logistic3A_986 = arith.addf %logistic3A_985, %logistic3A_983 : vector<1x256xf32>
      %logistic3A_987 = arith.divf %logistic3A_985, %logistic3A_986 : vector<1x256xf32>
      %slice3A_988 = vector.extract_strided_slice %add3A_972 {offsets = [0, 512], sizes = [1, 256], strides = [1, 1]} : vector<1x1024xf32> to vector<1x256xf32>
      %tanh3A_989 = math.tanh %slice3A_988 : vector<1x256xf32>
      %mul3A_990 = arith.mulf %logistic3A_987, %tanh3A_989 : vector<1x256xf32>
      %add3A_991 = arith.addf %mul3A_980, %mul3A_990 : vector<1x256xf32>
      %slice3A_992 = vector.extract_strided_slice %add3A_972 {offsets = [0, 768], sizes = [1, 256], strides = [1, 1]} : vector<1x1024xf32> to vector<1x256xf32>
      %logistic3A_993 = arith.negf %slice3A_992 : vector<1x256xf32>
      %logistic3A_994 = math.exp %logistic3A_993 : vector<1x256xf32>
      %logistic3A_995 = arith.constant 1.000000e+00 : f32
      %logistic3A_996 = vector.broadcast %logistic3A_995 : f32 to vector<1x256xf32>
      %logistic3A_997 = arith.addf %logistic3A_996, %logistic3A_994 : vector<1x256xf32>
      %logistic3A_998 = arith.divf %logistic3A_996, %logistic3A_997 : vector<1x256xf32>
      %tanh3A_999 = math.tanh %add3A_991 : vector<1x256xf32>
      %mul3A_1000 = arith.mulf %logistic3A_998, %tanh3A_999 : vector<1x256xf32>
      %swap3A_1001 = arith.index_cast %scan3A_962 : i32 to index
      %swap3A_1002 = arith.constant 0 : index
      %swap3A_1003 = vector.load %arg5[%swap3A_1001, %swap3A_1002] : memref<1000x256xf32, #tpu.memory_space<vmem>>, vector<1x256xf32>
      tpu.vector_store %arg5[%swap3A_1001, %swap3A_1002], %mul3A_1000 {strides = array<i32>} : memref<1000x256xf32, #tpu.memory_space<vmem>>, vector<1x256xf32>,
      %scan3A_1004 = arith.constant 15 : i32
      %scan3A_1005 = arith.addi %scan3A_358, %scan3A_1004 : i32
      %convert_element_type3A_1006 = arith.truncf %mul3A_1000 : vector<1x256xf32> to vector<1x256xbf16>
      %get3A_1007 = arith.constant 0 : index
      %get3A_1008 = arith.constant 0 : index
      %get3A_1009 = vector.load %arg2[%get3A_1007, %get3A_1008] : memref<256x1024xbf16, #tpu.memory_space<vmem>>, vector<256x1024xbf16>
      %dot_general3A_1010 = arith.constant dense<0.000000e+00> : vector<1x1024xf32>
      %dot_general3A_1011 = tpu.matmul %convert_element_type3A_1006, %get3A_1009, %dot_general3A_1010 {dimension_numbers = #tpu.dot_dimension_numbers<[1], [0], [0], [1], [0, 0, 1, 1], [], []>, transpose_lhs_hint = false} : vector<1x256xbf16>, vector<256x1024xbf16>, vector<1x1024xf32> -> vector<1x1024xf32>
      %get3A_1012 = arith.index_cast %scan3A_1005 : i32 to index
      %get3A_1013 = arith.constant 0 : index
      %get3A_1014 = vector.load %arg1[%get3A_1012, %get3A_1013] : memref<1000x1024xf32, #tpu.memory_space<vmem>>, vector<1x1024xf32>
      %add3A_1015 = arith.addf %dot_general3A_1011, %get3A_1014 : vector<1x1024xf32>
      %slice3A_1016 = vector.extract_strided_slice %add3A_1015 {offsets = [0, 256], sizes = [1, 256], strides = [1, 1]} : vector<1x1024xf32> to vector<1x256xf32>
      %logistic3A_1017 = arith.negf %slice3A_1016 : vector<1x256xf32>
      %logistic3A_1018 = math.exp %logistic3A_1017 : vector<1x256xf32>
      %logistic3A_1019 = arith.constant 1.000000e+00 : f32
      %logistic3A_1020 = vector.broadcast %logistic3A_1019 : f32 to vector<1x256xf32>
      %logistic3A_1021 = arith.addf %logistic3A_1020, %logistic3A_1018 : vector<1x256xf32>
      %logistic3A_1022 = arith.divf %logistic3A_1020, %logistic3A_1021 : vector<1x256xf32>
      %mul3A_1023 = arith.mulf %logistic3A_1022, %add3A_991 : vector<1x256xf32>
      %slice3A_1024 = vector.extract_strided_slice %add3A_1015 {offsets = [0, 0], sizes = [1, 256], strides = [1, 1]} : vector<1x1024xf32> to vector<1x256xf32>
      %logistic3A_1025 = arith.negf %slice3A_1024 : vector<1x256xf32>
      %logistic3A_1026 = math.exp %logistic3A_1025 : vector<1x256xf32>
      %logistic3A_1027 = arith.constant 1.000000e+00 : f32
      %logistic3A_1028 = vector.broadcast %logistic3A_1027 : f32 to vector<1x256xf32>
      %logistic3A_1029 = arith.addf %logistic3A_1028, %logistic3A_1026 : vector<1x256xf32>
      %logistic3A_1030 = arith.divf %logistic3A_1028, %logistic3A_1029 : vector<1x256xf32>
      %slice3A_1031 = vector.extract_strided_slice %add3A_1015 {offsets = [0, 512], sizes = [1, 256], strides = [1, 1]} : vector<1x1024xf32> to vector<1x256xf32>
      %tanh3A_1032 = math.tanh %slice3A_1031 : vector<1x256xf32>
      %mul3A_1033 = arith.mulf %logistic3A_1030, %tanh3A_1032 : vector<1x256xf32>
      %add3A_1034 = arith.addf %mul3A_1023, %mul3A_1033 : vector<1x256xf32>
      %slice3A_1035 = vector.extract_strided_slice %add3A_1015 {offsets = [0, 768], sizes = [1, 256], strides = [1, 1]} : vector<1x1024xf32> to vector<1x256xf32>
      %logistic3A_1036 = arith.negf %slice3A_1035 : vector<1x256xf32>
      %logistic3A_1037 = math.exp %logistic3A_1036 : vector<1x256xf32>
      %logistic3A_1038 = arith.constant 1.000000e+00 : f32
      %logistic3A_1039 = vector.broadcast %logistic3A_1038 : f32 to vector<1x256xf32>
      %logistic3A_1040 = arith.addf %logistic3A_1039, %logistic3A_1037 : vector<1x256xf32>
      %logistic3A_1041 = arith.divf %logistic3A_1039, %logistic3A_1040 : vector<1x256xf32>
      %tanh3A_1042 = math.tanh %add3A_1034 : vector<1x256xf32>
      %mul3A_1043 = arith.mulf %logistic3A_1041, %tanh3A_1042 : vector<1x256xf32>
      %swap3A_1044 = arith.index_cast %scan3A_1005 : i32 to index
      %swap3A_1045 = arith.constant 0 : index
      %swap3A_1046 = vector.load %arg5[%swap3A_1044, %swap3A_1045] : memref<1000x256xf32, #tpu.memory_space<vmem>>, vector<1x256xf32>
      tpu.vector_store %arg5[%swap3A_1044, %swap3A_1045], %mul3A_1043 {strides = array<i32>} : memref<1000x256xf32, #tpu.memory_space<vmem>>, vector<1x256xf32>,
      scf.yield %mul3A_1043, %add3A_1034 : vector<1x256xf32>, vector<1x256xf32>
    }
    %scan3A_11 = arith.constant 992 : i32
    %scan3A_12 = arith.addi %scan3A, %scan3A_11 : i32
    %convert_element_type3A_13 = arith.truncf %scan3A_10#0 : vector<1x256xf32> to vector<1x256xbf16>
    %get3A_14 = arith.constant 0 : index
    %get3A_15 = arith.constant 0 : index
    %get3A_16 = vector.load %arg2[%get3A_14, %get3A_15] : memref<256x1024xbf16, #tpu.memory_space<vmem>>, vector<256x1024xbf16>
    %dot_general3A = arith.constant dense<0.000000e+00> : vector<1x1024xf32>
    %dot_general3A_17 = tpu.matmul %convert_element_type3A_13, %get3A_16, %dot_general3A {dimension_numbers = #tpu.dot_dimension_numbers<[1], [0], [0], [1], [0, 0, 1, 1], [], []>, transpose_lhs_hint = false} : vector<1x256xbf16>, vector<256x1024xbf16>, vector<1x1024xf32> -> vector<1x1024xf32>
    %get3A_18 = arith.index_cast %scan3A_12 : i32 to index
    %get3A_19 = arith.constant 0 : index
    %get3A_20 = vector.load %arg1[%get3A_18, %get3A_19] : memref<1000x1024xf32, #tpu.memory_space<vmem>>, vector<1x1024xf32>
    %add3A = arith.addf %dot_general3A_17, %get3A_20 : vector<1x1024xf32>
    %slice3A = vector.extract_strided_slice %add3A {offsets = [0, 256], sizes = [1, 256], strides = [1, 1]} : vector<1x1024xf32> to vector<1x256xf32>
    %logistic3A = arith.negf %slice3A : vector<1x256xf32>
    %logistic3A_21 = math.exp %logistic3A : vector<1x256xf32>
    %logistic3A_22 = arith.constant 1.000000e+00 : f32
    %logistic3A_23 = vector.broadcast %logistic3A_22 : f32 to vector<1x256xf32>
    %logistic3A_24 = arith.addf %logistic3A_23, %logistic3A_21 : vector<1x256xf32>
    %logistic3A_25 = arith.divf %logistic3A_23, %logistic3A_24 : vector<1x256xf32>
    %mul3A = arith.mulf %logistic3A_25, %scan3A_10#1 : vector<1x256xf32>
    %slice3A_26 = vector.extract_strided_slice %add3A {offsets = [0, 0], sizes = [1, 256], strides = [1, 1]} : vector<1x1024xf32> to vector<1x256xf32>
    %logistic3A_27 = arith.negf %slice3A_26 : vector<1x256xf32>
    %logistic3A_28 = math.exp %logistic3A_27 : vector<1x256xf32>
    %logistic3A_29 = arith.constant 1.000000e+00 : f32
    %logistic3A_30 = vector.broadcast %logistic3A_29 : f32 to vector<1x256xf32>
    %logistic3A_31 = arith.addf %logistic3A_30, %logistic3A_28 : vector<1x256xf32>
    %logistic3A_32 = arith.divf %logistic3A_30, %logistic3A_31 : vector<1x256xf32>
    %slice3A_33 = vector.extract_strided_slice %add3A {offsets = [0, 512], sizes = [1, 256], strides = [1, 1]} : vector<1x1024xf32> to vector<1x256xf32>
    %tanh3A = math.tanh %slice3A_33 : vector<1x256xf32>
    %mul3A_34 = arith.mulf %logistic3A_32, %tanh3A : vector<1x256xf32>
    %add3A_35 = arith.addf %mul3A, %mul3A_34 : vector<1x256xf32>
    %slice3A_36 = vector.extract_strided_slice %add3A {offsets = [0, 768], sizes = [1, 256], strides = [1, 1]} : vector<1x1024xf32> to vector<1x256xf32>
    %logistic3A_37 = arith.negf %slice3A_36 : vector<1x256xf32>
    %logistic3A_38 = math.exp %logistic3A_37 : vector<1x256xf32>
    %logistic3A_39 = arith.constant 1.000000e+00 : f32
    %logistic3A_40 = vector.broadcast %logistic3A_39 : f32 to vector<1x256xf32>
    %logistic3A_41 = arith.addf %logistic3A_40, %logistic3A_38 : vector<1x256xf32>
    %logistic3A_42 = arith.divf %logistic3A_40, %logistic3A_41 : vector<1x256xf32>
    %tanh3A_43 = math.tanh %add3A_35 : vector<1x256xf32>
    %mul3A_44 = arith.mulf %logistic3A_42, %tanh3A_43 : vector<1x256xf32>
    %swap3A = arith.index_cast %scan3A_12 : i32 to index
    %swap3A_45 = arith.constant 0 : index
    %swap3A_46 = vector.load %arg5[%swap3A, %swap3A_45] : memref<1000x256xf32, #tpu.memory_space<vmem>>, vector<1x256xf32>
    tpu.vector_store %arg5[%swap3A, %swap3A_45], %mul3A_44 {strides = array<i32>} : memref<1000x256xf32, #tpu.memory_space<vmem>>, vector<1x256xf32>,
    %scan3A_47 = arith.constant 993 : i32
    %scan3A_48 = arith.addi %scan3A, %scan3A_47 : i32
    %convert_element_type3A_49 = arith.truncf %mul3A_44 : vector<1x256xf32> to vector<1x256xbf16>
    %get3A_50 = arith.constant 0 : index
    %get3A_51 = arith.constant 0 : index
    %get3A_52 = vector.load %arg2[%get3A_50, %get3A_51] : memref<256x1024xbf16, #tpu.memory_space<vmem>>, vector<256x1024xbf16>
    %dot_general3A_53 = arith.constant dense<0.000000e+00> : vector<1x1024xf32>
    %dot_general3A_54 = tpu.matmul %convert_element_type3A_49, %get3A_52, %dot_general3A_53 {dimension_numbers = #tpu.dot_dimension_numbers<[1], [0], [0], [1], [0, 0, 1, 1], [], []>, transpose_lhs_hint = false} : vector<1x256xbf16>, vector<256x1024xbf16>, vector<1x1024xf32> -> vector<1x1024xf32>
    %get3A_55 = arith.index_cast %scan3A_48 : i32 to index
    %get3A_56 = arith.constant 0 : index
    %get3A_57 = vector.load %arg1[%get3A_55, %get3A_56] : memref<1000x1024xf32, #tpu.memory_space<vmem>>, vector<1x1024xf32>
    %add3A_58 = arith.addf %dot_general3A_54, %get3A_57 : vector<1x1024xf32>
    %slice3A_59 = vector.extract_strided_slice %add3A_58 {offsets = [0, 256], sizes = [1, 256], strides = [1, 1]} : vector<1x1024xf32> to vector<1x256xf32>
    %logistic3A_60 = arith.negf %slice3A_59 : vector<1x256xf32>
    %logistic3A_61 = math.exp %logistic3A_60 : vector<1x256xf32>
    %logistic3A_62 = arith.constant 1.000000e+00 : f32
    %logistic3A_63 = vector.broadcast %logistic3A_62 : f32 to vector<1x256xf32>
    %logistic3A_64 = arith.addf %logistic3A_63, %logistic3A_61 : vector<1x256xf32>
    %logistic3A_65 = arith.divf %logistic3A_63, %logistic3A_64 : vector<1x256xf32>
    %mul3A_66 = arith.mulf %logistic3A_65, %add3A_35 : vector<1x256xf32>
    %slice3A_67 = vector.extract_strided_slice %add3A_58 {offsets = [0, 0], sizes = [1, 256], strides = [1, 1]} : vector<1x1024xf32> to vector<1x256xf32>
    %logistic3A_68 = arith.negf %slice3A_67 : vector<1x256xf32>
    %logistic3A_69 = math.exp %logistic3A_68 : vector<1x256xf32>
    %logistic3A_70 = arith.constant 1.000000e+00 : f32
    %logistic3A_71 = vector.broadcast %logistic3A_70 : f32 to vector<1x256xf32>
    %logistic3A_72 = arith.addf %logistic3A_71, %logistic3A_69 : vector<1x256xf32>
    %logistic3A_73 = arith.divf %logistic3A_71, %logistic3A_72 : vector<1x256xf32>
    %slice3A_74 = vector.extract_strided_slice %add3A_58 {offsets = [0, 512], sizes = [1, 256], strides = [1, 1]} : vector<1x1024xf32> to vector<1x256xf32>
    %tanh3A_75 = math.tanh %slice3A_74 : vector<1x256xf32>
    %mul3A_76 = arith.mulf %logistic3A_73, %tanh3A_75 : vector<1x256xf32>
    %add3A_77 = arith.addf %mul3A_66, %mul3A_76 : vector<1x256xf32>
    %slice3A_78 = vector.extract_strided_slice %add3A_58 {offsets = [0, 768], sizes = [1, 256], strides = [1, 1]} : vector<1x1024xf32> to vector<1x256xf32>
    %logistic3A_79 = arith.negf %slice3A_78 : vector<1x256xf32>
    %logistic3A_80 = math.exp %logistic3A_79 : vector<1x256xf32>
    %logistic3A_81 = arith.constant 1.000000e+00 : f32
    %logistic3A_82 = vector.broadcast %logistic3A_81 : f32 to vector<1x256xf32>
    %logistic3A_83 = arith.addf %logistic3A_82, %logistic3A_80 : vector<1x256xf32>
    %logistic3A_84 = arith.divf %logistic3A_82, %logistic3A_83 : vector<1x256xf32>
    %tanh3A_85 = math.tanh %add3A_77 : vector<1x256xf32>
    %mul3A_86 = arith.mulf %logistic3A_84, %tanh3A_85 : vector<1x256xf32>
    %swap3A_87 = arith.index_cast %scan3A_48 : i32 to index
    %swap3A_88 = arith.constant 0 : index
    %swap3A_89 = vector.load %arg5[%swap3A_87, %swap3A_88] : memref<1000x256xf32, #tpu.memory_space<vmem>>, vector<1x256xf32>
    tpu.vector_store %arg5[%swap3A_87, %swap3A_88], %mul3A_86 {strides = array<i32>} : memref<1000x256xf32, #tpu.memory_space<vmem>>, vector<1x256xf32>,
    %scan3A_90 = arith.constant 994 : i32
    %scan3A_91 = arith.addi %scan3A, %scan3A_90 : i32
    %convert_element_type3A_92 = arith.truncf %mul3A_86 : vector<1x256xf32> to vector<1x256xbf16>
    %get3A_93 = arith.constant 0 : index
    %get3A_94 = arith.constant 0 : index
    %get3A_95 = vector.load %arg2[%get3A_93, %get3A_94] : memref<256x1024xbf16, #tpu.memory_space<vmem>>, vector<256x1024xbf16>
    %dot_general3A_96 = arith.constant dense<0.000000e+00> : vector<1x1024xf32>
    %dot_general3A_97 = tpu.matmul %convert_element_type3A_92, %get3A_95, %dot_general3A_96 {dimension_numbers = #tpu.dot_dimension_numbers<[1], [0], [0], [1], [0, 0, 1, 1], [], []>, transpose_lhs_hint = false} : vector<1x256xbf16>, vector<256x1024xbf16>, vector<1x1024xf32> -> vector<1x1024xf32>
    %get3A_98 = arith.index_cast %scan3A_91 : i32 to index
    %get3A_99 = arith.constant 0 : index
    %get3A_100 = vector.load %arg1[%get3A_98, %get3A_99] : memref<1000x1024xf32, #tpu.memory_space<vmem>>, vector<1x1024xf32>
    %add3A_101 = arith.addf %dot_general3A_97, %get3A_100 : vector<1x1024xf32>
    %slice3A_102 = vector.extract_strided_slice %add3A_101 {offsets = [0, 256], sizes = [1, 256], strides = [1, 1]} : vector<1x1024xf32> to vector<1x256xf32>
    %logistic3A_103 = arith.negf %slice3A_102 : vector<1x256xf32>
    %logistic3A_104 = math.exp %logistic3A_103 : vector<1x256xf32>
    %logistic3A_105 = arith.constant 1.000000e+00 : f32
    %logistic3A_106 = vector.broadcast %logistic3A_105 : f32 to vector<1x256xf32>
    %logistic3A_107 = arith.addf %logistic3A_106, %logistic3A_104 : vector<1x256xf32>
    %logistic3A_108 = arith.divf %logistic3A_106, %logistic3A_107 : vector<1x256xf32>
    %mul3A_109 = arith.mulf %logistic3A_108, %add3A_77 : vector<1x256xf32>
    %slice3A_110 = vector.extract_strided_slice %add3A_101 {offsets = [0, 0], sizes = [1, 256], strides = [1, 1]} : vector<1x1024xf32> to vector<1x256xf32>
    %logistic3A_111 = arith.negf %slice3A_110 : vector<1x256xf32>
    %logistic3A_112 = math.exp %logistic3A_111 : vector<1x256xf32>
    %logistic3A_113 = arith.constant 1.000000e+00 : f32
    %logistic3A_114 = vector.broadcast %logistic3A_113 : f32 to vector<1x256xf32>
    %logistic3A_115 = arith.addf %logistic3A_114, %logistic3A_112 : vector<1x256xf32>
    %logistic3A_116 = arith.divf %logistic3A_114, %logistic3A_115 : vector<1x256xf32>
    %slice3A_117 = vector.extract_strided_slice %add3A_101 {offsets = [0, 512], sizes = [1, 256], strides = [1, 1]} : vector<1x1024xf32> to vector<1x256xf32>
    %tanh3A_118 = math.tanh %slice3A_117 : vector<1x256xf32>
    %mul3A_119 = arith.mulf %logistic3A_116, %tanh3A_118 : vector<1x256xf32>
    %add3A_120 = arith.addf %mul3A_109, %mul3A_119 : vector<1x256xf32>
    %slice3A_121 = vector.extract_strided_slice %add3A_101 {offsets = [0, 768], sizes = [1, 256], strides = [1, 1]} : vector<1x1024xf32> to vector<1x256xf32>
    %logistic3A_122 = arith.negf %slice3A_121 : vector<1x256xf32>
    %logistic3A_123 = math.exp %logistic3A_122 : vector<1x256xf32>
    %logistic3A_124 = arith.constant 1.000000e+00 : f32
    %logistic3A_125 = vector.broadcast %logistic3A_124 : f32 to vector<1x256xf32>
    %logistic3A_126 = arith.addf %logistic3A_125, %logistic3A_123 : vector<1x256xf32>
    %logistic3A_127 = arith.divf %logistic3A_125, %logistic3A_126 : vector<1x256xf32>
    %tanh3A_128 = math.tanh %add3A_120 : vector<1x256xf32>
    %mul3A_129 = arith.mulf %logistic3A_127, %tanh3A_128 : vector<1x256xf32>
    %swap3A_130 = arith.index_cast %scan3A_91 : i32 to index
    %swap3A_131 = arith.constant 0 : index
    %swap3A_132 = vector.load %arg5[%swap3A_130, %swap3A_131] : memref<1000x256xf32, #tpu.memory_space<vmem>>, vector<1x256xf32>
    tpu.vector_store %arg5[%swap3A_130, %swap3A_131], %mul3A_129 {strides = array<i32>} : memref<1000x256xf32, #tpu.memory_space<vmem>>, vector<1x256xf32>,
    %scan3A_133 = arith.constant 995 : i32
    %scan3A_134 = arith.addi %scan3A, %scan3A_133 : i32
    %convert_element_type3A_135 = arith.truncf %mul3A_129 : vector<1x256xf32> to vector<1x256xbf16>
    %get3A_136 = arith.constant 0 : index
    %get3A_137 = arith.constant 0 : index
    %get3A_138 = vector.load %arg2[%get3A_136, %get3A_137] : memref<256x1024xbf16, #tpu.memory_space<vmem>>, vector<256x1024xbf16>
    %dot_general3A_139 = arith.constant dense<0.000000e+00> : vector<1x1024xf32>
    %dot_general3A_140 = tpu.matmul %convert_element_type3A_135, %get3A_138, %dot_general3A_139 {dimension_numbers = #tpu.dot_dimension_numbers<[1], [0], [0], [1], [0, 0, 1, 1], [], []>, transpose_lhs_hint = false} : vector<1x256xbf16>, vector<256x1024xbf16>, vector<1x1024xf32> -> vector<1x1024xf32>
    %get3A_141 = arith.index_cast %scan3A_134 : i32 to index
    %get3A_142 = arith.constant 0 : index
    %get3A_143 = vector.load %arg1[%get3A_141, %get3A_142] : memref<1000x1024xf32, #tpu.memory_space<vmem>>, vector<1x1024xf32>
    %add3A_144 = arith.addf %dot_general3A_140, %get3A_143 : vector<1x1024xf32>
    %slice3A_145 = vector.extract_strided_slice %add3A_144 {offsets = [0, 256], sizes = [1, 256], strides = [1, 1]} : vector<1x1024xf32> to vector<1x256xf32>
    %logistic3A_146 = arith.negf %slice3A_145 : vector<1x256xf32>
    %logistic3A_147 = math.exp %logistic3A_146 : vector<1x256xf32>
    %logistic3A_148 = arith.constant 1.000000e+00 : f32
    %logistic3A_149 = vector.broadcast %logistic3A_148 : f32 to vector<1x256xf32>
    %logistic3A_150 = arith.addf %logistic3A_149, %logistic3A_147 : vector<1x256xf32>
    %logistic3A_151 = arith.divf %logistic3A_149, %logistic3A_150 : vector<1x256xf32>
    %mul3A_152 = arith.mulf %logistic3A_151, %add3A_120 : vector<1x256xf32>
    %slice3A_153 = vector.extract_strided_slice %add3A_144 {offsets = [0, 0], sizes = [1, 256], strides = [1, 1]} : vector<1x1024xf32> to vector<1x256xf32>
    %logistic3A_154 = arith.negf %slice3A_153 : vector<1x256xf32>
    %logistic3A_155 = math.exp %logistic3A_154 : vector<1x256xf32>
    %logistic3A_156 = arith.constant 1.000000e+00 : f32
    %logistic3A_157 = vector.broadcast %logistic3A_156 : f32 to vector<1x256xf32>
    %logistic3A_158 = arith.addf %logistic3A_157, %logistic3A_155 : vector<1x256xf32>
    %logistic3A_159 = arith.divf %logistic3A_157, %logistic3A_158 : vector<1x256xf32>
    %slice3A_160 = vector.extract_strided_slice %add3A_144 {offsets = [0, 512], sizes = [1, 256], strides = [1, 1]} : vector<1x1024xf32> to vector<1x256xf32>
    %tanh3A_161 = math.tanh %slice3A_160 : vector<1x256xf32>
    %mul3A_162 = arith.mulf %logistic3A_159, %tanh3A_161 : vector<1x256xf32>
    %add3A_163 = arith.addf %mul3A_152, %mul3A_162 : vector<1x256xf32>
    %slice3A_164 = vector.extract_strided_slice %add3A_144 {offsets = [0, 768], sizes = [1, 256], strides = [1, 1]} : vector<1x1024xf32> to vector<1x256xf32>
    %logistic3A_165 = arith.negf %slice3A_164 : vector<1x256xf32>
    %logistic3A_166 = math.exp %logistic3A_165 : vector<1x256xf32>
    %logistic3A_167 = arith.constant 1.000000e+00 : f32
    %logistic3A_168 = vector.broadcast %logistic3A_167 : f32 to vector<1x256xf32>
    %logistic3A_169 = arith.addf %logistic3A_168, %logistic3A_166 : vector<1x256xf32>
    %logistic3A_170 = arith.divf %logistic3A_168, %logistic3A_169 : vector<1x256xf32>
    %tanh3A_171 = math.tanh %add3A_163 : vector<1x256xf32>
    %mul3A_172 = arith.mulf %logistic3A_170, %tanh3A_171 : vector<1x256xf32>
    %swap3A_173 = arith.index_cast %scan3A_134 : i32 to index
    %swap3A_174 = arith.constant 0 : index
    %swap3A_175 = vector.load %arg5[%swap3A_173, %swap3A_174] : memref<1000x256xf32, #tpu.memory_space<vmem>>, vector<1x256xf32>
    tpu.vector_store %arg5[%swap3A_173, %swap3A_174], %mul3A_172 {strides = array<i32>} : memref<1000x256xf32, #tpu.memory_space<vmem>>, vector<1x256xf32>,
    %scan3A_176 = arith.constant 996 : i32
    %scan3A_177 = arith.addi %scan3A, %scan3A_176 : i32
    %convert_element_type3A_178 = arith.truncf %mul3A_172 : vector<1x256xf32> to vector<1x256xbf16>
    %get3A_179 = arith.constant 0 : index
    %get3A_180 = arith.constant 0 : index
    %get3A_181 = vector.load %arg2[%get3A_179, %get3A_180] : memref<256x1024xbf16, #tpu.memory_space<vmem>>, vector<256x1024xbf16>
    %dot_general3A_182 = arith.constant dense<0.000000e+00> : vector<1x1024xf32>
    %dot_general3A_183 = tpu.matmul %convert_element_type3A_178, %get3A_181, %dot_general3A_182 {dimension_numbers = #tpu.dot_dimension_numbers<[1], [0], [0], [1], [0, 0, 1, 1], [], []>, transpose_lhs_hint = false} : vector<1x256xbf16>, vector<256x1024xbf16>, vector<1x1024xf32> -> vector<1x1024xf32>
    %get3A_184 = arith.index_cast %scan3A_177 : i32 to index
    %get3A_185 = arith.constant 0 : index
    %get3A_186 = vector.load %arg1[%get3A_184, %get3A_185] : memref<1000x1024xf32, #tpu.memory_space<vmem>>, vector<1x1024xf32>
    %add3A_187 = arith.addf %dot_general3A_183, %get3A_186 : vector<1x1024xf32>
    %slice3A_188 = vector.extract_strided_slice %add3A_187 {offsets = [0, 256], sizes = [1, 256], strides = [1, 1]} : vector<1x1024xf32> to vector<1x256xf32>
    %logistic3A_189 = arith.negf %slice3A_188 : vector<1x256xf32>
    %logistic3A_190 = math.exp %logistic3A_189 : vector<1x256xf32>
    %logistic3A_191 = arith.constant 1.000000e+00 : f32
    %logistic3A_192 = vector.broadcast %logistic3A_191 : f32 to vector<1x256xf32>
    %logistic3A_193 = arith.addf %logistic3A_192, %logistic3A_190 : vector<1x256xf32>
    %logistic3A_194 = arith.divf %logistic3A_192, %logistic3A_193 : vector<1x256xf32>
    %mul3A_195 = arith.mulf %logistic3A_194, %add3A_163 : vector<1x256xf32>
    %slice3A_196 = vector.extract_strided_slice %add3A_187 {offsets = [0, 0], sizes = [1, 256], strides = [1, 1]} : vector<1x1024xf32> to vector<1x256xf32>
    %logistic3A_197 = arith.negf %slice3A_196 : vector<1x256xf32>
    %logistic3A_198 = math.exp %logistic3A_197 : vector<1x256xf32>
    %logistic3A_199 = arith.constant 1.000000e+00 : f32
    %logistic3A_200 = vector.broadcast %logistic3A_199 : f32 to vector<1x256xf32>
    %logistic3A_201 = arith.addf %logistic3A_200, %logistic3A_198 : vector<1x256xf32>
    %logistic3A_202 = arith.divf %logistic3A_200, %logistic3A_201 : vector<1x256xf32>
    %slice3A_203 = vector.extract_strided_slice %add3A_187 {offsets = [0, 512], sizes = [1, 256], strides = [1, 1]} : vector<1x1024xf32> to vector<1x256xf32>
    %tanh3A_204 = math.tanh %slice3A_203 : vector<1x256xf32>
    %mul3A_205 = arith.mulf %logistic3A_202, %tanh3A_204 : vector<1x256xf32>
    %add3A_206 = arith.addf %mul3A_195, %mul3A_205 : vector<1x256xf32>
    %slice3A_207 = vector.extract_strided_slice %add3A_187 {offsets = [0, 768], sizes = [1, 256], strides = [1, 1]} : vector<1x1024xf32> to vector<1x256xf32>
    %logistic3A_208 = arith.negf %slice3A_207 : vector<1x256xf32>
    %logistic3A_209 = math.exp %logistic3A_208 : vector<1x256xf32>
    %logistic3A_210 = arith.constant 1.000000e+00 : f32
    %logistic3A_211 = vector.broadcast %logistic3A_210 : f32 to vector<1x256xf32>
    %logistic3A_212 = arith.addf %logistic3A_211, %logistic3A_209 : vector<1x256xf32>
    %logistic3A_213 = arith.divf %logistic3A_211, %logistic3A_212 : vector<1x256xf32>
    %tanh3A_214 = math.tanh %add3A_206 : vector<1x256xf32>
    %mul3A_215 = arith.mulf %logistic3A_213, %tanh3A_214 : vector<1x256xf32>
    %swap3A_216 = arith.index_cast %scan3A_177 : i32 to index
    %swap3A_217 = arith.constant 0 : index
    %swap3A_218 = vector.load %arg5[%swap3A_216, %swap3A_217] : memref<1000x256xf32, #tpu.memory_space<vmem>>, vector<1x256xf32>
    tpu.vector_store %arg5[%swap3A_216, %swap3A_217], %mul3A_215 {strides = array<i32>} : memref<1000x256xf32, #tpu.memory_space<vmem>>, vector<1x256xf32>,
    %scan3A_219 = arith.constant 997 : i32
    %scan3A_220 = arith.addi %scan3A, %scan3A_219 : i32
    %convert_element_type3A_221 = arith.truncf %mul3A_215 : vector<1x256xf32> to vector<1x256xbf16>
    %get3A_222 = arith.constant 0 : index
    %get3A_223 = arith.constant 0 : index
    %get3A_224 = vector.load %arg2[%get3A_222, %get3A_223] : memref<256x1024xbf16, #tpu.memory_space<vmem>>, vector<256x1024xbf16>
    %dot_general3A_225 = arith.constant dense<0.000000e+00> : vector<1x1024xf32>
    %dot_general3A_226 = tpu.matmul %convert_element_type3A_221, %get3A_224, %dot_general3A_225 {dimension_numbers = #tpu.dot_dimension_numbers<[1], [0], [0], [1], [0, 0, 1, 1], [], []>, transpose_lhs_hint = false} : vector<1x256xbf16>, vector<256x1024xbf16>, vector<1x1024xf32> -> vector<1x1024xf32>
    %get3A_227 = arith.index_cast %scan3A_220 : i32 to index
    %get3A_228 = arith.constant 0 : index
    %get3A_229 = vector.load %arg1[%get3A_227, %get3A_228] : memref<1000x1024xf32, #tpu.memory_space<vmem>>, vector<1x1024xf32>
    %add3A_230 = arith.addf %dot_general3A_226, %get3A_229 : vector<1x1024xf32>
    %slice3A_231 = vector.extract_strided_slice %add3A_230 {offsets = [0, 256], sizes = [1, 256], strides = [1, 1]} : vector<1x1024xf32> to vector<1x256xf32>
    %logistic3A_232 = arith.negf %slice3A_231 : vector<1x256xf32>
    %logistic3A_233 = math.exp %logistic3A_232 : vector<1x256xf32>
    %logistic3A_234 = arith.constant 1.000000e+00 : f32
    %logistic3A_235 = vector.broadcast %logistic3A_234 : f32 to vector<1x256xf32>
    %logistic3A_236 = arith.addf %logistic3A_235, %logistic3A_233 : vector<1x256xf32>
    %logistic3A_237 = arith.divf %logistic3A_235, %logistic3A_236 : vector<1x256xf32>
    %mul3A_238 = arith.mulf %logistic3A_237, %add3A_206 : vector<1x256xf32>
    %slice3A_239 = vector.extract_strided_slice %add3A_230 {offsets = [0, 0], sizes = [1, 256], strides = [1, 1]} : vector<1x1024xf32> to vector<1x256xf32>
    %logistic3A_240 = arith.negf %slice3A_239 : vector<1x256xf32>
    %logistic3A_241 = math.exp %logistic3A_240 : vector<1x256xf32>
    %logistic3A_242 = arith.constant 1.000000e+00 : f32
    %logistic3A_243 = vector.broadcast %logistic3A_242 : f32 to vector<1x256xf32>
    %logistic3A_244 = arith.addf %logistic3A_243, %logistic3A_241 : vector<1x256xf32>
    %logistic3A_245 = arith.divf %logistic3A_243, %logistic3A_244 : vector<1x256xf32>
    %slice3A_246 = vector.extract_strided_slice %add3A_230 {offsets = [0, 512], sizes = [1, 256], strides = [1, 1]} : vector<1x1024xf32> to vector<1x256xf32>
    %tanh3A_247 = math.tanh %slice3A_246 : vector<1x256xf32>
    %mul3A_248 = arith.mulf %logistic3A_245, %tanh3A_247 : vector<1x256xf32>
    %add3A_249 = arith.addf %mul3A_238, %mul3A_248 : vector<1x256xf32>
    %slice3A_250 = vector.extract_strided_slice %add3A_230 {offsets = [0, 768], sizes = [1, 256], strides = [1, 1]} : vector<1x1024xf32> to vector<1x256xf32>
    %logistic3A_251 = arith.negf %slice3A_250 : vector<1x256xf32>
    %logistic3A_252 = math.exp %logistic3A_251 : vector<1x256xf32>
    %logistic3A_253 = arith.constant 1.000000e+00 : f32
    %logistic3A_254 = vector.broadcast %logistic3A_253 : f32 to vector<1x256xf32>
    %logistic3A_255 = arith.addf %logistic3A_254, %logistic3A_252 : vector<1x256xf32>
    %logistic3A_256 = arith.divf %logistic3A_254, %logistic3A_255 : vector<1x256xf32>
    %tanh3A_257 = math.tanh %add3A_249 : vector<1x256xf32>
    %mul3A_258 = arith.mulf %logistic3A_256, %tanh3A_257 : vector<1x256xf32>
    %swap3A_259 = arith.index_cast %scan3A_220 : i32 to index
    %swap3A_260 = arith.constant 0 : index
    %swap3A_261 = vector.load %arg5[%swap3A_259, %swap3A_260] : memref<1000x256xf32, #tpu.memory_space<vmem>>, vector<1x256xf32>
    tpu.vector_store %arg5[%swap3A_259, %swap3A_260], %mul3A_258 {strides = array<i32>} : memref<1000x256xf32, #tpu.memory_space<vmem>>, vector<1x256xf32>,
    %scan3A_262 = arith.constant 998 : i32
    %scan3A_263 = arith.addi %scan3A, %scan3A_262 : i32
    %convert_element_type3A_264 = arith.truncf %mul3A_258 : vector<1x256xf32> to vector<1x256xbf16>
    %get3A_265 = arith.constant 0 : index
    %get3A_266 = arith.constant 0 : index
    %get3A_267 = vector.load %arg2[%get3A_265, %get3A_266] : memref<256x1024xbf16, #tpu.memory_space<vmem>>, vector<256x1024xbf16>
    %dot_general3A_268 = arith.constant dense<0.000000e+00> : vector<1x1024xf32>
    %dot_general3A_269 = tpu.matmul %convert_element_type3A_264, %get3A_267, %dot_general3A_268 {dimension_numbers = #tpu.dot_dimension_numbers<[1], [0], [0], [1], [0, 0, 1, 1], [], []>, transpose_lhs_hint = false} : vector<1x256xbf16>, vector<256x1024xbf16>, vector<1x1024xf32> -> vector<1x1024xf32>
    %get3A_270 = arith.index_cast %scan3A_263 : i32 to index
    %get3A_271 = arith.constant 0 : index
    %get3A_272 = vector.load %arg1[%get3A_270, %get3A_271] : memref<1000x1024xf32, #tpu.memory_space<vmem>>, vector<1x1024xf32>
    %add3A_273 = arith.addf %dot_general3A_269, %get3A_272 : vector<1x1024xf32>
    %slice3A_274 = vector.extract_strided_slice %add3A_273 {offsets = [0, 256], sizes = [1, 256], strides = [1, 1]} : vector<1x1024xf32> to vector<1x256xf32>
    %logistic3A_275 = arith.negf %slice3A_274 : vector<1x256xf32>
    %logistic3A_276 = math.exp %logistic3A_275 : vector<1x256xf32>
    %logistic3A_277 = arith.constant 1.000000e+00 : f32
    %logistic3A_278 = vector.broadcast %logistic3A_277 : f32 to vector<1x256xf32>
    %logistic3A_279 = arith.addf %logistic3A_278, %logistic3A_276 : vector<1x256xf32>
    %logistic3A_280 = arith.divf %logistic3A_278, %logistic3A_279 : vector<1x256xf32>
    %mul3A_281 = arith.mulf %logistic3A_280, %add3A_249 : vector<1x256xf32>
    %slice3A_282 = vector.extract_strided_slice %add3A_273 {offsets = [0, 0], sizes = [1, 256], strides = [1, 1]} : vector<1x1024xf32> to vector<1x256xf32>
    %logistic3A_283 = arith.negf %slice3A_282 : vector<1x256xf32>
    %logistic3A_284 = math.exp %logistic3A_283 : vector<1x256xf32>
    %logistic3A_285 = arith.constant 1.000000e+00 : f32
    %logistic3A_286 = vector.broadcast %logistic3A_285 : f32 to vector<1x256xf32>
    %logistic3A_287 = arith.addf %logistic3A_286, %logistic3A_284 : vector<1x256xf32>
    %logistic3A_288 = arith.divf %logistic3A_286, %logistic3A_287 : vector<1x256xf32>
    %slice3A_289 = vector.extract_strided_slice %add3A_273 {offsets = [0, 512], sizes = [1, 256], strides = [1, 1]} : vector<1x1024xf32> to vector<1x256xf32>
    %tanh3A_290 = math.tanh %slice3A_289 : vector<1x256xf32>
    %mul3A_291 = arith.mulf %logistic3A_288, %tanh3A_290 : vector<1x256xf32>
    %add3A_292 = arith.addf %mul3A_281, %mul3A_291 : vector<1x256xf32>
    %slice3A_293 = vector.extract_strided_slice %add3A_273 {offsets = [0, 768], sizes = [1, 256], strides = [1, 1]} : vector<1x1024xf32> to vector<1x256xf32>
    %logistic3A_294 = arith.negf %slice3A_293 : vector<1x256xf32>
    %logistic3A_295 = math.exp %logistic3A_294 : vector<1x256xf32>
    %logistic3A_296 = arith.constant 1.000000e+00 : f32
    %logistic3A_297 = vector.broadcast %logistic3A_296 : f32 to vector<1x256xf32>
    %logistic3A_298 = arith.addf %logistic3A_297, %logistic3A_295 : vector<1x256xf32>
    %logistic3A_299 = arith.divf %logistic3A_297, %logistic3A_298 : vector<1x256xf32>
    %tanh3A_300 = math.tanh %add3A_292 : vector<1x256xf32>
    %mul3A_301 = arith.mulf %logistic3A_299, %tanh3A_300 : vector<1x256xf32>
    %swap3A_302 = arith.index_cast %scan3A_263 : i32 to index
    %swap3A_303 = arith.constant 0 : index
    %swap3A_304 = vector.load %arg5[%swap3A_302, %swap3A_303] : memref<1000x256xf32, #tpu.memory_space<vmem>>, vector<1x256xf32>
    tpu.vector_store %arg5[%swap3A_302, %swap3A_303], %mul3A_301 {strides = array<i32>} : memref<1000x256xf32, #tpu.memory_space<vmem>>, vector<1x256xf32>,
    %scan3A_305 = arith.constant 999 : i32
    %scan3A_306 = arith.addi %scan3A, %scan3A_305 : i32
    %convert_element_type3A_307 = arith.truncf %mul3A_301 : vector<1x256xf32> to vector<1x256xbf16>
    %get3A_308 = arith.constant 0 : index
    %get3A_309 = arith.constant 0 : index
    %get3A_310 = vector.load %arg2[%get3A_308, %get3A_309] : memref<256x1024xbf16, #tpu.memory_space<vmem>>, vector<256x1024xbf16>
    %dot_general3A_311 = arith.constant dense<0.000000e+00> : vector<1x1024xf32>
    %dot_general3A_312 = tpu.matmul %convert_element_type3A_307, %get3A_310, %dot_general3A_311 {dimension_numbers = #tpu.dot_dimension_numbers<[1], [0], [0], [1], [0, 0, 1, 1], [], []>, transpose_lhs_hint = false} : vector<1x256xbf16>, vector<256x1024xbf16>, vector<1x1024xf32> -> vector<1x1024xf32>
    %get3A_313 = arith.index_cast %scan3A_306 : i32 to index
    %get3A_314 = arith.constant 0 : index
    %get3A_315 = vector.load %arg1[%get3A_313, %get3A_314] : memref<1000x1024xf32, #tpu.memory_space<vmem>>, vector<1x1024xf32>
    %add3A_316 = arith.addf %dot_general3A_312, %get3A_315 : vector<1x1024xf32>
    %slice3A_317 = vector.extract_strided_slice %add3A_316 {offsets = [0, 256], sizes = [1, 256], strides = [1, 1]} : vector<1x1024xf32> to vector<1x256xf32>
    %logistic3A_318 = arith.negf %slice3A_317 : vector<1x256xf32>
    %logistic3A_319 = math.exp %logistic3A_318 : vector<1x256xf32>
    %logistic3A_320 = arith.constant 1.000000e+00 : f32
    %logistic3A_321 = vector.broadcast %logistic3A_320 : f32 to vector<1x256xf32>
    %logistic3A_322 = arith.addf %logistic3A_321, %logistic3A_319 : vector<1x256xf32>
    %logistic3A_323 = arith.divf %logistic3A_321, %logistic3A_322 : vector<1x256xf32>
    %mul3A_324 = arith.mulf %logistic3A_323, %add3A_292 : vector<1x256xf32>
    %slice3A_325 = vector.extract_strided_slice %add3A_316 {offsets = [0, 0], sizes = [1, 256], strides = [1, 1]} : vector<1x1024xf32> to vector<1x256xf32>
    %logistic3A_326 = arith.negf %slice3A_325 : vector<1x256xf32>
    %logistic3A_327 = math.exp %logistic3A_326 : vector<1x256xf32>
    %logistic3A_328 = arith.constant 1.000000e+00 : f32
    %logistic3A_329 = vector.broadcast %logistic3A_328 : f32 to vector<1x256xf32>
    %logistic3A_330 = arith.addf %logistic3A_329, %logistic3A_327 : vector<1x256xf32>
    %logistic3A_331 = arith.divf %logistic3A_329, %logistic3A_330 : vector<1x256xf32>
    %slice3A_332 = vector.extract_strided_slice %add3A_316 {offsets = [0, 512], sizes = [1, 256], strides = [1, 1]} : vector<1x1024xf32> to vector<1x256xf32>
    %tanh3A_333 = math.tanh %slice3A_332 : vector<1x256xf32>
    %mul3A_334 = arith.mulf %logistic3A_331, %tanh3A_333 : vector<1x256xf32>
    %add3A_335 = arith.addf %mul3A_324, %mul3A_334 : vector<1x256xf32>
    %slice3A_336 = vector.extract_strided_slice %add3A_316 {offsets = [0, 768], sizes = [1, 256], strides = [1, 1]} : vector<1x1024xf32> to vector<1x256xf32>
    %logistic3A_337 = arith.negf %slice3A_336 : vector<1x256xf32>
    %logistic3A_338 = math.exp %logistic3A_337 : vector<1x256xf32>
    %logistic3A_339 = arith.constant 1.000000e+00 : f32
    %logistic3A_340 = vector.broadcast %logistic3A_339 : f32 to vector<1x256xf32>
    %logistic3A_341 = arith.addf %logistic3A_340, %logistic3A_338 : vector<1x256xf32>
    %logistic3A_342 = arith.divf %logistic3A_340, %logistic3A_341 : vector<1x256xf32>
    %tanh3A_343 = math.tanh %add3A_335 : vector<1x256xf32>
    %mul3A_344 = arith.mulf %logistic3A_342, %tanh3A_343 : vector<1x256xf32>
    %swap3A_345 = arith.index_cast %scan3A_306 : i32 to index
    %swap3A_346 = arith.constant 0 : index
    %swap3A_347 = vector.load %arg5[%swap3A_345, %swap3A_346] : memref<1000x256xf32, #tpu.memory_space<vmem>>, vector<1x256xf32>
    tpu.vector_store %arg5[%swap3A_345, %swap3A_346], %mul3A_344 {strides = array<i32>} : memref<1000x256xf32, #tpu.memory_space<vmem>>, vector<1x256xf32>,
    %scan3A_348 = arith.constant 1000 : i32
    %swap3A_349 = arith.constant 0 : index
    %swap3A_350 = arith.constant 0 : index
    %swap3A_351 = vector.load %arg7[%swap3A_349, %swap3A_350] : memref<1x256xf32, #tpu.memory_space<vmem>>, vector<1x256xf32>
    tpu.vector_store %arg7[%swap3A_349, %swap3A_350], %mul3A_344 {strides = array<i32>} : memref<1x256xf32, #tpu.memory_space<vmem>>, vector<1x256xf32>,
    %swap3A_352 = arith.constant 0 : index
    %swap3A_353 = arith.constant 0 : index
    %swap3A_354 = vector.load %arg8[%swap3A_352, %swap3A_353] : memref<1x256xf32, #tpu.memory_space<vmem>>, vector<1x256xf32>
    tpu.vector_store %arg8[%swap3A_352, %swap3A_353], %add3A_335 {strides = array<i32>} : memref<1x256xf32, #tpu.memory_space<vmem>>, vector<1x256xf32>,
    %swap3A_355 = arith.constant 0 : index
    %swap3A_356 = arith.constant 0 : index
    %swap3A_357 = vector.load %arg6[%swap3A_355, %swap3A_356] : memref<1x256xf32, #tpu.memory_space<vmem>>, vector<1x256xf32>
    tpu.vector_store %arg6[%swap3A_355, %swap3A_356], %add3A_335 {strides = array<i32>} : memref<1x256xf32, #tpu.memory_space<vmem>>, vector<1x256xf32>,
    return
  }
  func.func @transform_0(%arg0: i32) -> (i32, i32) {
    %c0_i32 = arith.constant 0 : i32
    %c0_i32_0 = arith.constant 0 : i32
    return %arg0, %c0_i32 : i32, i32
  }
  func.func @transform_1(%arg0: i32) -> (i32, i32) {
    %c0_i32 = arith.constant 0 : i32
    %c0_i32_0 = arith.constant 0 : i32
    %c0_i32_1 = arith.constant 0 : i32
    return %c0_i32, %c0_i32_0 : i32, i32
  }
  func.func @transform_2(%arg0: i32) -> (i32, i32) {
    %c0_i32 = arith.constant 0 : i32
    %c0_i32_0 = arith.constant 0 : i32
    %c0_i32_1 = arith.constant 0 : i32
    return %c0_i32, %c0_i32_0 : i32, i32
  }
  func.func @transform_3(%arg0: i32) -> (i32, i32) {
    %c0_i32 = arith.constant 0 : i32
    %c0_i32_0 = arith.constant 0 : i32
    %c0_i32_1 = arith.constant 0 : i32
    return %c0_i32, %c0_i32_0 : i32, i32
  }
  func.func @transform_4(%arg0: i32) -> (i32, i32) {
    %c0_i32 = arith.constant 0 : i32
    %c0_i32_0 = arith.constant 0 : i32
    return %arg0, %c0_i32 : i32, i32
  }
  func.func @transform_5(%arg0: i32) -> (i32, i32) {
    %c0_i32 = arith.constant 0 : i32
    %c0_i32_0 = arith.constant 0 : i32
    %c0_i32_1 = arith.constant 0 : i32
    return %c0_i32, %c0_i32_0 : i32, i32
  }
}

</mosaic_0001>

<sc_bundles>
// kernel: kernel.10.cloned.1.call-start
scs
__scs_entry_jumppad:
0x0: {  	(pc) =	sbr.rel $0x88, $3  }
0x1: {  	(tag) =	ssettag $0x0;
	lr =	simm.s32 $0x1  }
0x2: {  	[smem:$0x3F97] =	sst lr;
	_ =	strace $0xD0000000  }
0x3: {  	_ = 	snop  }
0x4: {  	_ = 	snop  }
0x5: {  	_ = 	snop  }
0x6: {  	_ = 	snop  }
0x7: {  	_ = 	snop  }
__scs_overlays_trampoline_lowered:
0x8: {  	[smem:$0x3FA6] =	sst s0  }
0x9: {  	[smem:$0x3FA7] =	sst s1  }
0xa: {  	[smem:$0x3FA8] =	sst s2  }
0xb: {  	[smem:$0x3FA9] =	sst s3  }
0xc: {  	[smem:$0x3FAA] =	sst s4  }
0xd: {  	[smem:$0x3FAB] =	sst s5  }
0xe: {  	[smem:$0x3FAC] =	sst s6  }
0xf: {  	[smem:$0x3FAD] =	sst s7  }
0x10: {  	[smem:$0x3FAE] =	sst s8  }
0x11: {  	[smem:$0x3FAF] =	sst s9;
	s0 =	simm.s32 @!p0 $0x0  }
0x12: {  	s1 =	sld [smem:$0x3F95];
	s0 =	simm.s32 @p0 $0x1  }
0x13: {  	[smem:$0x3FB0] =	sst s0;
	s0 =	simm.s32 @!p1 $0x0  }
0x14: {  	s2 =	sld [smem:$0x3F94];
	s0 =	simm.s32 @p1 $0x1  }
0x15: {  	[smem:$0x3FB1] =	sst s0;
	s0 =	simm.s32 @!p2 $0x0  }
0x16: {  	s3 =	sld [smem:$0x3FDB];
	s0 =	simm.s32 @p2 $0x1  }
0x17: {  	s4 =	simm.s32 $0x1BF5;
	[smem:$0x3FB3] =	sst s0  }
0x18: {  	s0 =	sld [smem:$0x3F96];
	_ =	swait.ge [sflag:s4], $0x0  }
0x19: {  	s7 =	sld [smem:$0x3F97]  }
0x1a: {  	s8 =	sadd.s32 $0xFFFFE003, lr  }
0x1b: {  	s9 =	sadd.s32 $0xFFFFFEF7, lr;
	s5 =	simm.s32 $0xFFFFFFFF;
	p2 =	slt.u32 s8, $0xFFFFF086  }
0x1c: {  	p1 =	slt.u32 s9, $0xF7A;
	s5 =	simm.s32 @!p2 $0x0  }
0x1d: {  	s5 =	simm.s32 @p1 $0x1;
	p0 =	seq.s32 s7, s2  }
0x1e: {  	s7 =	smul.u32 @!p0 $0xF7A, s2;
	p2 =	seq.s32 @!p0 s5, $0x0  }
0x1f: {  	s9 =	smul.u32 $0xF7A, s1;
	s8 =	simm.s32 @!p0 $0x1BF5;
	p2 =	por !p2, p0  }
0x20: {  	[sflag:s8] =	ssyncset.s32 @!p0 $0xFFFFF086;
	s6 =	sadd.s32 @!p0 s3, s7;
	s7 =	simm.s32 @!p0 $0x108  }
0x21: {  	s3 =	sadd.s32 s3, s9;
	s6 =	sadd.s32 @!p0 $0x88, s6;
	s7 =	simm.s32 @p2 $0x1082  }
0x22: {  	[simem:s7], [sflag:s8] =	dma.local @!p0 [hbm:s6], $0xF7A  }
0x23: {  	s9 =	sor.u32 $0xD0000000, s2;
	s6 =	simm.s32 $0x108;
	_ =	swait.ge @!p0 [sflag:s8], $0x0  }
0x24: {  	s3 =	sadd.s32 $0x88, s3;
	s6 =	simm.s32 @!p1 $0x1082;
	[sflag:s4] =	ssyncset.s32 $0xFFFFF086  }
0x25: {  	[simem:s6], [sflag:s4] =	dma.local [hbm:s3], $0xF7A  }
0x26: {  	[smem:$0x3F97] =	sst s1;
	(tag) =	ssettag s2;
	_ =	strace s9  }
0x27: {  	s1 =	sld [smem:$0x3FA7]  }
0x28: {  	s2 =	sld [smem:$0x3FA8]  }
0x29: {  	s4 =	sld [smem:$0x3FAA]  }
0x2a: {  	p0 =	seq.s32 s5, $0x0;
	s5 =	sld [smem:$0x3FAB]  }
0x2b: {  	s6 =	sld [smem:$0x3FAC]  }
0x2c: {  	s7 =	sld [smem:$0x3FAD]  }
0x2d: {  	s3 =	simm.s32 $0x108;
	s8 =	sld [smem:$0x3FAE]  }
0x2e: {  	s3 =	simm.s32 @!p0 $0x1082;
	s9 =	sld [smem:$0x3FAF]  }
0x2f: {  	lr =	sadd.s32 s0, s3;
	s0 =	sld [smem:$0x3FA6]  }
0x30: {  	s3 =	sld [smem:$0x3FA9]  }
0x31: {  	[smem:$0x3FB2] =	sst s10  }
0x32: {  	s10 =	sld [smem:$0x3FB0];
	_ =	sdelay $0x3  }
0x33: {  	p0 =	seq.s32 s10, $0x1;
	s10 =	sld [smem:$0x3FB2];
	_ =	sdelay $0x3  }
0x34: {  	[smem:$0x3FB2] =	sst s10  }
0x35: {  	s10 =	sld [smem:$0x3FB1];
	_ =	sdelay $0x3  }
0x36: {  	p1 =	seq.s32 s10, $0x1;
	s10 =	sld [smem:$0x3FB2];
	_ =	sdelay $0x3  }
0x37: {  	[smem:$0x3FB2] =	sst s10  }
0x38: {  	s10 =	sld [smem:$0x3FB3]  }
0x39: {  	_ = 	snop;
	(pc) =	sbr.ind lr, $3  }
0x3a: {  	_ = 	snop  }
0x3b: {  	_ = 	snop  }
0x3c: {  	p2 =	seq.s32 s10, $0x1;
	s10 =	sld [smem:$0x3FB2]  }
0x3d: {  	_ =	shalt  }
0x3e: {  	_ =	shalt  }
0x3f: {  	_ =	shalt  }
0x40: {  	_ =	shalt  }
0x41: {  	_ =	shalt  }
0x42: {  	_ =	shalt  }
0x43: {  	_ =	shalt  }
0x44: {  	_ =	shalt  }
0x45: {  	_ =	shalt  }
0x46: {  	_ =	shalt  }
0x47: {  	_ =	shalt  }
0x48: {  	_ =	shalt  }
0x49: {  	_ =	shalt  }
0x4a: {  	_ =	shalt  }
0x4b: {  	_ =	shalt  }
0x4c: {  	_ =	shalt  }
0x4d: {  	_ =	shalt  }
0x4e: {  	_ =	shalt  }
0x4f: {  	_ =	shalt  }
0x50: {  	_ =	shalt  }
0x51: {  	_ =	shalt  }
0x52: {  	_ =	shalt  }
0x53: {  	_ =	shalt  }
0x54: {  	_ =	shalt  }
0x55: {  	_ =	shalt  }
0x56: {  	_ =	shalt  }
0x57: {  	_ =	shalt  }
0x58: {  	_ =	shalt  }
0x59: {  	_ =	shalt  }
0x5a: {  	_ =	shalt  }
0x5b: {  	_ =	shalt  }
0x5c: {  	_ =	shalt  }
0x5d: {  	_ =	shalt  }
0x5e: {  	_ =	shalt  }
0x5f: {  	_ =	shalt  }
0x60: {  	_ =	shalt  }
0x61: {  	_ =	shalt  }
0x62: {  	_ =	shalt  }
0x63: {  	_ =	shalt  }
0x64: {  	_ =	shalt  }
0x65: {  	_ =	shalt  }
0x66: {  	_ =	shalt  }
0x67: {  	_ =	shalt  }
0x68: {  	_ =	shalt  }
0x69: {  	_ =	shalt  }
0x6a: {  	_ =	shalt  }
0x6b: {  	_ =	shalt  }
0x6c: {  	_ =	shalt  }
0x6d: {  	_ =	shalt  }
0x6e: {  	_ =	shalt  }
0x6f: {  	_ =	shalt  }
0x70: {  	_ =	shalt  }
0x71: {  	_ =	shalt  }
0x72: {  	_ =	shalt  }
0x73: {  	_ =	shalt  }
0x74: {  	_ =	shalt  }
0x75: {  	_ =	shalt  }
0x76: {  	_ =	shalt  }
0x77: {  	_ =	shalt  }
0x78: {  	_ =	shalt  }
0x79: {  	_ =	shalt  }
0x7a: {  	_ =	shalt  }
0x7b: {  	_ =	shalt  }
0x7c: {  	_ =	shalt  }
0x7d: {  	_ =	shalt  }
0x7e: {  	_ =	shalt  }
0x7f: {  	_ =	shalt  }
0x80: {  	_ =	shalt  }
0x81: {  	_ =	shalt  }
0x82: {  	_ =	shalt  }
0x83: {  	_ =	shalt  }
0x84: {  	_ =	shalt  }
0x85: {  	_ =	shalt  }
0x86: {  	_ =	shalt  }
0x87: {  	_ =	shalt  }
.Lfunc_end0:
.L_simem_size_0:
called_computation.1_lowered:
.L_overlay_start_0:
0x88: {  	s2 =	sld [smem:$0x3FD9]  }
0x89: {  	s3 =	sld [smem:$0x3FFE];
	_ =	sdelay $0x1  }
0x8a: {  	s1 =	srdreg.scid  }
0x8b: {  	s0 =	sand.u32 $0x1, s1  }
0x8c: {  	s16 =	sshll.u32 s0, $0xA;
	s2 =	sadd.s32 s3, s2  }
0x8d: {  	s2 =	sadd.s32 s2, s16  }
0x8e: {  	[smem:$0x3FBE] =	sst s2  }
0x8f: {  	_ = 	snop  }
0x90: {  	(tm) =	ssettm $0x1  }
0x91: {  	s17 =	sld [smem:$0x3FFB];
	_ =	sdelay $0x3  }
0x92: {  	_ =	strace s17  }
0x93: {  	s2 =	sld [smem:$0x3FFC];
	_ =	sdelay $0x3  }
0x94: {  	_ =	strace s2  }
0x95: {  	s2 =	sld [smem:$0x3FFD];
	_ =	sdelay $0x3  }
0x96: {  	_ =	strace s2  }
0x97: {  	_ =	strace $0x8FFFFFFF  }
0x98: {  	s18 =	sld [smem:$0x3FDB];
	_ =	sdelay $0x1  }
0x99: {  	s19 =	simm.s32 $_scs_section_size  }
0x9a: {  	s4 =	simm.s32 $_size__tile_overlayer_lowered;
	s5 =	simm.s32 $_tile_overlayer_lowered  }
0x9b: {  	s22 =	simm.s32 $0x1BFF;
	s21 =	sshll.u32 s5, $0x1;
	s2 =	sadd.s32 s19, s18  }
0x9c: {  	s6 =	simm.s32 $0x0;
	s20 =	sshll.u32 s4, $0x1;
	s4 =	sadd.s32 s21, s2  }
0x9d: {  	[timem:s6], [sflag:s22] =	dma.local [hbm:s4], s20  }
0x9e: {  	_ =	swait.ge [sflag:s22], s20  }
0x9f: {  	s3 =	ssub.s32 $0x0, s20;
	[sflag:s22] =	ssyncset.done $0x0  }
0xa0: {  	[sflag:s22] =	ssyncadd.s32 s3;
	_ =	sdelay $0x1  }
0xa1: {  	s23 =	simm.s32 $0x1B8B  }
0xa2: {  	_ =	swait.ge [sflag:s23], $0x1  }
0xa3: {  	[sflag:s23] =	ssyncset.done $0x0  }
0xa4: {  	s25 =	simm.s32 $0x1B8E;
	s24 =	sld [smem:$0x3FFE];
	[sflag:s23] =	ssyncadd.s32 $0xFFFFFFFF  }
0xa5: {  	s26 =	simm.s32 $execute0_lowered;
	[smem:$0x3FD2] =	sst s25  }
0xa6: {  	s4 =	sshll.u32 s26, $0x1;
	_ =	strace $0x80000049;
	[dreg:$0x1] =	wrdreg $0xFFFFFFFF  }
0xa7: {  	s28 =	simm.s32 $_size_execute0_lowered;
	s2 =	sadd.s32 s2, s4;
	[dreg:$0x0] =	wrdreg $0x0  }
0xa8: {  	s4 =	sshll.u32 s28, $0x1;
	[dreg:$0x2] =	wrdreg s2  }
0xa9: {  	[dreg:$0x3] =	wrdreg s4  }
0xaa: {  	[dreg:$0x4] =	wrdreg $0xC0  }
0xab: {  	_ =	task [dreg:s6], $0x5FFFF  }
0xac: {  	[dreg:$0x1] =	wrdreg $0xFFFFFFFF  }
0xad: {  	[dreg:$0x0] =	wrdreg $0x60  }
0xae: {  	[dreg:$0x2] =	wrdreg s24  }
0xaf: {  	[dreg:$0x3] =	wrdreg $0xA1E00  }
0xb0: {  	[dreg:$0x4] =	wrdreg $0x9  }
0xb1: {  	_ =	task.clear_ibuf [dreg:s6], $0x5FFFF;
	_ =	strace $0x90000049  }
0xb2: {  	s29 =	simm.s32 $0x9;
	_ =	strace $0x8000004B  }
0xb3: {  	_ =	swait.ge [sflag:s29], $0x1  }
0xb4: {  	[sflag:s29] =	ssyncadd.s32 $0xFFFFFFFF  }
0xb5: {  	_ =	strace $0x9000004B  }
0xb6: {  	_ =	sfence  }
0xb7: {  	s30 =	sld [smem:$0x0];
	_ =	sdelay $0x2  }
0xb8: {  	s31 =	sshll.u32 s1, $0xD;
	s1 =	sshrl.u32 s1, $0x2  }
0xb9: {  	s3 =	sand.u32 $0x4000, s31;
	s1 =	sadd.s32 s1, s30  }
0xba: {  	s0 =	sor.u32 s3, s0;
	s1 =	sshll.u32 s1, $0x11  }
0xbb: {  	s0 =	sor.u32 s1, s0  }
0xbc: {  	s0 =	sadd.s32 $0x8F2B, s0  }
0xbd: {  	[sflag:s0] =	ssyncadd.remote.s32 $0x1  }
0xbe: {  	_ =	sfence.sel $0xFFFF  }
0xbf: {  	[dreg:$0x0] =	wrdreg $0xFFFFFFFF;
	(pc) =	sbr.abs _section_cstart, $3  }
0xc0: {  	[dreg:$0x1] =	wrdreg $0xFFFFFFFF  }
0xc1: {  	_ =	task.clear_ibuf [dreg:s6], $0x2FFFF;
	_ =	strace $0x9FFFFFFF  }
0xc2: {  	(tm) =	ssettm $0x7FFFFFFF  }
0xc3: {  	_ =	shalt  }
tec
execute0_lowered:
.L_overlay_start_1:
0x0: {  	(tag) =	ssettag $0x1  }
0x1: {  	s0 =	rddreg [dreg:$0x0]  }
0x2: {  	s2 =	rddreg [dreg:$0x1];
	s3 =	simm.s32 $0x0  }
0x3: {  	s10 =	stileid.u32;
	s1 =	srdreg.scid;
	s20 =	simm.s32 $0x50  }
0x4: {  	s28 =	simm.s32 $0x2;
	s29 =	simm.s32 $0xA0;
	s30 =	simm.s32 $0x5  }
0x5: {  	[smem:$0x7FF] =	sst s3;
	s5 =	smul.u32 $0x50000, s10;
	s4 =	sadd.s32 $0xBC00, s0  }
0x6: {  	s6 =	sadd.s32 $0x1E00, s0;
	s1 =	sand.u32 $0x1, s1;
	s11 =	smul.u32 $0x2710, s10  }
0x7: {  	s0 =	sadd.s32 $0x59E00, s0;
	s9 =	sadd.s32 $0x12C000, s2;
	s16 =	smul.u32 $0x140, s10  }
0x8: {  	s25 =	sadd.s32 $0x131000, s2;
	s26 =	sadd.s32 $0x136000, s2;
	s19 =	smul.u32 $0x4E2, s10  }
0x9: {  	p0 =	seq.s32 s10, $0xF;
	_ =	strace $0x8000004A;
	[dreg:$0x6] =	wrdreg s25  }
0xa: {  	s7 =	ssub.s32 $0x2, s1;
	s24 =	smul.u32 $0x1388, s1;
	[dreg:$0x7] =	wrdreg s26  }
0xb: {  	s1 =	smul.u32 $0x138800, s1;
	s25 =	simm.s32 $0x3;
	s26 =	simm.s32 $0x51E0  }
0xc: {  	s5 =	sshrl.u32 s5, $0x2;
	s8 =	sshrl.u32 s7, $0x1;
	s12 =	sshrl.u32 s11, $0x3  }
0xd: {  	s19 =	sadd.s32 s19, s6;
	s5 =	sadd.s32 s5, s2;
	s18 =	ssub.s32 s7, s8  }
0xe: {  	s12 =	sadd.s32 s6, s12;
	s31 =	sadd.s32 $0x1388, s24;
	s16 =	sadd.s32 s16, s24  }
0xf: {  	s1 =	sshrl.u32 s1, $0x3;
	v0 =	vmov s24;
	s24 =	simm.s32 $0x0;
	s21 =	sadd.s32 $0x5000, s5  }
0x10: {  	s22 =	sadd.s32 $0xA000, s5;
	s23 =	sadd.s32 $0xF000, s5;
	s13 =	sadd.s32 $0x4E20, s12  }
0x11: {  	s14 =	sadd.s32 $0xA, s12;
	s15 =	sadd.s32 $0x4E2A, s12;
	[dreg:$0x3] =	wrdreg s21  }
0x12: {  	s16 =	sshll.u32 s16, $0x5;
	s1 =	sadd.s32 s0, s1;
	[dreg:$0x4] =	wrdreg s22  }
0x13: {  	s18 =	smax.u32 s18, $0x1;
	v1 =	vmov s31;
	s31 =	simm.s32 $0x4;
	[dreg:$0x5] =	wrdreg s23  }
0x14: {  	s16 =	sadd.s32 s0, s16;
	s17 =	sadd.s32 $0x25800, s1;
	s21 =	simm.s32 $0x1  }
0x15: {  	v2 =	vimm.f32 $0.0e+00;
	s22 =	simm.s32 $0xF0;
	s23 =	simm.s32 $0x50F0;
	s0 =	simm.s32 $0x5190  }
.LBB2_1:
0x16: {  	s1 =	simm.s32 $0x10;
	s6 =	sand.u32 $0x7FF0, s3  }
.LBB2_2:
0x17: {  	p1 =	sne.s32 s1, $0x4FF0;
	[tilespmem:s6+$0xF0] =	vst v2;
	s6 =	smov.u32 s1;
	s1 =	sadd.s32 $0x10, s1  }
.Ltmp0:
0x18: {  	(pc) =	sbr.rel @p1 .LBB2_2-.Ltmp0, $2  }
0x19: {  	_ =	sdelay $0x2  }
0x1a: {  	s6 =	sand.u32 $0x7FF0, s6  }
0x1b: {  	[tilespmem:s6+$0xF0] =	vst v2;
	s1 =	simm.s32 @p0 $0xF0;
	s6 =	simm.s32 @p0 $0x5  }
0x1c: {  	[spmem:s9] =	stream.linear.scatter @p0 [tilespmem:s1], [sflag:$0x5], $0x5000, $0x38;
	[tilespmem:$0x1DAE0] =	vst v63  }
0x1d: {  	_ =	swait.ge @p0 [sflag:s6], $0x5000  }
0x1e: {  	[sflag:s6] =	ssyncset.done @p0 $0x0  }
0x1f: {  	s7 =	rddreg [dreg:$0x6];
	[sflag:s6] =	ssyncadd.s32 @p0 $0xFFFFB000  }
0x20: {  	[spmem:s7] =	stream.linear.scatter @p0 [tilespmem:s1], [sflag:$0x5], $0x5000, $0x38;
	[tilespmem:$0x1DAE0] =	vst v63  }
0x21: {  	_ =	swait.ge @p0 [sflag:s6], $0x5000  }
0x22: {  	[sflag:s6] =	ssyncset.done @p0 $0x0  }
0x23: {  	s7 =	rddreg [dreg:$0x7];
	[sflag:s6] =	ssyncadd.s32 @p0 $0xFFFFB000  }
0x24: {  	[spmem:s7] =	stream.linear.scatter @p0 [tilespmem:s1], [sflag:$0x5], $0x2800, $0x38;
	[tilespmem:$0x1DAE0] =	vst v63  }
0x25: {  	_ =	swait.ge @p0 [sflag:s6], $0x2800  }
0x26: {  	[sflag:s6] =	ssyncset.done @p0 $0x0  }
0x27: {  	s1 =	simm.s32 @!p0 $0xF0;
	[sflag:s6] =	ssyncadd.s32 @p0 $0xFFFFD800;
	s6 =	simm.s32 @!p0 $0x5  }
0x28: {  	[spmem:s5] =	stream.linear.scatter @!p0 [tilespmem:s1], [sflag:$0x5], $0x5000, $0x38;
	[tilespmem:$0x1DAE0] =	vst v63  }
0x29: {  	_ =	swait.ge @!p0 [sflag:s6], $0x5000  }
0x2a: {  	[sflag:s6] =	ssyncset.done @!p0 $0x0  }
0x2b: {  	s7 =	rddreg [dreg:$0x3];
	[sflag:s6] =	ssyncadd.s32 @!p0 $0xFFFFB000  }
0x2c: {  	[spmem:s7] =	stream.linear.scatter @!p0 [tilespmem:s1], [sflag:$0x5], $0x5000, $0x38;
	[tilespmem:$0x1DAE0] =	vst v63  }
0x2d: {  	_ =	swait.ge @!p0 [sflag:s6], $0x5000  }
0x2e: {  	[sflag:s6] =	ssyncset.done @!p0 $0x0  }
0x2f: {  	s7 =	rddreg [dreg:$0x4];
	[sflag:s6] =	ssyncadd.s32 @!p0 $0xFFFFB000  }
0x30: {  	[spmem:s7] =	stream.linear.scatter @!p0 [tilespmem:s1], [sflag:$0x5], $0x5000, $0x38;
	[tilespmem:$0x1DAE0] =	vst v63  }
0x31: {  	_ =	swait.ge @!p0 [sflag:s6], $0x5000  }
0x32: {  	[sflag:s6] =	ssyncset.done @!p0 $0x0  }
0x33: {  	s7 =	rddreg [dreg:$0x5];
	[sflag:s6] =	ssyncadd.s32 @!p0 $0xFFFFB000  }
0x34: {  	[spmem:s7] =	stream.linear.scatter @!p0 [tilespmem:s1], [sflag:$0x5], $0x5000, $0x38;
	[tilespmem:$0x1DAE0] =	vst v63  }
0x35: {  	_ =	swait.ge @!p0 [sflag:s6], $0x5000  }
0x36: {  	[sflag:s6] =	ssyncset.done @!p0 $0x0  }
0x37: {  	[sflag:s6] =	ssyncadd.s32 @!p0 $0xFFFFB000  }
0x38: {  	s1 =	simm.s32 $0x0;
	[bflag:$0x0] =	sbarrier.arrive $0xFFFF  }
0x39: {  	[tilespmem:s1], [sflag:$0x1] =	stream.linear.gather [hbm4b:s12+s1], $0x50, $0x38;
	[tilespmem:$0x1DAE0] =	vst v63  }
0x3a: {  	_ = 	snop  }
0x3b: {  	[tilespmem:s20], [sflag:$0x1] =	stream.linear.gather [hbm4b:s13+s1], $0x50, $0x38;
	[tilespmem:$0x1DAE0] =	vst v63  }
0x3c: {  	_ =	swait.ge [sflag:s21], $0x50  }
0x3d: {  	[sflag:s21] =	ssyncset.done $0x0  }
0x3e: {  	[sflag:s21] =	ssyncadd.s32 $0xFFFFFFB0  }
0x3f: {  	_ =	swait.ge [sflag:s21], $0x50  }
0x40: {  	[sflag:s21] =	ssyncset.done $0x0  }
0x41: {  	[sflag:s21] =	ssyncadd.s32 $0xFFFFFFB0  }
0x42: {  	[tilespmem:s22], [sflag:$0x2] =	stream.indirect.gather [hbm4b:s4+s20], $0x100, s1, s20, $0xb8;
	[tilespmem:$0x1DAE0] =	vst v63  }
0x43: {  	_ = 	snop  }
0x44: {  	[tilespmem:s23], [sflag:$0x3] =	stream.linear.gather [hbm4b:s14+s1], $0x50, $0x38;
	[tilespmem:$0x1DAE0] =	vst v63  }
0x45: {  	s8 =	simm.s32 $0x5140  }
0x46: {  	[tilespmem:s8], [sflag:$0x3] =	stream.linear.gather [hbm4b:s15+s1], $0x50, $0x38;
	[tilespmem:$0x1DAE0] =	vst v63  }
0x47: {  	_ =	swait.ge [sflag:s25], $0x50  }
0x48: {  	[sflag:s25] =	ssyncset.done $0x0  }
0x49: {  	[sflag:s25] =	ssyncadd.s32 $0xFFFFFFB0  }
0x4a: {  	_ =	swait.ge [sflag:s25], $0x50  }
0x4b: {  	[sflag:s25] =	ssyncset.done $0x0  }
0x4c: {  	[sflag:s25] =	ssyncadd.s32 $0xFFFFFFB0  }
0x4d: {  	[tilespmem:s26], [sflag:$0x4] =	stream.indirect.gather [hbm4b:s4+s20], $0x100, s23, s20, $0xb8;
	[tilespmem:$0x1DAE0] =	vst v63  }
0x4e: {  	v3 =	vld [tilespmem:$0x50]  }
0x4f: {  	v4 =	vld [tilespmem:$0x60]  }
0x50: {  	v5 =	vld [tilespmem:$0x80]  }
0x51: {  	v6 =	vld [tilespmem:$0x70];
	_ =	sdelay $0x2  }
0x52: {  	v7 =	vld [tilespmem:$0x90];
	vm0 =	vge.s32 v4, v0;
	vm1 =	vlt.s32 v4, v1;
	v4 =	vsub.s32 v4, v0  }
0x53: {  	vm13 =	vlt.s32 v5, v1;
	v8 =	vsub.s32 v5, v0;
	vm2 =	vlt.s32 v3, v1  }
0x54: {  	v9 =	vsub.s32 v6, v0;
	vm3 =	vge.s32 v5, v0;
	vm4 =	vge.s32 v3, v0  }
0x55: {  	v3 =	vsub.s32 v3, v0;
	vm5 =	vge.s32 v6, v0;
	vm0 =	vmand vm0, vm1  }
0x56: {  	vm15 =	vlt.s32 v6, v1;
	vm2 =	vmand vm4, vm2;
	v4 =	vnsel vm0, $0x1388, v4  }
0x57: {  	vm6 =	vlt.s32 v7, v1;
	vm14 =	vmand vm3, vm13;
	v3 =	vnsel vm2, $0x1388, v3;
	[tilespmem:$0xB0] =	vst v4  }
0x58: {  	vm4 =	vmand vm5, vm15;
	vm5 =	vge.s32 v7, v0;
	v4 =	vnsel vm14, $0x1388, v8;
	[tilespmem:$0xA0] =	vst v3  }
0x59: {  	vm7 =	vmand vm5, vm6;
	v3 =	vnsel vm4, $0x1388, v9;
	[tilespmem:$0xD0] =	vst v4;
	v4 =	vsub.s32 v7, v0  }
0x5a: {  	[tilespmem:$0xC0] =	vst v3;
	v3 =	vnsel vm7, $0x1388, v4  }
0x5b: {  	[tilespmem:$0xE0] =	vst v3  }
0x5c: {  	_ =	swait.ge [sflag:s28], $0x5000  }
0x5d: {  	s10 =	sadd.s32 $0x0, s19;
	[sflag:s28] =	ssyncset.done $0x0  }
0x5e: {  	s11 =	sadd.s32 $0x14, s10;
	[sflag:s28] =	ssyncadd.s32 $0xFFFFB000  }
0x5f: {  	[tilespmem:s3], [sflag:$0x1] =	stream.linear.gather [hbm4b:s11+s3], $0x50, $0x38;
	[tilespmem:$0x1DAE0] =	vst v63  }
0x60: {  	s6 =	sadd.s32 $0x4E34, s10  }
0x61: {  	[tilespmem:s20], [sflag:$0x1] =	stream.linear.gather [hbm4b:s6+s3], $0x50, $0x38;
	[tilespmem:$0x1DAE0] =	vst v63  }
0x62: {  	_ = 	snop  }
0x63: {  	[spmem:s2] =	stream.indirect.scatter.add.f32 [tilespmem:s22], [sflag:$0x5], $0x100, s29, s20, $0xb8;
	[tilespmem:$0x1DAE0] =	vst v63  }
0x64: {  	_ =	swait.ge [sflag:s30], $0x5000  }
0x65: {  	[sflag:s30] =	ssyncset.done $0x0  }
0x66: {  	[sflag:s30] =	ssyncadd.s32 $0xFFFFB000  }
0x67: {  	v3 =	vld [tilespmem:$0x5150]  }
0x68: {  	v4 =	vld [tilespmem:$0x5140]  }
0x69: {  	v5 =	vld [tilespmem:$0x5180]  }
0x6a: {  	v6 =	vld [tilespmem:$0x5170]  }
0x6b: {  	v7 =	vld [tilespmem:$0x5160];
	_ =	sdelay $0x1  }
0x6c: {  	vm0 =	vge.s32 v3, v0;
	vm1 =	vlt.s32 v3, v1  }
0x6d: {  	v3 =	vsub.s32 v3, v0;
	vm8 =	vge.s32 v4, v0;
	vm9 =	vlt.s32 v4, v1  }
0x6e: {  	v4 =	vsub.s32 v4, v0;
	vm10 =	vge.s32 v5, v0;
	vm11 =	vlt.s32 v5, v1  }
0x6f: {  	vm12 =	vlt.s32 v6, v1;
	vm13 =	vge.s32 v7, v0;
	vm14 =	vlt.s32 v7, v1  }
0x70: {  	v7 =	vsub.s32 v7, v0;
	vm15 =	vge.s32 v6, v0;
	vm2 =	vmand vm8, vm9  }
0x71: {  	v6 =	vsub.s32 v6, v0;
	vm4 =	vmand vm13, vm14;
	v4 =	vnsel vm2, $0x1388, v4  }
0x72: {  	v5 =	vsub.s32 v5, v0;
	vm2 =	vmand vm15, vm12;
	[tilespmem:$0x5190] =	vst v4;
	v4 =	vnsel vm4, $0x1388, v7  }
0x73: {  	vm3 =	vmand vm10, vm11;
	vm0 =	vmand vm0, vm1;
	v6 =	vnsel vm2, $0x1388, v6;
	[tilespmem:$0x51B0] =	vst v4  }
0x74: {  	s6 =	simm.s32 $0x14;
	v3 =	vnsel vm0, $0x1388, v3;
	v4 =	vnsel vm3, $0x1388, v5;
	[tilespmem:$0x51C0] =	vst v6  }
.LBB2_4:
0x75: {  	[tilespmem:$0x51D0] =	vst v4;
	s7 =	smov.u32 s6;
	s6 =	sadd.s32 $0x14, s6  }
0x76: {  	p1 =	sne.s32 s6, $0x4D8;
	[tilespmem:$0x51A0] =	vst v3  }
0x77: {  	_ =	swait.ge [sflag:s31], $0x5000  }
0x78: {  	[sflag:s31] =	ssyncset.done $0x0  }
0x79: {  	p2 =	seq.s32 s1, $0x4C4;
	[sflag:s31] =	ssyncadd.s32 $0xFFFFB000  }
0x7a: {  	_ =	swait.ge [sflag:s21], $0x50  }
0x7b: {  	s8 =	sadd.s32 @!p2 s1, s19;
	s1 =	smov.u32 s7;
	[sflag:s21] =	ssyncset.done $0x0  }
0x7c: {  	s10 =	simm.s32 @!p2 $0x0;
	s7 =	sadd.s32 @!p2 $0x1E, s8;
	[sflag:s21] =	ssyncadd.s32 $0xFFFFFFB0  }
0x7d: {  	_ =	swait.ge [sflag:s21], $0x50  }
0x7e: {  	s8 =	sadd.s32 @!p2 $0x4E3E, s8;
	[sflag:s21] =	ssyncset.done $0x0  }
0x7f: {  	[sflag:s21] =	ssyncadd.s32 $0xFFFFFFB0  }
0x80: {  	[tilespmem:s22], [sflag:$0x2] =	stream.indirect.gather [hbm4b:s4+s20], $0x100, s3, s20, $0xb8;
	[tilespmem:$0x1DAE0] =	vst v63  }
0x81: {  	s11 =	simm.s32 @!p2 $0x50F0  }
0x82: {  	[tilespmem:s11], [sflag:$0x3] =	stream.linear.gather @!p2 [hbm4b:s7+s10], $0x50, $0x38;
	[tilespmem:$0x1DAE0] =	vst v63  }
0x83: {  	s7 =	simm.s32 @!p2 $0x5140  }
0x84: {  	[tilespmem:s7], [sflag:$0x3] =	stream.linear.gather @!p2 [hbm4b:s8+s10], $0x50, $0x38;
	[tilespmem:$0x1DAE0] =	vst v63  }
0x85: {  	_ = 	snop  }
0x86: {  	[spmem:s2] =	stream.indirect.scatter.add.f32 [tilespmem:s26], [sflag:$0x5], $0x100, s0, s20, $0xb8;
	[tilespmem:$0x1DAE0] =	vst v63  }
0x87: {  	_ =	swait.ge [sflag:s30], $0x5000  }
0x88: {  	[sflag:s30] =	ssyncset.done $0x0  }
0x89: {  	[sflag:s30] =	ssyncadd.s32 $0xFFFFB000  }
0x8a: {  	_ =	swait.ge [sflag:s25], $0x50  }
0x8b: {  	[sflag:s25] =	ssyncset.done $0x0  }
0x8c: {  	[sflag:s25] =	ssyncadd.s32 $0xFFFFFFB0  }
0x8d: {  	_ =	swait.ge [sflag:s25], $0x50  }
0x8e: {  	[sflag:s25] =	ssyncset.done $0x0  }
0x8f: {  	[sflag:s25] =	ssyncadd.s32 $0xFFFFFFB0  }
0x90: {  	[tilespmem:s26], [sflag:$0x4] =	stream.indirect.gather [hbm4b:s4+s20], $0x100, s23, s20, $0xb8;
	[tilespmem:$0x1DAE0] =	vst v63  }
0x91: {  	v3 =	vld [tilespmem:$0x50]  }
0x92: {  	v4 =	vld [tilespmem:$0x60]  }
0x93: {  	v5 =	vld [tilespmem:$0x80]  }
0x94: {  	v6 =	vld [tilespmem:$0x70]  }
0x95: {  	v7 =	vld [tilespmem:$0x90];
	_ =	sdelay $0x1  }
0x96: {  	vm0 =	vge.s32 v4, v0;
	vm1 =	vlt.s32 v4, v1;
	v4 =	vsub.s32 v4, v0  }
0x97: {  	vm0 =	vmand vm0, vm1;
	vm1 =	vlt.s32 v5, v1;
	v8 =	vsub.s32 v5, v0  }
0x98: {  	vm2 =	vlt.s32 v3, v1;
	vm3 =	vge.s32 v5, v0;
	v9 =	vsub.s32 v6, v0  }
0x99: {  	vm4 =	vge.s32 v3, v0;
	v3 =	vsub.s32 v3, v0;
	vm5 =	vge.s32 v6, v0  }
0x9a: {  	vm2 =	vmand vm4, vm2;
	v4 =	vnsel vm0, $0x1388, v4;
	vm0 =	vmand vm3, vm1  }
0x9b: {  	s7 =	sadd.s32 s1, s19;
	v3 =	vnsel vm2, $0x1388, v3;
	vm1 =	vlt.s32 v6, v1;
	[tilespmem:$0xB0] =	vst v4;
	v4 =	vnsel vm0, $0x1388, v8  }
0x9c: {  	s8 =	sadd.s32 $0x14, s7;
	vm2 =	vlt.s32 v7, v1;
	vm0 =	vmand vm5, vm1;
	vm1 =	vge.s32 v7, v0;
	[tilespmem:$0xA0] =	vst v3  }
0x9d: {  	v3 =	vnsel vm0, $0x1388, v9;
	vm0 =	vmand vm1, vm2;
	[tilespmem:$0xD0] =	vst v4;
	v4 =	vsub.s32 v7, v0  }
0x9e: {  	s7 =	sadd.s32 $0x4E34, s7;
	[tilespmem:$0xC0] =	vst v3;
	v3 =	vnsel vm0, $0x1388, v4  }
0x9f: {  	[tilespmem:$0xE0] =	vst v3  }
0xa0: {  	_ =	swait.ge [sflag:s28], $0x5000  }
0xa1: {  	[sflag:s28] =	ssyncset.done $0x0  }
0xa2: {  	[sflag:s28] =	ssyncadd.s32 $0xFFFFB000  }
0xa3: {  	[tilespmem:s3], [sflag:$0x1] =	stream.linear.gather [hbm4b:s8+s3], $0x50, $0x38;
	[tilespmem:$0x1DAE0] =	vst v63  }
0xa4: {  	_ = 	snop  }
0xa5: {  	[tilespmem:s20], [sflag:$0x1] =	stream.linear.gather [hbm4b:s7+s3], $0x50, $0x38;
	[tilespmem:$0x1DAE0] =	vst v63  }
0xa6: {  	_ = 	snop  }
0xa7: {  	[spmem:s2] =	stream.indirect.scatter.add.f32 [tilespmem:s22], [sflag:$0x5], $0x100, s29, s20, $0xb8;
	[tilespmem:$0x1DAE0] =	vst v63  }
0xa8: {  	_ =	swait.ge [sflag:s30], $0x5000  }
0xa9: {  	[sflag:s30] =	ssyncset.done $0x0  }
0xaa: {  	[sflag:s30] =	ssyncadd.s32 $0xFFFFB000  }
0xab: {  	v3 =	vld [tilespmem:$0x5150]  }
0xac: {  	v4 =	vld [tilespmem:$0x5140]  }
0xad: {  	v5 =	vld [tilespmem:$0x5180]  }
0xae: {  	v6 =	vld [tilespmem:$0x5170]  }
0xaf: {  	v7 =	vld [tilespmem:$0x5160]  }
0xb0: {  	vm0 =	vge.s32 v3, v0;
	vm1 =	vlt.s32 v3, v1;
	v3 =	vsub.s32 v3, v0  }
0xb1: {  	vm2 =	vge.s32 v4, v0;
	vm3 =	vlt.s32 v4, v1;
	v4 =	vsub.s32 v4, v0  }
0xb2: {  	vm2 =	vmand vm2, vm3;
	vm3 =	vge.s32 v5, v0;
	vm4 =	vlt.s32 v5, v1  }
0xb3: {  	v4 =	vnsel vm2, $0x1388, v4;
	vm2 =	vlt.s32 v6, v1;
	vm3 =	vmand vm3, vm4  }
.Ltmp1:
0xb4: {  	[tilespmem:$0x5190] =	vst v4;
	vm4 =	vge.s32 v7, v0;
	vm5 =	vlt.s32 v7, v1;
	v4 =	vsub.s32 v5, v0;
	(pc) =	sbr.rel @p1 .LBB2_4-.Ltmp1, $4  }
0xb5: {  	v5 =	vsub.s32 v7, v0;
	vm4 =	vmand vm4, vm5;
	vm5 =	vge.s32 v6, v0  }
0xb6: {  	v6 =	vsub.s32 v6, v0;
	v5 =	vnsel vm4, $0x1388, v5;
	vm2 =	vmand vm5, vm2  }
0xb7: {  	vm0 =	vmand vm0, vm1;
	v4 =	vnsel vm3, $0x1388, v4;
	[tilespmem:$0x51B0] =	vst v5;
	v5 =	vnsel vm2, $0x1388, v6  }
0xb8: {  	v3 =	vnsel vm0, $0x1388, v3;
	[tilespmem:$0x51C0] =	vst v5  }
0xb9: {  	[tilespmem:$0x51D0] =	vst v4  }
0xba: {  	[tilespmem:$0x51A0] =	vst v3  }
0xbb: {  	_ =	swait.ge [sflag:s31], $0x5000  }
0xbc: {  	[sflag:s31] =	ssyncset.done $0x0  }
0xbd: {  	[sflag:s31] =	ssyncadd.s32 $0xFFFFB000  }
0xbe: {  	_ =	swait.ge [sflag:s21], $0x50  }
0xbf: {  	[sflag:s21] =	ssyncset.done $0x0  }
0xc0: {  	[sflag:s21] =	ssyncadd.s32 $0xFFFFFFB0  }
0xc1: {  	_ =	swait.ge [sflag:s21], $0x50  }
0xc2: {  	p1 =	seq.s32 s1, $0x4C4;
	[sflag:s21] =	ssyncset.done $0x0  }
0xc3: {  	s1 =	sadd.s32 @!p1 s1, s19;
	[sflag:s21] =	ssyncadd.s32 $0xFFFFFFB0  }
0xc4: {  	[tilespmem:s22], [sflag:$0x2] =	stream.indirect.gather [hbm4b:s4+s20], $0x100, s3, s20, $0xb8;
	[tilespmem:$0x1DAE0] =	vst v63  }
0xc5: {  	s7 =	simm.s32 @!p1 $0x0;
	s8 =	simm.s32 @!p1 $0x50F0;
	s6 =	sadd.s32 @!p1 $0x1E, s1  }
0xc6: {  	[tilespmem:s8], [sflag:$0x3] =	stream.linear.gather @!p1 [hbm4b:s6+s7], $0x50, $0x38;
	[tilespmem:$0x1DAE0] =	vst v63  }
0xc7: {  	s1 =	sadd.s32 @!p1 $0x4E3E, s1;
	s6 =	simm.s32 @!p1 $0x5140  }
0xc8: {  	[tilespmem:s6], [sflag:$0x3] =	stream.linear.gather @!p1 [hbm4b:s1+s7], $0x50, $0x38;
	[tilespmem:$0x1DAE0] =	vst v63  }
0xc9: {  	_ = 	snop  }
0xca: {  	[spmem:s2] =	stream.indirect.scatter.add.f32 [tilespmem:s26], [sflag:$0x5], $0x100, s0, s20, $0xb8;
	[tilespmem:$0x1DAE0] =	vst v63  }
0xcb: {  	_ =	swait.ge [sflag:s30], $0x5000  }
0xcc: {  	[sflag:s30] =	ssyncset.done $0x0  }
0xcd: {  	[sflag:s30] =	ssyncadd.s32 $0xFFFFB000  }
0xce: {  	v3 =	vld [tilespmem:$0x50]  }
0xcf: {  	v62 =	vld [tilespmem:$0x60]  }
0xd0: {  	v5 =	vld [tilespmem:$0x70];
	_ =	sdelay $0x1  }
0xd1: {  	v6 =	vld [tilespmem:$0x80];
	_ =	sdelay $0x1  }
0xd2: {  	v7 =	vld [tilespmem:$0x90];
	vm0 =	vge.s32 v3, v0;
	vm1 =	vlt.s32 v3, v1;
	v3 =	vsub.s32 v3, v0  }
0xd3: {  	vm7 =	vge.s32 v62, v0;
	vm8 =	vlt.s32 v62, v1;
	vm2 =	vge.s32 v5, v0  }
0xd4: {  	vm3 =	vlt.s32 v5, v1;
	v4 =	vsub.s32 v62, v0;
	v5 =	vsub.s32 v5, v0  }
0xd5: {  	vm10 =	vge.s32 v6, v0;
	vm11 =	vlt.s32 v6, v1;
	vm0 =	vmand vm0, vm1  }
0xd6: {  	v63 =	vsub.s32 v6, v0;
	v3 =	vnsel vm0, $0x1388, v3;
	vm0 =	vmand vm7, vm8  }
0xd7: {  	vm13 =	vge.s32 v7, v0;
	vm9 =	vmand vm2, vm3;
	v4 =	vnsel vm0, $0x1388, v4;
	[tilespmem:$0xA0] =	vst v3  }
0xd8: {  	vm14 =	vlt.s32 v7, v1;
	vm12 =	vmand vm10, vm11;
	v3 =	vnsel vm9, $0x1388, v5;
	[tilespmem:$0xB0] =	vst v4  }
0xd9: {  	vm15 =	vmand vm13, vm14;
	v4 =	vnsel vm12, $0x1388, v63;
	[tilespmem:$0xC0] =	vst v3;
	v3 =	vsub.s32 v7, v0  }
0xda: {  	[tilespmem:$0xD0] =	vst v4;
	v3 =	vnsel vm15, $0x1388, v3  }
0xdb: {  	[tilespmem:$0xE0] =	vst v3  }
0xdc: {  	_ =	swait.ge [sflag:s28], $0x5000  }
0xdd: {  	[sflag:s28] =	ssyncset.done $0x0  }
0xde: {  	[sflag:s28] =	ssyncadd.s32 $0xFFFFB000  }
0xdf: {  	[spmem:s2] =	stream.indirect.scatter.add.f32 [tilespmem:s22], [sflag:$0x5], $0x100, s29, s20, $0xb8;
	[tilespmem:$0x1DAE0] =	vst v63  }
0xe0: {  	_ =	swait.ge [sflag:s30], $0x5000  }
0xe1: {  	[sflag:s30] =	ssyncset.done $0x0  }
0xe2: {  	[sflag:s30] =	ssyncadd.s32 $0xFFFFB000  }
0xe3: {  	s1 =	sshrl.u32 @p0 s9, $0x3;
	s6 =	simm.s32 @p0 $0x1FC5;
	[bflag:$0x0] =	sbarrier.arrive $0xFFFF  }
0xe4: {  	[hbm:s17], [sflag:s6] =	dma.local @p0 [spmem:s1], $0x1900  }
0xe5: {  	s1 =	simm.s32 @p0 $0x5  }
0xe6: {  	s24 =	sadd.s32 $0x1, s24;
	s6 =	stileid.u32;
	_ =	swait.ge @p0 [sflag:s1], $0x1900  }
0xe7: {  	p1 =	sne.s32 s24, s18;
	s6 =	sshll.u32 @!p0 s6, $0x6;
	[sflag:s1] =	ssyncset.done @p0 $0x0  }
0xe8: {  	[sflag:s1] =	ssyncadd.s32 @p0 $0xFFFFE700;
	s1 =	sor.u32 @!p0 $0x1C05, s6;
	s6 =	sshrl.u32 @!p0 s5, $0x3  }
0xe9: {  	[hbm:s16], [sflag:s1] =	dma.local @!p0 [spmem:s6], $0x2800  }
.Ltmp2:
0xea: {  	_ = 	snop;
	(pc) =	sbr.rel @p1 .LBB2_1-.Ltmp2, $4  }
0xeb: {  	s1 =	simm.s32 @!p0 $0x5  }
0xec: {  	_ =	swait.ge @!p0 [sflag:s1], $0x2800  }
0xed: {  	[sflag:s1] =	ssyncset.done @!p0 $0x0  }
0xee: {  	[sflag:s1] =	ssyncadd.s32 @!p0 $0xFFFFD800  }
0xef: {  	_ =	sfence.sel $0x180000  }
0xf0: {  	[bflag:$0x0] =	sbarrier.arrive $0xFFFF  }
0xf1: {  	_ =	strace $0x9000004A  }
0xf2: {  	s0 =	stileid.u32;
	[bflag:$0x2] =	sbarrier.arrive $0xFFFF  }
0xf3: {  	p0 =	sne.s32 s0, $0x0;
	s0 =	rddreg [dreg:$0x2]  }
0xf4: {  	s0 =	sadd.s32 @!p0 $0x100000, s0  }
0xf5: {  	[sflag:s0] =	ssyncadd.tile.s32 @!p0 $0x1;
	_ =	shalt  }
.Lfunc_end2:
_tile_overlayer_lowered:
.L_overlay_start_2:
0xf6: {  	(tag) =	ssettag $0x2  }
0xf7: {  	s0 =	rddreg [dreg:$0x0];
	s2 =	stileid.u32  }
0xf8: {  	s1 =	rddreg [dreg:$0x1];
	p0 =	sne.s32 s2, $0x0  }
0xf9: {  	s3 =	rddreg [dreg:$0x2];
	[bflag:$0x3] =	sbarrier.arrive $0xFFFF;
	s2 =	simm.s32 @!p0 $0x1C05  }
0xfa: {  	[timem:s3], [sflag:s2] =	dma.local @!p0 [hbm:s0], s1  }
0xfb: {  	s0 =	simm.s32 @!p0 $0x5  }
0xfc: {  	_ =	swait.ge @!p0 [sflag:s0], s1  }
0xfd: {  	s1 =	ssub.s32 @!p0 $0x0, s1;
	[sflag:s0] =	ssyncset.done @!p0 $0x0  }
0xfe: {  	[sflag:s0] =	ssyncadd.s32 @!p0 s1  }
0xff: {  	[bflag:$0x3] =	sbarrier.arrive $0xFFFF  }
0x100: {  	_ =	shalt  }

// kernel: kernel.7.cloned.1.call-start
scs
__scs_entry_jumppad:
0x0: {  	(pc) =	sbr.rel $0x88, $3  }
0x1: {  	(tag) =	ssettag $0x0;
	lr =	simm.s32 $0x1  }
0x2: {  	[smem:$0x3F97] =	sst lr;
	_ =	strace $0xD0000000  }
0x3: {  	_ = 	snop  }
0x4: {  	_ = 	snop  }
0x5: {  	_ = 	snop  }
0x6: {  	_ = 	snop  }
0x7: {  	_ = 	snop  }
__scs_overlays_trampoline_lowered:
0x8: {  	[smem:$0x3FA6] =	sst s0  }
0x9: {  	[smem:$0x3FA7] =	sst s1  }
0xa: {  	[smem:$0x3FA8] =	sst s2  }
0xb: {  	[smem:$0x3FA9] =	sst s3  }
0xc: {  	[smem:$0x3FAA] =	sst s4  }
0xd: {  	[smem:$0x3FAB] =	sst s5  }
0xe: {  	[smem:$0x3FAC] =	sst s6  }
0xf: {  	[smem:$0x3FAD] =	sst s7  }
0x10: {  	[smem:$0x3FAE] =	sst s8  }
0x11: {  	[smem:$0x3FAF] =	sst s9;
	s0 =	simm.s32 @!p0 $0x0  }
0x12: {  	s1 =	sld [smem:$0x3F95];
	s0 =	simm.s32 @p0 $0x1  }
0x13: {  	[smem:$0x3FB0] =	sst s0;
	s0 =	simm.s32 @!p1 $0x0  }
0x14: {  	s2 =	sld [smem:$0x3F94];
	s0 =	simm.s32 @p1 $0x1  }
0x15: {  	[smem:$0x3FB1] =	sst s0;
	s0 =	simm.s32 @!p2 $0x0  }
0x16: {  	s3 =	sld [smem:$0x3FDB];
	s0 =	simm.s32 @p2 $0x1  }
0x17: {  	s4 =	simm.s32 $0x1BF5;
	[smem:$0x3FB3] =	sst s0  }
0x18: {  	s0 =	sld [smem:$0x3F96];
	_ =	swait.ge [sflag:s4], $0x0  }
0x19: {  	s7 =	sld [smem:$0x3F97]  }
0x1a: {  	s8 =	sadd.s32 $0xFFFFE003, lr  }
0x1b: {  	s9 =	sadd.s32 $0xFFFFFEF7, lr;
	s5 =	simm.s32 $0xFFFFFFFF;
	p2 =	slt.u32 s8, $0xFFFFF086  }
0x1c: {  	p1 =	slt.u32 s9, $0xF7A;
	s5 =	simm.s32 @!p2 $0x0  }
0x1d: {  	s5 =	simm.s32 @p1 $0x1;
	p0 =	seq.s32 s7, s2  }
0x1e: {  	s7 =	smul.u32 @!p0 $0xF7A, s2;
	p2 =	seq.s32 @!p0 s5, $0x0  }
0x1f: {  	s9 =	smul.u32 $0xF7A, s1;
	s8 =	simm.s32 @!p0 $0x1BF5;
	p2 =	por !p2, p0  }
0x20: {  	[sflag:s8] =	ssyncset.s32 @!p0 $0xFFFFF086;
	s6 =	sadd.s32 @!p0 s3, s7;
	s7 =	simm.s32 @!p0 $0x108  }
0x21: {  	s3 =	sadd.s32 s3, s9;
	s6 =	sadd.s32 @!p0 $0x88, s6;
	s7 =	simm.s32 @p2 $0x1082  }
0x22: {  	[simem:s7], [sflag:s8] =	dma.local @!p0 [hbm:s6], $0xF7A  }
0x23: {  	s9 =	sor.u32 $0xD0000000, s2;
	s6 =	simm.s32 $0x108;
	_ =	swait.ge @!p0 [sflag:s8], $0x0  }
0x24: {  	s3 =	sadd.s32 $0x88, s3;
	s6 =	simm.s32 @!p1 $0x1082;
	[sflag:s4] =	ssyncset.s32 $0xFFFFF086  }
0x25: {  	[simem:s6], [sflag:s4] =	dma.local [hbm:s3], $0xF7A  }
0x26: {  	[smem:$0x3F97] =	sst s1;
	(tag) =	ssettag s2;
	_ =	strace s9  }
0x27: {  	s1 =	sld [smem:$0x3FA7]  }
0x28: {  	s2 =	sld [smem:$0x3FA8]  }
0x29: {  	s4 =	sld [smem:$0x3FAA]  }
0x2a: {  	p0 =	seq.s32 s5, $0x0;
	s5 =	sld [smem:$0x3FAB]  }
0x2b: {  	s6 =	sld [smem:$0x3FAC]  }
0x2c: {  	s7 =	sld [smem:$0x3FAD]  }
0x2d: {  	s3 =	simm.s32 $0x108;
	s8 =	sld [smem:$0x3FAE]  }
0x2e: {  	s3 =	simm.s32 @!p0 $0x1082;
	s9 =	sld [smem:$0x3FAF]  }
0x2f: {  	lr =	sadd.s32 s0, s3;
	s0 =	sld [smem:$0x3FA6]  }
0x30: {  	s3 =	sld [smem:$0x3FA9]  }
0x31: {  	[smem:$0x3FB2] =	sst s10  }
0x32: {  	s10 =	sld [smem:$0x3FB0];
	_ =	sdelay $0x3  }
0x33: {  	p0 =	seq.s32 s10, $0x1;
	s10 =	sld [smem:$0x3FB2];
	_ =	sdelay $0x3  }
0x34: {  	[smem:$0x3FB2] =	sst s10  }
0x35: {  	s10 =	sld [smem:$0x3FB1];
	_ =	sdelay $0x3  }
0x36: {  	p1 =	seq.s32 s10, $0x1;
	s10 =	sld [smem:$0x3FB2];
	_ =	sdelay $0x3  }
0x37: {  	[smem:$0x3FB2] =	sst s10  }
0x38: {  	s10 =	sld [smem:$0x3FB3]  }
0x39: {  	_ = 	snop;
	(pc) =	sbr.ind lr, $3  }
0x3a: {  	_ = 	snop  }
0x3b: {  	_ = 	snop  }
0x3c: {  	p2 =	seq.s32 s10, $0x1;
	s10 =	sld [smem:$0x3FB2]  }
0x3d: {  	_ =	shalt  }
0x3e: {  	_ =	shalt  }
0x3f: {  	_ =	shalt  }
0x40: {  	_ =	shalt  }
0x41: {  	_ =	shalt  }
0x42: {  	_ =	shalt  }
0x43: {  	_ =	shalt  }
0x44: {  	_ =	shalt  }
0x45: {  	_ =	shalt  }
0x46: {  	_ =	shalt  }
0x47: {  	_ =	shalt  }
0x48: {  	_ =	shalt  }
0x49: {  	_ =	shalt  }
0x4a: {  	_ =	shalt  }
0x4b: {  	_ =	shalt  }
0x4c: {  	_ =	shalt  }
0x4d: {  	_ =	shalt  }
0x4e: {  	_ =	shalt  }
0x4f: {  	_ =	shalt  }
0x50: {  	_ =	shalt  }
0x51: {  	_ =	shalt  }
0x52: {  	_ =	shalt  }
0x53: {  	_ =	shalt  }
0x54: {  	_ =	shalt  }
0x55: {  	_ =	shalt  }
0x56: {  	_ =	shalt  }
0x57: {  	_ =	shalt  }
0x58: {  	_ =	shalt  }
0x59: {  	_ =	shalt  }
0x5a: {  	_ =	shalt  }
0x5b: {  	_ =	shalt  }
0x5c: {  	_ =	shalt  }
0x5d: {  	_ =	shalt  }
0x5e: {  	_ =	shalt  }
0x5f: {  	_ =	shalt  }
0x60: {  	_ =	shalt  }
0x61: {  	_ =	shalt  }
0x62: {  	_ =	shalt  }
0x63: {  	_ =	shalt  }
0x64: {  	_ =	shalt  }
0x65: {  	_ =	shalt  }
0x66: {  	_ =	shalt  }
0x67: {  	_ =	shalt  }
0x68: {  	_ =	shalt  }
0x69: {  	_ =	shalt  }
0x6a: {  	_ =	shalt  }
0x6b: {  	_ =	shalt  }
0x6c: {  	_ =	shalt  }
0x6d: {  	_ =	shalt  }
0x6e: {  	_ =	shalt  }
0x6f: {  	_ =	shalt  }
0x70: {  	_ =	shalt  }
0x71: {  	_ =	shalt  }
0x72: {  	_ =	shalt  }
0x73: {  	_ =	shalt  }
0x74: {  	_ =	shalt  }
0x75: {  	_ =	shalt  }
0x76: {  	_ =	shalt  }
0x77: {  	_ =	shalt  }
0x78: {  	_ =	shalt  }
0x79: {  	_ =	shalt  }
0x7a: {  	_ =	shalt  }
0x7b: {  	_ =	shalt  }
0x7c: {  	_ =	shalt  }
0x7d: {  	_ =	shalt  }
0x7e: {  	_ =	shalt  }
0x7f: {  	_ =	shalt  }
0x80: {  	_ =	shalt  }
0x81: {  	_ =	shalt  }
0x82: {  	_ =	shalt  }
0x83: {  	_ =	shalt  }
0x84: {  	_ =	shalt  }
0x85: {  	_ =	shalt  }
0x86: {  	_ =	shalt  }
0x87: {  	_ =	shalt  }
.Lfunc_end0:
.L_simem_size_0:
called_computation_lowered:
.L_overlay_start_0:
0x88: {  	s2 =	sld [smem:$0x3FD9]  }
0x89: {  	s3 =	sld [smem:$0x3FFE];
	_ =	sdelay $0x1  }
0x8a: {  	s1 =	srdreg.scid  }
0x8b: {  	s0 =	sand.u32 $0x1, s1  }
0x8c: {  	s14 =	sshll.u32 s0, $0xA;
	s2 =	sadd.s32 s3, s2  }
0x8d: {  	s2 =	sadd.s32 s2, s14  }
0x8e: {  	[smem:$0x3FBE] =	sst s2  }
0x8f: {  	_ = 	snop  }
0x90: {  	s2 =	sld [smem:$0x3FD0];
	_ =	sdelay $0x2  }
0x91: {  	s15 =	simm.s32 $0xA;
	s4 =	simm.s32 $0x10  }
0x92: {  	[smem:s4], [sflag:s15] =	dma.local [hbm:s2], $0x1  }
0x93: {  	_ =	swait.eq [sflag:s15], $0x1  }
0x94: {  	[sflag:s15] =	ssyncset.done $0x0  }
0x95: {  	[sflag:s15] =	ssyncadd.s32 $0xFFFFFFFF  }
0x96: {  	s16 =	sld [smem:$0x10];
	(tm) =	ssettm $0x1  }
0x97: {  	s17 =	sld [smem:$0x3FFB];
	_ =	sdelay $0x3  }
0x98: {  	_ =	strace s17  }
0x99: {  	s3 =	sld [smem:$0x3FFC];
	_ =	sdelay $0x3  }
0x9a: {  	_ =	strace s3  }
0x9b: {  	s3 =	sld [smem:$0x3FFD];
	_ =	sdelay $0x3  }
0x9c: {  	_ =	strace s3  }
0x9d: {  	_ =	strace $0x8FFFFFFF  }
0x9e: {  	s18 =	sld [smem:$0x3FDB];
	_ =	sdelay $0x1  }
0x9f: {  	s19 =	simm.s32 $_scs_section_size  }
0xa0: {  	s5 =	simm.s32 $_size__tile_overlayer_lowered;
	s6 =	simm.s32 $_tile_overlayer_lowered  }
0xa1: {  	s22 =	simm.s32 $0x1BFF;
	s21 =	sshll.u32 s6, $0x1;
	s3 =	sadd.s32 s19, s18  }
0xa2: {  	s7 =	simm.s32 $0x0;
	s20 =	sshll.u32 s5, $0x1;
	s5 =	sadd.s32 s21, s3  }
0xa3: {  	[timem:s7], [sflag:s22] =	dma.local [hbm:s5], s20  }
0xa4: {  	_ =	swait.ge [sflag:s22], s20  }
0xa5: {  	s4 =	ssub.s32 $0x0, s20;
	[sflag:s22] =	ssyncset.done $0x0  }
0xa6: {  	[sflag:s22] =	ssyncadd.s32 s4;
	_ =	sdelay $0x1  }
0xa7: {  	s23 =	simm.s32 $0x1B8B  }
0xa8: {  	_ =	swait.ge [sflag:s23], $0x1  }
0xa9: {  	[sflag:s23] =	ssyncset.done $0x0  }
0xaa: {  	s25 =	simm.s32 $0x1B8E;
	s24 =	sld [smem:$0x3FFE];
	[sflag:s23] =	ssyncadd.s32 $0xFFFFFFFF  }
0xab: {  	s26 =	simm.s32 $execute0_lowered;
	[smem:$0x3FD2] =	sst s25  }
0xac: {  	s5 =	sshll.u32 s26, $0x1;
	_ =	strace $0x80000046;
	[dreg:$0x1] =	wrdreg $0xFFFFFFFF  }
0xad: {  	s28 =	simm.s32 $_size_execute0_lowered;
	s3 =	sadd.s32 s3, s5;
	[dreg:$0x0] =	wrdreg $0x0  }
0xae: {  	s5 =	sshll.u32 s28, $0x1;
	[dreg:$0x2] =	wrdreg s3  }
0xaf: {  	[dreg:$0x3] =	wrdreg s5  }
0xb0: {  	[dreg:$0x4] =	wrdreg $0xC0  }
0xb1: {  	_ =	task [dreg:s7], $0x5FFFF  }
0xb2: {  	[dreg:$0x1] =	wrdreg $0xFFFFFFFF  }
0xb3: {  	[dreg:$0x0] =	wrdreg $0x60  }
0xb4: {  	[dreg:$0x2] =	wrdreg s24  }
0xb5: {  	[dreg:$0x3] =	wrdreg s16  }
0xb6: {  	[dreg:$0x4] =	wrdreg $0x64200  }
0xb7: {  	[dreg:$0x5] =	wrdreg $0x9  }
0xb8: {  	_ =	task.clear_ibuf [dreg:s7], $0x6FFFF;
	_ =	strace $0x90000046  }
0xb9: {  	s29 =	simm.s32 $0x9;
	_ =	strace $0x80000048  }
0xba: {  	_ =	swait.ge [sflag:s29], $0x1  }
0xbb: {  	[sflag:s29] =	ssyncadd.s32 $0xFFFFFFFF  }
0xbc: {  	_ =	strace $0x90000048  }
0xbd: {  	_ =	sfence  }
0xbe: {  	s30 =	sld [smem:$0x0];
	_ =	sdelay $0x2  }
0xbf: {  	s31 =	sshll.u32 s1, $0xD;
	s1 =	sshrl.u32 s1, $0x2  }
0xc0: {  	s3 =	sand.u32 $0x4000, s31;
	s1 =	sadd.s32 s1, s30  }
0xc1: {  	s0 =	sor.u32 s3, s0;
	s1 =	sshll.u32 s1, $0x11  }
0xc2: {  	s0 =	sor.u32 s1, s0  }
0xc3: {  	s0 =	sadd.s32 $0x8F2B, s0  }
0xc4: {  	[sflag:s0] =	ssyncadd.remote.s32 $0x1  }
0xc5: {  	_ =	sfence.sel $0xFFFF  }
0xc6: {  	[dreg:$0x0] =	wrdreg $0xFFFFFFFF;
	(pc) =	sbr.abs _section_cstart, $3  }
0xc7: {  	[dreg:$0x1] =	wrdreg $0xFFFFFFFF  }
0xc8: {  	_ =	task.clear_ibuf [dreg:s7], $0x2FFFF;
	_ =	strace $0x9FFFFFFF  }
0xc9: {  	(tm) =	ssettm $0x7FFFFFFF  }
tec
execute0_lowered:
.L_overlay_start_1:
0x0: {  	(tag) =	ssettag $0x1  }
0x1: {  	s3 =	rddreg [dreg:$0x0]  }
0x2: {  	s0 =	srdreg.scid;
	s4 =	rddreg [dreg:$0x1]  }
0x3: {  	s10 =	stileid.u32;
	s1 =	rddreg [dreg:$0x2]  }
0x4: {  	s2 =	simm.s32 $0x0;
	s12 =	simm.s32 $0x30;
	s13 =	simm.s32 $0x63F0  }
0x5: {  	s14 =	simm.s32 $0x33F0;
	s5 =	sand.u32 $0x1, s0;
	s0 =	rddreg [dreg:$0x3]  }
0x6: {  	s15 =	simm.s32 $0x0;
	s28 =	sshll.u32 s10, $0x1;
	[smem:$0x7FF] =	sst s2  }
0x7: {  	s6 =	sor.u32 s5, s28;
	s7 =	ssub.s32 $0x2, s5;
	s5 =	smul.u32 $0x600, s5  }
0x8: {  	s8 =	sadd.s32 $0x1E00, s3;
	p0 =	sne.s32 s10, $0x0;
	s6 =	smul.u32 $0x1388, s6  }
0x9: {  	s10 =	simm.s32 $0x1;
	_ =	strace $0x80000047;
	s29 =	sshrl.u32 s7, $0x1  }
0xa: {  	s7 =	ssub.s32 s7, s29;
	s3 =	sadd.s32 s4, s5;
	s30 =	sshrl.u32 s6, $0x3  }
0xb: {  	s4 =	smax.u32 s7, $0x1;
	s31 =	sadd.s32 $0x274E8, s6;
	s11 =	sadd.s32 $0x27CB8, s6  }
0xc: {  	s9 =	sadd.s32 s8, s30;
	s7 =	sshrl.u32 s31, $0x3;
	s11 =	sshrl.u32 s11, $0x3  }
0xd: {  	v0 =	vimm.f32 $0.0e+00;
	v1 =	vlaneseq.u32;
	s5 =	sadd.s32 $0x4E20, s9;
	s6 =	sadd.s32 s8, s7;
	s7 =	sadd.s32 $0x4F1A, s9  }
0xe: {  	v4 =	vimm.f32 $1.000000000e+00;
	v2 =	vor.u32 $0x10, v1;
	v3 =	vor.u32 $0x20, v1;
	s8 =	sadd.s32 s8, s11;
	s9 =	sadd.s32 $0x5014, s9;
	s11 =	simm.s32 $0x3F0  }
.LBB2_1:
0xf: {  	s16 =	simm.s32 $0x10;
	[tilespmem:s11+$0x0] =	vst v0;
	s18 =	sand.u32 $0x3FF0, s2;
	s17 =	simm.s32 $0x3F0  }
.LBB2_2:
0x10: {  	p1 =	sne.s32 s16, $0x2FF0  }
0x11: {  	[tilespmem:s18+$0x33F0] =	vst v0;
	s17 =	sadd.s32 $0x10, s17;
	s18 =	smov.u32 s16;
	s16 =	sadd.s32 $0x10, s16  }
.Ltmp0:
0x12: {  	(pc) =	sbr.rel @p1 .LBB2_2-.Ltmp0, $2  }
0x13: {  	_ =	sdelay $0x2  }
0x14: {  	s18 =	sand.u32 $0x3FF0, s18;
	[tilespmem:s17+$0x0] =	vst v0  }
0x15: {  	[tilespmem:s18+$0x33F0] =	vst v0;
	s16 =	simm.s32 @!p0 $0x33F0  }
0x16: {  	[spmem:s1] =	stream.linear.scatter @!p0 [tilespmem:s16], [sflag:$0x1], $0x3000, $0x38;
	[tilespmem:$0x6720] =	vst v63  }
0x17: {  	s16 =	simm.s32 @!p0 $0x1  }
0x18: {  	_ =	swait.ge @!p0 [sflag:s16], $0x3000  }
0x19: {  	[sflag:s16] =	ssyncset.done @!p0 $0x0  }
0x1a: {  	[sflag:s16] =	ssyncadd.s32 @!p0 $0xFFFFD000  }
0x1b: {  	[tilespmem:$0x63F0] =	vst v1  }
0x1c: {  	[tilespmem:$0x6400] =	vst v2  }
0x1d: {  	[tilespmem:$0x6410] =	vst v3  }
0x1e: {  	s31 =	simm.s32 $0x0;
	[bflag:$0x0] =	sbarrier.arrive $0xFFFF  }
0x1f: {  	[tilespmem:s31], [sflag:$0x1] =	stream.linear.gather [hbm4b:s5+s31], $0x3E8, $0x38;
	[tilespmem:$0x6720] =	vst v63  }
0x20: {  	_ =	swait.ge [sflag:s10], $0x3E8  }
0x21: {  	[sflag:s10] =	ssyncset.done $0x0  }
0x22: {  	s17 =	simm.s32 $0x0;
	s16 =	simm.s32 $0x40;
	[sflag:s10] =	ssyncadd.s32 $0xFFFFFC18  }
.LBB2_4:
0x23: {  	p1 =	sne.s32 s16, $0xF40;
	v5 =	vld [tilespmem:s17+$0x0];
	_ =	sdelay $0x3  }
.Ltmp1:
0x24: {  	(pc) =	sbr.rel @p1 .LBB2_4-.Ltmp1, $2  }
0x25: {  	_ =	sdelay $0x2  }
0x26: {  	s17 =	sshra.s32 s16, $0x2;
	s16 =	sadd.s32 $0x40, s16;
	[tilespmem:v5+s11+$0x0] =	vst.idx.add.f32.msk $0xffff, v4  }
0x27: {  	v5 =	vld [tilespmem:s17+$0x0];
	_ =	sdelay $0x7  }
0x28: {  	[tilespmem:v5+s11+$0x0] =	vst.idx.add.f32.msk $0xffff, v4  }
0x29: {  	v5 =	vld [tilespmem:$0x3E0];
	_ =	sdelay $0x7  }
0x2a: {  	s16 =	simm.s32 $0x0;
	[tilespmem:v5+s11+$0x0] =	vst.idx.add.f32.msk $0xff, v4  }
0x2b: {  	[tilespmem:s16], [sflag:$0x1] =	stream.linear.gather [hbm4b:s6+s16], $0x3E8, $0x38;
	[tilespmem:$0x6720] =	vst v63  }
0x2c: {  	_ =	swait.ge [sflag:s10], $0x3E8  }
0x2d: {  	[sflag:s10] =	ssyncset.done $0x0  }
0x2e: {  	s17 =	simm.s32 $0x0;
	s16 =	simm.s32 $0x40;
	[sflag:s10] =	ssyncadd.s32 $0xFFFFFC18  }
.LBB2_6:
0x2f: {  	p1 =	sne.s32 s16, $0xF40;
	v5 =	vld [tilespmem:s17+$0x0];
	_ =	sdelay $0x3  }
.Ltmp2:
0x30: {  	(pc) =	sbr.rel @p1 .LBB2_6-.Ltmp2, $2  }
0x31: {  	_ =	sdelay $0x2  }
0x32: {  	s17 =	sshra.s32 s16, $0x2;
	s16 =	sadd.s32 $0x40, s16;
	[tilespmem:v5+s11+$0x0] =	vst.idx.add.f32.msk $0xffff, v4  }
0x33: {  	v5 =	vld [tilespmem:s17+$0x0];
	_ =	sdelay $0x7  }
0x34: {  	[tilespmem:v5+s11+$0x0] =	vst.idx.add.f32.msk $0xffff, v4  }
0x35: {  	v5 =	vld [tilespmem:$0x3E0];
	_ =	sdelay $0x7  }
0x36: {  	s16 =	simm.s32 $0x0;
	[tilespmem:v5+s11+$0x0] =	vst.idx.add.f32.msk $0xff, v4  }
0x37: {  	[tilespmem:s16], [sflag:$0x1] =	stream.linear.gather [hbm4b:s7+s16], $0x3E8, $0x38;
	[tilespmem:$0x6720] =	vst v63  }
0x38: {  	_ =	swait.ge [sflag:s10], $0x3E8  }
0x39: {  	[sflag:s10] =	ssyncset.done $0x0  }
0x3a: {  	s17 =	simm.s32 $0x0;
	s16 =	simm.s32 $0x40;
	[sflag:s10] =	ssyncadd.s32 $0xFFFFFC18  }
.LBB2_8:
0x3b: {  	p1 =	sne.s32 s16, $0xF40;
	v5 =	vld [tilespmem:s17+$0x0];
	_ =	sdelay $0x3  }
.Ltmp3:
0x3c: {  	(pc) =	sbr.rel @p1 .LBB2_8-.Ltmp3, $2  }
0x3d: {  	_ =	sdelay $0x2  }
0x3e: {  	s17 =	sshra.s32 s16, $0x2;
	s16 =	sadd.s32 $0x40, s16;
	[tilespmem:v5+s11+$0x0] =	vst.idx.add.f32.msk $0xffff, v4  }
0x3f: {  	v5 =	vld [tilespmem:s17+$0x0];
	_ =	sdelay $0x7  }
0x40: {  	[tilespmem:v5+s11+$0x0] =	vst.idx.add.f32.msk $0xffff, v4  }
0x41: {  	v5 =	vld [tilespmem:$0x3E0];
	_ =	sdelay $0x7  }
0x42: {  	s16 =	simm.s32 $0x0;
	[tilespmem:v5+s11+$0x0] =	vst.idx.add.f32.msk $0xff, v4  }
0x43: {  	[tilespmem:s16], [sflag:$0x1] =	stream.linear.gather [hbm4b:s8+s16], $0x3E8, $0x38;
	[tilespmem:$0x6720] =	vst v63  }
0x44: {  	_ =	swait.ge [sflag:s10], $0x3E8  }
0x45: {  	[sflag:s10] =	ssyncset.done $0x0  }
0x46: {  	s17 =	simm.s32 $0x0;
	s16 =	simm.s32 $0x40;
	[sflag:s10] =	ssyncadd.s32 $0xFFFFFC18  }
.LBB2_10:
0x47: {  	p1 =	sne.s32 s16, $0xF40;
	v5 =	vld [tilespmem:s17+$0x0];
	_ =	sdelay $0x3  }
.Ltmp4:
0x48: {  	(pc) =	sbr.rel @p1 .LBB2_10-.Ltmp4, $2  }
0x49: {  	_ =	sdelay $0x2  }
0x4a: {  	s17 =	sshra.s32 s16, $0x2;
	s16 =	sadd.s32 $0x40, s16;
	[tilespmem:v5+s11+$0x0] =	vst.idx.add.f32.msk $0xffff, v4  }
0x4b: {  	v5 =	vld [tilespmem:s17+$0x0];
	_ =	sdelay $0x7  }
0x4c: {  	[tilespmem:v5+s11+$0x0] =	vst.idx.add.f32.msk $0xffff, v4  }
0x4d: {  	v5 =	vld [tilespmem:$0x3E0];
	_ =	sdelay $0x7  }
0x4e: {  	s16 =	simm.s32 $0x0;
	[tilespmem:v5+s11+$0x0] =	vst.idx.add.f32.msk $0xff, v4  }
0x4f: {  	[tilespmem:s16], [sflag:$0x1] =	stream.linear.gather [hbm4b:s9+s16], $0x3E8, $0x38;
	[tilespmem:$0x6720] =	vst v63  }
0x50: {  	_ =	swait.ge [sflag:s10], $0x3E8  }
0x51: {  	[sflag:s10] =	ssyncset.done $0x0  }
0x52: {  	s17 =	simm.s32 $0x0;
	s16 =	simm.s32 $0x40;
	[sflag:s10] =	ssyncadd.s32 $0xFFFFFC18  }
.LBB2_12:
0x53: {  	p1 =	sne.s32 s16, $0xF40;
	v5 =	vld [tilespmem:s17+$0x0];
	_ =	sdelay $0x3  }
.Ltmp5:
0x54: {  	(pc) =	sbr.rel @p1 .LBB2_12-.Ltmp5, $2  }
0x55: {  	_ =	sdelay $0x2  }
0x56: {  	s17 =	sshra.s32 s16, $0x2;
	s16 =	sadd.s32 $0x40, s16;
	[tilespmem:v5+s11+$0x0] =	vst.idx.add.f32.msk $0xffff, v4  }
0x57: {  	v5 =	vld [tilespmem:s17+$0x0];
	_ =	sdelay $0x7  }
0x58: {  	[tilespmem:v5+s11+$0x0] =	vst.idx.add.f32.msk $0xffff, v4  }
0x59: {  	v5 =	vld [tilespmem:$0x3E0];
	_ =	sdelay $0x6  }
0x5a: {  	s16 =	simm.s32 $0x3F0  }
0x5b: {  	[tilespmem:v5+s16+$0x0] =	vst.idx.add.f32.msk $0xff, v4  }
0x5c: {  	v5 =	vld [tilespmem:s16+$0x0];
	_ =	sdelay $0x1  }
0x5d: {  	s18 =	simm.s32 $0x0  }
0x5e: {  	s17 =	simm.s32 $0x10;
	s18 =	sand.u32 $0x3FF0, s18  }
.LBB2_14:
0x5f: {  	p1 =	sne.s32 s17, $0x2FF0  }
0x60: {  	[tilespmem:s18+$0x33F0] =	vst v5;
	s16 =	sadd.s32 $0x10, s16;
	s18 =	smov.u32 s17;
	s17 =	sadd.s32 $0x10, s17  }
.Ltmp6:
0x61: {  	v5 =	vld [tilespmem:s16+$0x0];
	(pc) =	sbr.rel @p1 .LBB2_14-.Ltmp6, $2  }
0x62: {  	_ =	sdelay $0x2  }
0x63: {  	s18 =	sand.u32 $0x3FF0, s18  }
0x64: {  	[tilespmem:s18+$0x33F0] =	vst v5  }
0x65: {  	[spmem:s1] =	stream.indirect.scatter.add.f32 [tilespmem:s14], [sflag:$0x1], $0x100, s13, s12, $0xb8;
	[tilespmem:$0x6720] =	vst v63  }
0x66: {  	_ =	swait.ge [sflag:s10], $0x3000  }
0x67: {  	[sflag:s10] =	ssyncset.done $0x0  }
0x68: {  	s16 =	sshrl.u32 @!p0 s1, $0x3;
	s15 =	sadd.s32 $0x1, s15;
	[sflag:s10] =	ssyncadd.s32 $0xFFFFD000  }
0x69: {  	s17 =	simm.s32 @!p0 $0x1C01;
	p1 =	sne.s32 s15, s4;
	[bflag:$0x0] =	sbarrier.arrive $0xFFFF  }
0x6a: {  	[hbm:s3], [sflag:s17] =	dma.local @!p0 [spmem:s16], $0x600  }
.Ltmp7:
0x6b: {  	_ = 	snop;
	(pc) =	sbr.rel @p1 .LBB2_1-.Ltmp7, $4  }
0x6c: {  	s16 =	simm.s32 @!p0 $0x1  }
0x6d: {  	_ =	swait.ge @!p0 [sflag:s16], $0x600  }
0x6e: {  	[sflag:s16] =	ssyncset.done @!p0 $0x0  }
0x6f: {  	[sflag:s16] =	ssyncadd.s32 @!p0 $0xFFFFFA00  }
0x70: {  	_ =	sfence.sel $0x180000  }
0x71: {  	[bflag:$0x0] =	sbarrier.arrive $0xFFFF  }
0x72: {  	_ =	strace $0x90000047  }
0x73: {  	s0 =	sadd.s32 @!p0 $0x100000, s0;
	[bflag:$0x2] =	sbarrier.arrive $0xFFFF  }
0x74: {  	[sflag:s0] =	ssyncadd.tile.s32 @!p0 $0x1;
	_ =	shalt  }
.Lfunc_end2:
_tile_overlayer_lowered:
.L_overlay_start_2:
0x75: {  	(tag) =	ssettag $0x2  }
0x76: {  	s0 =	rddreg [dreg:$0x0];
	s2 =	stileid.u32  }
0x77: {  	s1 =	rddreg [dreg:$0x1];
	p0 =	sne.s32 s2, $0x0  }
0x78: {  	s3 =	rddreg [dreg:$0x2];
	[bflag:$0x3] =	sbarrier.arrive $0xFFFF;
	s2 =	simm.s32 @!p0 $0x1C01  }
0x79: {  	[timem:s3], [sflag:s2] =	dma.local @!p0 [hbm:s0], s1  }
0x7a: {  	s0 =	simm.s32 @!p0 $0x1  }
0x7b: {  	_ =	swait.ge @!p0 [sflag:s0], s1  }
0x7c: {  	s1 =	ssub.s32 @!p0 $0x0, s1;
	[sflag:s0] =	ssyncset.done @!p0 $0x0  }
0x7d: {  	[sflag:s0] =	ssyncadd.s32 @!p0 s1  }
0x7e: {  	[bflag:$0x3] =	sbarrier.arrive $0xFFFF  }
0x7f: {  	_ =	shalt  }

</sc_bundles>
